<compile_context>
chip_gen: v7x
topology: tpu7x:2x2x1
jax: 0.10.2.dev20260603
libtpu: 0.0.44.dev20260713+nightly
codegen_flags: <defaults>
</compile_context>

<pallas_src>
import functools

import jax
import jax.numpy as jnp
from jax import lax
from jax.experimental import pallas as pl
from jax.experimental.pallas import tpu as pltpu
from jax.experimental.pallas import tpu_sc as plsc

D = 32
H = 50
RC = 16
RCP = RC + 1
NBUF = 2


@functools.lru_cache(maxsize=None)
def _make_gather(BS, V):
    info = plsc.get_sparse_core_info()
    NC, NS = info.num_cores, info.num_subcores
    NW = NC * NS
    rows_per_w = BS // NW
    nchunk = rows_per_w // RC
    assert rows_per_w % RC == 0

    mesh = plsc.VectorSubcoreMesh(core_axis_name="c", subcore_axis_name="s")

    @functools.partial(
        pl.kernel,
        mesh=mesh,
        out_type=jax.ShapeDtypeStruct((H, D, BS), jnp.float32),
        scratch_types=[
            *[pltpu.VMEM((RC, H), jnp.int32) for _ in range(NBUF)],
            *[pltpu.VMEM((RC * H, D), jnp.float32) for _ in range(NBUF)],
            *[pltpu.VMEM((H, D, RCP), jnp.float32) for _ in range(NBUF)],
            *[pltpu.SemaphoreType.DMA for _ in range(3 * NBUF)],
        ],
        compiler_params=pltpu.CompilerParams(use_tc_tiling_on_sc=False,
                                             needs_layout_passes=False),
    )
    def gather_kernel(ids_hbm, table_hbm, out_hbm, *scratch):
        idx = scratch[:NBUF]
        rows = scratch[NBUF:2 * NBUF]
        tbuf = scratch[2 * NBUF:3 * NBUF]
        sem_i = scratch[3 * NBUF:4 * NBUF]
        sem_g = scratch[4 * NBUF:5 * NBUF]
        sem_w = scratch[5 * NBUF:]
        wid = lax.axis_index("s") * NC + lax.axis_index("c")
        base = wid * rows_per_w

        def start_idx(g, b):
            pltpu.async_copy(
                ids_hbm.at[pl.ds(pl.multiple_of(base + g * RC, 8), RC), :],
                idx[b], sem_i[b])

        def wait_idx(b):
            pltpu.make_async_copy(ids_hbm.at[pl.ds(0, RC), :], idx[b],
                                  sem_i[b]).wait()

        def start_gathers(b):
            for r in range(RC):
                pltpu.async_copy(table_hbm.at[idx[b].at[r]],
                                 rows[b].at[pl.ds(r * H, H)], sem_g[b])

        def wait_gathers(b):
            pltpu.make_async_copy(table_hbm.at[pl.ds(0, RC * H)], rows[b],
                                  sem_g[b]).wait()

        iota = lax.iota(jnp.int32, RC)
        d_vecs = [d0 + iota for d0 in range(0, D, RC)]
        r_vecs = [jnp.full((RC,), r, jnp.int32) for r in range(RC)]

        def transpose(b):
            @plsc.parallel_loop(0, H, unroll=2)
            def hbody(h):
                h_vec = jnp.full((RC,), 0, jnp.int32) + h
                for r in range(RC):
                    for k in range(D // RC):
                        v = rows[b][r * H + h, pl.ds(k * RC, RC)]
                        plsc.store_scatter(
                            tbuf[b], [h_vec, d_vecs[k], r_vecs[r]], v)

        def start_writeback(g, b):
            pltpu.make_async_copy(
                tbuf[b].at[:, :, pl.ds(0, RC)],
                out_hbm.at[:, :, pl.ds(base + g * RC, RC)],
                sem_w[b]).start()

        def wait_writeback(b):
            pltpu.make_async_copy(
                tbuf[b].at[:, :, pl.ds(0, RC)],
                out_hbm.at[:, :, pl.ds(0, RC)], sem_w[b]).wait()

        start_idx(0, 0)

        def body(s, carry):
            for b in range(NBUF):
                g = s * NBUF + b
                bn = (b + 1) % NBUF

                @pl.when(g < nchunk)
                def _():
                    wait_idx(b)
                    start_gathers(b)

                @pl.when(g + 1 < nchunk)
                def _():
                    start_idx(g + 1, bn)

                @pl.when((g >= 1) & (g <= nchunk))
                def _():
                    wait_gathers(bn)

                    @pl.when(g >= 1 + NBUF)
                    def _():
                        wait_writeback(bn)

                    transpose(bn)
                    start_writeback(g - 1, bn)
            return carry

        lax.fori_loop(0, (nchunk + 2) // NBUF, body, 0)

        for b in range(NBUF):
            wait_writeback(b)

    return gather_kernel


def kernel(ids, table):
    bsz, _ = ids.shape
    out3 = _make_gather(bsz, table.shape[0])(ids.astype(jnp.int32), table)
    return jnp.transpose(out3, (2, 0, 1))

# --- scband reference (transcript-rebuilt; emitter-appended) ---
"""Pipeline reference for scband-embedding-47184510713911 (READ-ONLY COPY).

The authoritative reference and input builder live on the scoring server;
editing this copy changes nothing except your own understanding.
"""

import jax, jax.numpy as jnp
import numpy as np

VOCAB = 1000000
NUM_SPECIAL = 4
EMBED_DIM = 32
BATCH = 16384
HIST = 50


def setup_inputs(seed: int = 0) -> dict:
    key = jax.random.key(seed)
    k_ids, k_w = jax.random.split(key)
    ids = jax.random.randint(k_ids, (BATCH, HIST), 0, VOCAB + NUM_SPECIAL, dtype=jnp.int64 if jax.config.jax_enable_x64 else jnp.int32)
    table = jax.random.normal(k_w, (VOCAB + NUM_SPECIAL, EMBED_DIM), dtype=jnp.float32)
    return {"ids": ids, "table": table}


def reference(ids, table):
    # Faithful translation of nn.Embedding forward: row gather from the table.
    return jnp.take(table, ids, axis=0)

if __name__ == "__main__":
    import jax
    _d = setup_inputs()
    print(jax.jit(kernel)(*tuple(_d.values())))

</pallas_src>

<mosaic_0001>
#map = affine_map<(d0, d1) -> (0, 0)>
#map1 = affine_map<(d0, d1) -> (0, 0, 0)>
module attributes {stable_mosaic.version = 14 : i64} {
  func.func @gather_kernel(%arg0: i32, %arg1: i32, %arg2: memref<16384x50xi32, #tpu.memory_space<hbm>>, %arg3: memref<1000004x32xf32, #tpu.memory_space<hbm>>, %arg4: memref<50x32x16384xf32, #tpu.memory_space<hbm>>, %arg5: memref<16x50xi32, #tpu.memory_space<vmem>>, %arg6: memref<16x50xi32, #tpu.memory_space<vmem>>, %arg7: memref<800x32xf32, #tpu.memory_space<vmem>>, %arg8: memref<800x32xf32, #tpu.memory_space<vmem>>, %arg9: memref<50x32x17xf32, #tpu.memory_space<vmem>>, %arg10: memref<50x32x17xf32, #tpu.memory_space<vmem>>, %arg11: memref<!tpu.dma_semaphore, #tpu.memory_space<semaphore_mem>>, %arg12: memref<!tpu.dma_semaphore, #tpu.memory_space<semaphore_mem>>, %arg13: memref<!tpu.dma_semaphore, #tpu.memory_space<semaphore_mem>>, %arg14: memref<!tpu.dma_semaphore, #tpu.memory_space<semaphore_mem>>, %arg15: memref<!tpu.dma_semaphore, #tpu.memory_space<semaphore_mem>>, %arg16: memref<!tpu.dma_semaphore, #tpu.memory_space<semaphore_mem>>) attributes {dimension_semantics = [#tpu.dimension_semantics<core_parallel>, #tpu.dimension_semantics<subcore_parallel>], iteration_bounds = array<i64: 2, 16>, scalar_prefetch = 0 : i64, scratch_operands = 12 : i64, tpu.core_type = #tpu.core_type<sc_vector_subcore>, window_params = [{transform_indices = #map}, {transform_indices = #map}, {transform_indices = #map1}]} {
    %mul3A = arith.constant 2 : i32
    %mul3A_0 = arith.muli %arg1, %mul3A : i32
    %add3A = arith.addi %mul3A_0, %arg0 : i32
    %mul3A_1 = arith.constant 512 : i32
    %mul3A_2 = arith.muli %add3A, %mul3A_1 : i32
    %iota3A = tpu.iota {dimensions = array<i32: 0>} : vector<16xi32>
    %add3A_3 = arith.constant 0 : i32
    %add3A_4 = vector.broadcast %add3A_3 : i32 to vector<16xi32>
    %add3A_5 = arith.addi %add3A_4, %iota3A : vector<16xi32>
    %add3A_6 = arith.constant 16 : i32
    %add3A_7 = vector.broadcast %add3A_6 : i32 to vector<16xi32>
    %add3A_8 = arith.addi %add3A_7, %iota3A : vector<16xi32>
    %broadcast_in_dim3A = arith.constant 0 : i32
    %broadcast_in_dim3A_9 = vector.broadcast %broadcast_in_dim3A : i32 to vector<16xi32>
    %broadcast_in_dim3A_10 = arith.constant 1 : i32
    %broadcast_in_dim3A_11 = vector.broadcast %broadcast_in_dim3A_10 : i32 to vector<16xi32>
    %broadcast_in_dim3A_12 = arith.constant 2 : i32
    %broadcast_in_dim3A_13 = vector.broadcast %broadcast_in_dim3A_12 : i32 to vector<16xi32>
    %broadcast_in_dim3A_14 = arith.constant 3 : i32
    %broadcast_in_dim3A_15 = vector.broadcast %broadcast_in_dim3A_14 : i32 to vector<16xi32>
    %broadcast_in_dim3A_16 = arith.constant 4 : i32
    %broadcast_in_dim3A_17 = vector.broadcast %broadcast_in_dim3A_16 : i32 to vector<16xi32>
    %broadcast_in_dim3A_18 = arith.constant 5 : i32
    %broadcast_in_dim3A_19 = vector.broadcast %broadcast_in_dim3A_18 : i32 to vector<16xi32>
    %broadcast_in_dim3A_20 = arith.constant 6 : i32
    %broadcast_in_dim3A_21 = vector.broadcast %broadcast_in_dim3A_20 : i32 to vector<16xi32>
    %broadcast_in_dim3A_22 = arith.constant 7 : i32
    %broadcast_in_dim3A_23 = vector.broadcast %broadcast_in_dim3A_22 : i32 to vector<16xi32>
    %broadcast_in_dim3A_24 = arith.constant 8 : i32
    %broadcast_in_dim3A_25 = vector.broadcast %broadcast_in_dim3A_24 : i32 to vector<16xi32>
    %broadcast_in_dim3A_26 = arith.constant 9 : i32
    %broadcast_in_dim3A_27 = vector.broadcast %broadcast_in_dim3A_26 : i32 to vector<16xi32>
    %broadcast_in_dim3A_28 = arith.constant 10 : i32
    %broadcast_in_dim3A_29 = vector.broadcast %broadcast_in_dim3A_28 : i32 to vector<16xi32>
    %broadcast_in_dim3A_30 = arith.constant 11 : i32
    %broadcast_in_dim3A_31 = vector.broadcast %broadcast_in_dim3A_30 : i32 to vector<16xi32>
    %broadcast_in_dim3A_32 = arith.constant 12 : i32
    %broadcast_in_dim3A_33 = vector.broadcast %broadcast_in_dim3A_32 : i32 to vector<16xi32>
    %broadcast_in_dim3A_34 = arith.constant 13 : i32
    %broadcast_in_dim3A_35 = vector.broadcast %broadcast_in_dim3A_34 : i32 to vector<16xi32>
    %broadcast_in_dim3A_36 = arith.constant 14 : i32
    %broadcast_in_dim3A_37 = vector.broadcast %broadcast_in_dim3A_36 : i32 to vector<16xi32>
    %broadcast_in_dim3A_38 = arith.constant 15 : i32
    %broadcast_in_dim3A_39 = vector.broadcast %broadcast_in_dim3A_38 : i32 to vector<16xi32>
    %add3A_40 = arith.constant 0 : i32
    %add3A_41 = arith.addi %mul3A_2, %add3A_40 : i32
    %multiple_of3A = tpu.assume_multiple %add3A_41, 8 : i32
    %dma_start3A = arith.constant 0 : i32
    %dma_start3A_42 = tpu.memref_slice %arg2[%multiple_of3A, %dma_start3A] : memref<16384x50xi32, #tpu.memory_space<hbm>> -> memref<16x50xi32, #tpu.memory_space<hbm>>
    %dma_start3A_43 = arith.constant 0 : i32
    %dma_start3A_44 = tpu.memref_slice %arg2[%multiple_of3A, %dma_start3A_43] : memref<16384x50xi32, #tpu.memory_space<hbm>> -> memref<16x50xi32, #tpu.memory_space<hbm>>
    tpu.enqueue_dma source(%dma_start3A_44 : memref<16x50xi32, #tpu.memory_space<hbm>>) target(%arg5 : memref<16x50xi32, #tpu.memory_space<vmem>>) target_semaphore(%arg11 : memref<!tpu.dma_semaphore, #tpu.memory_space<semaphore_mem>>)
    %scan3A = arith.constant 0 : i32
    %scan3A_45 = arith.constant 0 : i32
    %scan3A_46 = arith.constant 17 : i32
    %scan3A_47 = arith.addi %scan3A_45, %scan3A_46 : i32
    %scan3A_48 = arith.constant 1 : i32
    scf.for %scan3A_81 = %scan3A_45 to %scan3A_47 step %scan3A_48  : i32 {
      %mul3A_82 = arith.constant 2 : i32
      %mul3A_83 = arith.muli %scan3A_81, %mul3A_82 : i32
      %add3A_84 = arith.constant 0 : i32
      %add3A_85 = arith.addi %mul3A_83, %add3A_84 : i32
      %lt3A = arith.constant 32 : i32
      %lt3A_86 = arith.cmpi slt, %add3A_85, %lt3A : i32
      %convert_element_type3A = arith.extui %lt3A_86 : i1 to i32
      %cond3A = arith.constant 0 : i32
      %cond3A_87 = arith.cmpi ne, %convert_element_type3A, %cond3A : i32
      scf.if %cond3A_87 {
        %dma_wait3A_124 = arith.constant 0 : i32
        %dma_wait3A_125 = arith.constant 0 : i32
        %dma_wait3A_126 = tpu.memref_slice %arg2[%dma_wait3A_124, %dma_wait3A_125] : memref<16384x50xi32, #tpu.memory_space<hbm>> -> memref<16x50xi32, #tpu.memory_space<hbm>>
        %dma_wait3A_127 = arith.constant 0 : i32
        %dma_wait3A_128 = arith.constant 0 : i32
        %dma_wait3A_129 = tpu.memref_slice %arg2[%dma_wait3A_127, %dma_wait3A_128] : memref<16384x50xi32, #tpu.memory_space<hbm>> -> memref<16x50xi32, #tpu.memory_space<hbm>>
        tpu.wait_dma2 semaphore(%arg11 : memref<!tpu.dma_semaphore, #tpu.memory_space<semaphore_mem>>) src(%dma_wait3A_129 : memref<16x50xi32, #tpu.memory_space<hbm>>) dst(%arg5 : memref<16x50xi32, #tpu.memory_space<vmem>>)
        %dma_start3A_130 = arith.constant 0 : i32
        %dma_start3A_131 = arith.constant 0 : i32
        %dma_start3A_132 = arith.constant 0 : i32
        %dma_start3A_133 = tpu.memref_slice %arg7[%dma_start3A_131, %dma_start3A_132] : memref<800x32xf32, #tpu.memory_space<vmem>> -> memref<50x32xf32, #tpu.memory_space<vmem>>
        %dma_start3A_134 = arith.constant 0 : i32
        %dma_start3A_135 = tpu.memref_slice %arg5[%dma_start3A_130, %dma_start3A_134] : memref<16x50xi32, #tpu.memory_space<vmem>> -> memref<1x50xi32, #tpu.memory_space<vmem>>
        %dma_start3A_136 = tpu.memref_squeeze %dma_start3A_135 : memref<1x50xi32, #tpu.memory_space<vmem>> -> memref<50xi32, #tpu.memory_space<vmem>>
        %dma_start3A_137 = arith.constant 0 : i32
        %dma_start3A_138 = arith.constant 0 : i32
        %dma_start3A_139 = tpu.memref_slice %arg3[%dma_start3A_137, %dma_start3A_138] : memref<1000004x32xf32, #tpu.memory_space<hbm>> -> memref<1000004x32xf32, #tpu.memory_space<hbm>>
        tpu.enqueue_indirect_dma source(%dma_start3A_139 : memref<1000004x32xf32, #tpu.memory_space<hbm>>) target(%dma_start3A_133 : memref<50x32xf32, #tpu.memory_space<vmem>>) offsets(%dma_start3A_136 : memref<50xi32, #tpu.memory_space<vmem>>) semaphore(%arg13 : memref<!tpu.dma_semaphore, #tpu.memory_space<semaphore_mem>>)
        %dma_start3A_140 = arith.constant 1 : i32
        %dma_start3A_141 = arith.constant 50 : i32
        %dma_start3A_142 = arith.constant 0 : i32
        %dma_start3A_143 = tpu.memref_slice %arg7[%dma_start3A_141, %dma_start3A_142] : memref<800x32xf32, #tpu.memory_space<vmem>> -> memref<50x32xf32, #tpu.memory_space<vmem>>
        %dma_start3A_144 = arith.constant 0 : i32
        %dma_start3A_145 = tpu.memref_slice %arg5[%dma_start3A_140, %dma_start3A_144] : memref<16x50xi32, #tpu.memory_space<vmem>> -> memref<1x50xi32, #tpu.memory_space<vmem>>
        %dma_start3A_146 = tpu.memref_squeeze %dma_start3A_145 : memref<1x50xi32, #tpu.memory_space<vmem>> -> memref<50xi32, #tpu.memory_space<vmem>>
        %dma_start3A_147 = arith.constant 0 : i32
        %dma_start3A_148 = arith.constant 0 : i32
        %dma_start3A_149 = tpu.memref_slice %arg3[%dma_start3A_147, %dma_start3A_148] : memref<1000004x32xf32, #tpu.memory_space<hbm>> -> memref<1000004x32xf32, #tpu.memory_space<hbm>>
        tpu.enqueue_indirect_dma source(%dma_start3A_149 : memref<1000004x32xf32, #tpu.memory_space<hbm>>) target(%dma_start3A_143 : memref<50x32xf32, #tpu.memory_space<vmem>>) offsets(%dma_start3A_146 : memref<50xi32, #tpu.memory_space<vmem>>) semaphore(%arg13 : memref<!tpu.dma_semaphore, #tpu.memory_space<semaphore_mem>>)
        %dma_start3A_150 = arith.constant 2 : i32
        %dma_start3A_151 = arith.constant 100 : i32
        %dma_start3A_152 = arith.constant 0 : i32
        %dma_start3A_153 = tpu.memref_slice %arg7[%dma_start3A_151, %dma_start3A_152] : memref<800x32xf32, #tpu.memory_space<vmem>> -> memref<50x32xf32, #tpu.memory_space<vmem>>
        %dma_start3A_154 = arith.constant 0 : i32
        %dma_start3A_155 = tpu.memref_slice %arg5[%dma_start3A_150, %dma_start3A_154] : memref<16x50xi32, #tpu.memory_space<vmem>> -> memref<1x50xi32, #tpu.memory_space<vmem>>
        %dma_start3A_156 = tpu.memref_squeeze %dma_start3A_155 : memref<1x50xi32, #tpu.memory_space<vmem>> -> memref<50xi32, #tpu.memory_space<vmem>>
        %dma_start3A_157 = arith.constant 0 : i32
        %dma_start3A_158 = arith.constant 0 : i32
        %dma_start3A_159 = tpu.memref_slice %arg3[%dma_start3A_157, %dma_start3A_158] : memref<1000004x32xf32, #tpu.memory_space<hbm>> -> memref<1000004x32xf32, #tpu.memory_space<hbm>>
        tpu.enqueue_indirect_dma source(%dma_start3A_159 : memref<1000004x32xf32, #tpu.memory_space<hbm>>) target(%dma_start3A_153 : memref<50x32xf32, #tpu.memory_space<vmem>>) offsets(%dma_start3A_156 : memref<50xi32, #tpu.memory_space<vmem>>) semaphore(%arg13 : memref<!tpu.dma_semaphore, #tpu.memory_space<semaphore_mem>>)
        %dma_start3A_160 = arith.constant 3 : i32
        %dma_start3A_161 = arith.constant 150 : i32
        %dma_start3A_162 = arith.constant 0 : i32
        %dma_start3A_163 = tpu.memref_slice %arg7[%dma_start3A_161, %dma_start3A_162] : memref<800x32xf32, #tpu.memory_space<vmem>> -> memref<50x32xf32, #tpu.memory_space<vmem>>
        %dma_start3A_164 = arith.constant 0 : i32
        %dma_start3A_165 = tpu.memref_slice %arg5[%dma_start3A_160, %dma_start3A_164] : memref<16x50xi32, #tpu.memory_space<vmem>> -> memref<1x50xi32, #tpu.memory_space<vmem>>
        %dma_start3A_166 = tpu.memref_squeeze %dma_start3A_165 : memref<1x50xi32, #tpu.memory_space<vmem>> -> memref<50xi32, #tpu.memory_space<vmem>>
        %dma_start3A_167 = arith.constant 0 : i32
        %dma_start3A_168 = arith.constant 0 : i32
        %dma_start3A_169 = tpu.memref_slice %arg3[%dma_start3A_167, %dma_start3A_168] : memref<1000004x32xf32, #tpu.memory_space<hbm>> -> memref<1000004x32xf32, #tpu.memory_space<hbm>>
        tpu.enqueue_indirect_dma source(%dma_start3A_169 : memref<1000004x32xf32, #tpu.memory_space<hbm>>) target(%dma_start3A_163 : memref<50x32xf32, #tpu.memory_space<vmem>>) offsets(%dma_start3A_166 : memref<50xi32, #tpu.memory_space<vmem>>) semaphore(%arg13 : memref<!tpu.dma_semaphore, #tpu.memory_space<semaphore_mem>>)
        %dma_start3A_170 = arith.constant 4 : i32
        %dma_start3A_171 = arith.constant 200 : i32
        %dma_start3A_172 = arith.constant 0 : i32
        %dma_start3A_173 = tpu.memref_slice %arg7[%dma_start3A_171, %dma_start3A_172] : memref<800x32xf32, #tpu.memory_space<vmem>> -> memref<50x32xf32, #tpu.memory_space<vmem>>
        %dma_start3A_174 = arith.constant 0 : i32
        %dma_start3A_175 = tpu.memref_slice %arg5[%dma_start3A_170, %dma_start3A_174] : memref<16x50xi32, #tpu.memory_space<vmem>> -> memref<1x50xi32, #tpu.memory_space<vmem>>
        %dma_start3A_176 = tpu.memref_squeeze %dma_start3A_175 : memref<1x50xi32, #tpu.memory_space<vmem>> -> memref<50xi32, #tpu.memory_space<vmem>>
        %dma_start3A_177 = arith.constant 0 : i32
        %dma_start3A_178 = arith.constant 0 : i32
        %dma_start3A_179 = tpu.memref_slice %arg3[%dma_start3A_177, %dma_start3A_178] : memref<1000004x32xf32, #tpu.memory_space<hbm>> -> memref<1000004x32xf32, #tpu.memory_space<hbm>>
        tpu.enqueue_indirect_dma source(%dma_start3A_179 : memref<1000004x32xf32, #tpu.memory_space<hbm>>) target(%dma_start3A_173 : memref<50x32xf32, #tpu.memory_space<vmem>>) offsets(%dma_start3A_176 : memref<50xi32, #tpu.memory_space<vmem>>) semaphore(%arg13 : memref<!tpu.dma_semaphore, #tpu.memory_space<semaphore_mem>>)
        %dma_start3A_180 = arith.constant 5 : i32
        %dma_start3A_181 = arith.constant 250 : i32
        %dma_start3A_182 = arith.constant 0 : i32
        %dma_start3A_183 = tpu.memref_slice %arg7[%dma_start3A_181, %dma_start3A_182] : memref<800x32xf32, #tpu.memory_space<vmem>> -> memref<50x32xf32, #tpu.memory_space<vmem>>
        %dma_start3A_184 = arith.constant 0 : i32
        %dma_start3A_185 = tpu.memref_slice %arg5[%dma_start3A_180, %dma_start3A_184] : memref<16x50xi32, #tpu.memory_space<vmem>> -> memref<1x50xi32, #tpu.memory_space<vmem>>
        %dma_start3A_186 = tpu.memref_squeeze %dma_start3A_185 : memref<1x50xi32, #tpu.memory_space<vmem>> -> memref<50xi32, #tpu.memory_space<vmem>>
        %dma_start3A_187 = arith.constant 0 : i32
        %dma_start3A_188 = arith.constant 0 : i32
        %dma_start3A_189 = tpu.memref_slice %arg3[%dma_start3A_187, %dma_start3A_188] : memref<1000004x32xf32, #tpu.memory_space<hbm>> -> memref<1000004x32xf32, #tpu.memory_space<hbm>>
        tpu.enqueue_indirect_dma source(%dma_start3A_189 : memref<1000004x32xf32, #tpu.memory_space<hbm>>) target(%dma_start3A_183 : memref<50x32xf32, #tpu.memory_space<vmem>>) offsets(%dma_start3A_186 : memref<50xi32, #tpu.memory_space<vmem>>) semaphore(%arg13 : memref<!tpu.dma_semaphore, #tpu.memory_space<semaphore_mem>>)
        %dma_start3A_190 = arith.constant 6 : i32
        %dma_start3A_191 = arith.constant 300 : i32
        %dma_start3A_192 = arith.constant 0 : i32
        %dma_start3A_193 = tpu.memref_slice %arg7[%dma_start3A_191, %dma_start3A_192] : memref<800x32xf32, #tpu.memory_space<vmem>> -> memref<50x32xf32, #tpu.memory_space<vmem>>
        %dma_start3A_194 = arith.constant 0 : i32
        %dma_start3A_195 = tpu.memref_slice %arg5[%dma_start3A_190, %dma_start3A_194] : memref<16x50xi32, #tpu.memory_space<vmem>> -> memref<1x50xi32, #tpu.memory_space<vmem>>
        %dma_start3A_196 = tpu.memref_squeeze %dma_start3A_195 : memref<1x50xi32, #tpu.memory_space<vmem>> -> memref<50xi32, #tpu.memory_space<vmem>>
        %dma_start3A_197 = arith.constant 0 : i32
        %dma_start3A_198 = arith.constant 0 : i32
        %dma_start3A_199 = tpu.memref_slice %arg3[%dma_start3A_197, %dma_start3A_198] : memref<1000004x32xf32, #tpu.memory_space<hbm>> -> memref<1000004x32xf32, #tpu.memory_space<hbm>>
        tpu.enqueue_indirect_dma source(%dma_start3A_199 : memref<1000004x32xf32, #tpu.memory_space<hbm>>) target(%dma_start3A_193 : memref<50x32xf32, #tpu.memory_space<vmem>>) offsets(%dma_start3A_196 : memref<50xi32, #tpu.memory_space<vmem>>) semaphore(%arg13 : memref<!tpu.dma_semaphore, #tpu.memory_space<semaphore_mem>>)
        %dma_start3A_200 = arith.constant 7 : i32
        %dma_start3A_201 = arith.constant 350 : i32
        %dma_start3A_202 = arith.constant 0 : i32
        %dma_start3A_203 = tpu.memref_slice %arg7[%dma_start3A_201, %dma_start3A_202] : memref<800x32xf32, #tpu.memory_space<vmem>> -> memref<50x32xf32, #tpu.memory_space<vmem>>
        %dma_start3A_204 = arith.constant 0 : i32
        %dma_start3A_205 = tpu.memref_slice %arg5[%dma_start3A_200, %dma_start3A_204] : memref<16x50xi32, #tpu.memory_space<vmem>> -> memref<1x50xi32, #tpu.memory_space<vmem>>
        %dma_start3A_206 = tpu.memref_squeeze %dma_start3A_205 : memref<1x50xi32, #tpu.memory_space<vmem>> -> memref<50xi32, #tpu.memory_space<vmem>>
        %dma_start3A_207 = arith.constant 0 : i32
        %dma_start3A_208 = arith.constant 0 : i32
        %dma_start3A_209 = tpu.memref_slice %arg3[%dma_start3A_207, %dma_start3A_208] : memref<1000004x32xf32, #tpu.memory_space<hbm>> -> memref<1000004x32xf32, #tpu.memory_space<hbm>>
        tpu.enqueue_indirect_dma source(%dma_start3A_209 : memref<1000004x32xf32, #tpu.memory_space<hbm>>) target(%dma_start3A_203 : memref<50x32xf32, #tpu.memory_space<vmem>>) offsets(%dma_start3A_206 : memref<50xi32, #tpu.memory_space<vmem>>) semaphore(%arg13 : memref<!tpu.dma_semaphore, #tpu.memory_space<semaphore_mem>>)
        %dma_start3A_210 = arith.constant 8 : i32
        %dma_start3A_211 = arith.constant 400 : i32
        %dma_start3A_212 = arith.constant 0 : i32
        %dma_start3A_213 = tpu.memref_slice %arg7[%dma_start3A_211, %dma_start3A_212] : memref<800x32xf32, #tpu.memory_space<vmem>> -> memref<50x32xf32, #tpu.memory_space<vmem>>
        %dma_start3A_214 = arith.constant 0 : i32
        %dma_start3A_215 = tpu.memref_slice %arg5[%dma_start3A_210, %dma_start3A_214] : memref<16x50xi32, #tpu.memory_space<vmem>> -> memref<1x50xi32, #tpu.memory_space<vmem>>
        %dma_start3A_216 = tpu.memref_squeeze %dma_start3A_215 : memref<1x50xi32, #tpu.memory_space<vmem>> -> memref<50xi32, #tpu.memory_space<vmem>>
        %dma_start3A_217 = arith.constant 0 : i32
        %dma_start3A_218 = arith.constant 0 : i32
        %dma_start3A_219 = tpu.memref_slice %arg3[%dma_start3A_217, %dma_start3A_218] : memref<1000004x32xf32, #tpu.memory_space<hbm>> -> memref<1000004x32xf32, #tpu.memory_space<hbm>>
        tpu.enqueue_indirect_dma source(%dma_start3A_219 : memref<1000004x32xf32, #tpu.memory_space<hbm>>) target(%dma_start3A_213 : memref<50x32xf32, #tpu.memory_space<vmem>>) offsets(%dma_start3A_216 : memref<50xi32, #tpu.memory_space<vmem>>) semaphore(%arg13 : memref<!tpu.dma_semaphore, #tpu.memory_space<semaphore_mem>>)
        %dma_start3A_220 = arith.constant 9 : i32
        %dma_start3A_221 = arith.constant 450 : i32
        %dma_start3A_222 = arith.constant 0 : i32
        %dma_start3A_223 = tpu.memref_slice %arg7[%dma_start3A_221, %dma_start3A_222] : memref<800x32xf32, #tpu.memory_space<vmem>> -> memref<50x32xf32, #tpu.memory_space<vmem>>
        %dma_start3A_224 = arith.constant 0 : i32
        %dma_start3A_225 = tpu.memref_slice %arg5[%dma_start3A_220, %dma_start3A_224] : memref<16x50xi32, #tpu.memory_space<vmem>> -> memref<1x50xi32, #tpu.memory_space<vmem>>
        %dma_start3A_226 = tpu.memref_squeeze %dma_start3A_225 : memref<1x50xi32, #tpu.memory_space<vmem>> -> memref<50xi32, #tpu.memory_space<vmem>>
        %dma_start3A_227 = arith.constant 0 : i32
        %dma_start3A_228 = arith.constant 0 : i32
        %dma_start3A_229 = tpu.memref_slice %arg3[%dma_start3A_227, %dma_start3A_228] : memref<1000004x32xf32, #tpu.memory_space<hbm>> -> memref<1000004x32xf32, #tpu.memory_space<hbm>>
        tpu.enqueue_indirect_dma source(%dma_start3A_229 : memref<1000004x32xf32, #tpu.memory_space<hbm>>) target(%dma_start3A_223 : memref<50x32xf32, #tpu.memory_space<vmem>>) offsets(%dma_start3A_226 : memref<50xi32, #tpu.memory_space<vmem>>) semaphore(%arg13 : memref<!tpu.dma_semaphore, #tpu.memory_space<semaphore_mem>>)
        %dma_start3A_230 = arith.constant 10 : i32
        %dma_start3A_231 = arith.constant 500 : i32
        %dma_start3A_232 = arith.constant 0 : i32
        %dma_start3A_233 = tpu.memref_slice %arg7[%dma_start3A_231, %dma_start3A_232] : memref<800x32xf32, #tpu.memory_space<vmem>> -> memref<50x32xf32, #tpu.memory_space<vmem>>
        %dma_start3A_234 = arith.constant 0 : i32
        %dma_start3A_235 = tpu.memref_slice %arg5[%dma_start3A_230, %dma_start3A_234] : memref<16x50xi32, #tpu.memory_space<vmem>> -> memref<1x50xi32, #tpu.memory_space<vmem>>
        %dma_start3A_236 = tpu.memref_squeeze %dma_start3A_235 : memref<1x50xi32, #tpu.memory_space<vmem>> -> memref<50xi32, #tpu.memory_space<vmem>>
        %dma_start3A_237 = arith.constant 0 : i32
        %dma_start3A_238 = arith.constant 0 : i32
        %dma_start3A_239 = tpu.memref_slice %arg3[%dma_start3A_237, %dma_start3A_238] : memref<1000004x32xf32, #tpu.memory_space<hbm>> -> memref<1000004x32xf32, #tpu.memory_space<hbm>>
        tpu.enqueue_indirect_dma source(%dma_start3A_239 : memref<1000004x32xf32, #tpu.memory_space<hbm>>) target(%dma_start3A_233 : memref<50x32xf32, #tpu.memory_space<vmem>>) offsets(%dma_start3A_236 : memref<50xi32, #tpu.memory_space<vmem>>) semaphore(%arg13 : memref<!tpu.dma_semaphore, #tpu.memory_space<semaphore_mem>>)
        %dma_start3A_240 = arith.constant 11 : i32
        %dma_start3A_241 = arith.constant 550 : i32
        %dma_start3A_242 = arith.constant 0 : i32
        %dma_start3A_243 = tpu.memref_slice %arg7[%dma_start3A_241, %dma_start3A_242] : memref<800x32xf32, #tpu.memory_space<vmem>> -> memref<50x32xf32, #tpu.memory_space<vmem>>
        %dma_start3A_244 = arith.constant 0 : i32
        %dma_start3A_245 = tpu.memref_slice %arg5[%dma_start3A_240, %dma_start3A_244] : memref<16x50xi32, #tpu.memory_space<vmem>> -> memref<1x50xi32, #tpu.memory_space<vmem>>
        %dma_start3A_246 = tpu.memref_squeeze %dma_start3A_245 : memref<1x50xi32, #tpu.memory_space<vmem>> -> memref<50xi32, #tpu.memory_space<vmem>>
        %dma_start3A_247 = arith.constant 0 : i32
        %dma_start3A_248 = arith.constant 0 : i32
        %dma_start3A_249 = tpu.memref_slice %arg3[%dma_start3A_247, %dma_start3A_248] : memref<1000004x32xf32, #tpu.memory_space<hbm>> -> memref<1000004x32xf32, #tpu.memory_space<hbm>>
        tpu.enqueue_indirect_dma source(%dma_start3A_249 : memref<1000004x32xf32, #tpu.memory_space<hbm>>) target(%dma_start3A_243 : memref<50x32xf32, #tpu.memory_space<vmem>>) offsets(%dma_start3A_246 : memref<50xi32, #tpu.memory_space<vmem>>) semaphore(%arg13 : memref<!tpu.dma_semaphore, #tpu.memory_space<semaphore_mem>>)
        %dma_start3A_250 = arith.constant 12 : i32
        %dma_start3A_251 = arith.constant 600 : i32
        %dma_start3A_252 = arith.constant 0 : i32
        %dma_start3A_253 = tpu.memref_slice %arg7[%dma_start3A_251, %dma_start3A_252] : memref<800x32xf32, #tpu.memory_space<vmem>> -> memref<50x32xf32, #tpu.memory_space<vmem>>
        %dma_start3A_254 = arith.constant 0 : i32
        %dma_start3A_255 = tpu.memref_slice %arg5[%dma_start3A_250, %dma_start3A_254] : memref<16x50xi32, #tpu.memory_space<vmem>> -> memref<1x50xi32, #tpu.memory_space<vmem>>
        %dma_start3A_256 = tpu.memref_squeeze %dma_start3A_255 : memref<1x50xi32, #tpu.memory_space<vmem>> -> memref<50xi32, #tpu.memory_space<vmem>>
        %dma_start3A_257 = arith.constant 0 : i32
        %dma_start3A_258 = arith.constant 0 : i32
        %dma_start3A_259 = tpu.memref_slice %arg3[%dma_start3A_257, %dma_start3A_258] : memref<1000004x32xf32, #tpu.memory_space<hbm>> -> memref<1000004x32xf32, #tpu.memory_space<hbm>>
        tpu.enqueue_indirect_dma source(%dma_start3A_259 : memref<1000004x32xf32, #tpu.memory_space<hbm>>) target(%dma_start3A_253 : memref<50x32xf32, #tpu.memory_space<vmem>>) offsets(%dma_start3A_256 : memref<50xi32, #tpu.memory_space<vmem>>) semaphore(%arg13 : memref<!tpu.dma_semaphore, #tpu.memory_space<semaphore_mem>>)
        %dma_start3A_260 = arith.constant 13 : i32
        %dma_start3A_261 = arith.constant 650 : i32
        %dma_start3A_262 = arith.constant 0 : i32
        %dma_start3A_263 = tpu.memref_slice %arg7[%dma_start3A_261, %dma_start3A_262] : memref<800x32xf32, #tpu.memory_space<vmem>> -> memref<50x32xf32, #tpu.memory_space<vmem>>
        %dma_start3A_264 = arith.constant 0 : i32
        %dma_start3A_265 = tpu.memref_slice %arg5[%dma_start3A_260, %dma_start3A_264] : memref<16x50xi32, #tpu.memory_space<vmem>> -> memref<1x50xi32, #tpu.memory_space<vmem>>
        %dma_start3A_266 = tpu.memref_squeeze %dma_start3A_265 : memref<1x50xi32, #tpu.memory_space<vmem>> -> memref<50xi32, #tpu.memory_space<vmem>>
        %dma_start3A_267 = arith.constant 0 : i32
        %dma_start3A_268 = arith.constant 0 : i32
        %dma_start3A_269 = tpu.memref_slice %arg3[%dma_start3A_267, %dma_start3A_268] : memref<1000004x32xf32, #tpu.memory_space<hbm>> -> memref<1000004x32xf32, #tpu.memory_space<hbm>>
        tpu.enqueue_indirect_dma source(%dma_start3A_269 : memref<1000004x32xf32, #tpu.memory_space<hbm>>) target(%dma_start3A_263 : memref<50x32xf32, #tpu.memory_space<vmem>>) offsets(%dma_start3A_266 : memref<50xi32, #tpu.memory_space<vmem>>) semaphore(%arg13 : memref<!tpu.dma_semaphore, #tpu.memory_space<semaphore_mem>>)
        %dma_start3A_270 = arith.constant 14 : i32
        %dma_start3A_271 = arith.constant 700 : i32
        %dma_start3A_272 = arith.constant 0 : i32
        %dma_start3A_273 = tpu.memref_slice %arg7[%dma_start3A_271, %dma_start3A_272] : memref<800x32xf32, #tpu.memory_space<vmem>> -> memref<50x32xf32, #tpu.memory_space<vmem>>
        %dma_start3A_274 = arith.constant 0 : i32
        %dma_start3A_275 = tpu.memref_slice %arg5[%dma_start3A_270, %dma_start3A_274] : memref<16x50xi32, #tpu.memory_space<vmem>> -> memref<1x50xi32, #tpu.memory_space<vmem>>
        %dma_start3A_276 = tpu.memref_squeeze %dma_start3A_275 : memref<1x50xi32, #tpu.memory_space<vmem>> -> memref<50xi32, #tpu.memory_space<vmem>>
        %dma_start3A_277 = arith.constant 0 : i32
        %dma_start3A_278 = arith.constant 0 : i32
        %dma_start3A_279 = tpu.memref_slice %arg3[%dma_start3A_277, %dma_start3A_278] : memref<1000004x32xf32, #tpu.memory_space<hbm>> -> memref<1000004x32xf32, #tpu.memory_space<hbm>>
        tpu.enqueue_indirect_dma source(%dma_start3A_279 : memref<1000004x32xf32, #tpu.memory_space<hbm>>) target(%dma_start3A_273 : memref<50x32xf32, #tpu.memory_space<vmem>>) offsets(%dma_start3A_276 : memref<50xi32, #tpu.memory_space<vmem>>) semaphore(%arg13 : memref<!tpu.dma_semaphore, #tpu.memory_space<semaphore_mem>>)
        %dma_start3A_280 = arith.constant 15 : i32
        %dma_start3A_281 = arith.constant 750 : i32
        %dma_start3A_282 = arith.constant 0 : i32
        %dma_start3A_283 = tpu.memref_slice %arg7[%dma_start3A_281, %dma_start3A_282] : memref<800x32xf32, #tpu.memory_space<vmem>> -> memref<50x32xf32, #tpu.memory_space<vmem>>
        %dma_start3A_284 = arith.constant 0 : i32
        %dma_start3A_285 = tpu.memref_slice %arg5[%dma_start3A_280, %dma_start3A_284] : memref<16x50xi32, #tpu.memory_space<vmem>> -> memref<1x50xi32, #tpu.memory_space<vmem>>
        %dma_start3A_286 = tpu.memref_squeeze %dma_start3A_285 : memref<1x50xi32, #tpu.memory_space<vmem>> -> memref<50xi32, #tpu.memory_space<vmem>>
        %dma_start3A_287 = arith.constant 0 : i32
        %dma_start3A_288 = arith.constant 0 : i32
        %dma_start3A_289 = tpu.memref_slice %arg3[%dma_start3A_287, %dma_start3A_288] : memref<1000004x32xf32, #tpu.memory_space<hbm>> -> memref<1000004x32xf32, #tpu.memory_space<hbm>>
        tpu.enqueue_indirect_dma source(%dma_start3A_289 : memref<1000004x32xf32, #tpu.memory_space<hbm>>) target(%dma_start3A_283 : memref<50x32xf32, #tpu.memory_space<vmem>>) offsets(%dma_start3A_286 : memref<50xi32, #tpu.memory_space<vmem>>) semaphore(%arg13 : memref<!tpu.dma_semaphore, #tpu.memory_space<semaphore_mem>>)
      } else {
      }
      %add3A_88 = arith.constant 1 : i32
      %add3A_89 = arith.addi %add3A_85, %add3A_88 : i32
      %lt3A_90 = arith.constant 32 : i32
      %lt3A_91 = arith.cmpi slt, %add3A_89, %lt3A_90 : i32
      %convert_element_type3A_92 = arith.extui %lt3A_91 : i1 to i32
      %cond3A_93 = arith.constant 0 : i32
      %cond3A_94 = arith.cmpi ne, %convert_element_type3A_92, %cond3A_93 : i32
      scf.if %cond3A_94 {
        %add3A_124 = arith.constant 1 : i32
        %add3A_125 = arith.addi %add3A_85, %add3A_124 : i32
        %mul3A_126 = arith.constant 16 : i32
        %mul3A_127 = arith.muli %add3A_125, %mul3A_126 : i32
        %add3A_128 = arith.addi %mul3A_2, %mul3A_127 : i32
        %multiple_of3A_129 = tpu.assume_multiple %add3A_128, 8 : i32
        %dma_start3A_130 = arith.constant 0 : i32
        %dma_start3A_131 = tpu.memref_slice %arg2[%multiple_of3A_129, %dma_start3A_130] : memref<16384x50xi32, #tpu.memory_space<hbm>> -> memref<16x50xi32, #tpu.memory_space<hbm>>
        %dma_start3A_132 = arith.constant 0 : i32
        %dma_start3A_133 = tpu.memref_slice %arg2[%multiple_of3A_129, %dma_start3A_132] : memref<16384x50xi32, #tpu.memory_space<hbm>> -> memref<16x50xi32, #tpu.memory_space<hbm>>
        tpu.enqueue_dma source(%dma_start3A_133 : memref<16x50xi32, #tpu.memory_space<hbm>>) target(%arg6 : memref<16x50xi32, #tpu.memory_space<vmem>>) target_semaphore(%arg12 : memref<!tpu.dma_semaphore, #tpu.memory_space<semaphore_mem>>)
      } else {
      }
      %ge3A = arith.constant 1 : i32
      %ge3A_95 = arith.cmpi sge, %add3A_85, %ge3A : i32
      %le3A = arith.constant 32 : i32
      %le3A_96 = arith.cmpi sle, %add3A_85, %le3A : i32
      %and3A = arith.andi %ge3A_95, %le3A_96 : i1
      %convert_element_type3A_97 = arith.extui %and3A : i1 to i32
      %cond3A_98 = arith.constant 0 : i32
      %cond3A_99 = arith.cmpi ne, %convert_element_type3A_97, %cond3A_98 : i32
      scf.if %cond3A_99 {
        %dma_wait3A_124 = arith.constant 0 : i32
        %dma_wait3A_125 = arith.constant 0 : i32
        %dma_wait3A_126 = tpu.memref_slice %arg3[%dma_wait3A_124, %dma_wait3A_125] : memref<1000004x32xf32, #tpu.memory_space<hbm>> -> memref<800x32xf32, #tpu.memory_space<hbm>>
        %dma_wait3A_127 = arith.constant 0 : i32
        %dma_wait3A_128 = arith.constant 0 : i32
        %dma_wait3A_129 = tpu.memref_slice %arg3[%dma_wait3A_127, %dma_wait3A_128] : memref<1000004x32xf32, #tpu.memory_space<hbm>> -> memref<800x32xf32, #tpu.memory_space<hbm>>
        tpu.wait_dma2 semaphore(%arg14 : memref<!tpu.dma_semaphore, #tpu.memory_space<semaphore_mem>>) src(%dma_wait3A_129 : memref<800x32xf32, #tpu.memory_space<hbm>>) dst(%arg8 : memref<800x32xf32, #tpu.memory_space<vmem>>)
        %ge3A_130 = arith.constant 3 : i32
        %ge3A_131 = arith.cmpi sge, %add3A_85, %ge3A_130 : i32
        %convert_element_type3A_132 = arith.extui %ge3A_131 : i1 to i32
        %cond3A_133 = arith.constant 0 : i32
        %cond3A_134 = arith.cmpi ne, %convert_element_type3A_132, %cond3A_133 : i32
        scf.if %cond3A_134 {
          %dma_wait3A_155 = arith.constant 0 : i32
          %dma_wait3A_156 = arith.constant 0 : i32
          %dma_wait3A_157 = arith.constant 0 : i32
          %dma_wait3A_158 = tpu.memref_slice %arg10[%dma_wait3A_155, %dma_wait3A_156, %dma_wait3A_157] : memref<50x32x17xf32, #tpu.memory_space<vmem>> -> memref<50x32x16xf32, #tpu.memory_space<vmem>>
          %dma_wait3A_159 = arith.constant 0 : i32
          %dma_wait3A_160 = arith.constant 0 : i32
          %dma_wait3A_161 = arith.constant 0 : i32
          %dma_wait3A_162 = tpu.memref_slice %arg4[%dma_wait3A_159, %dma_wait3A_160, %dma_wait3A_161] : memref<50x32x16384xf32, #tpu.memory_space<hbm>> -> memref<50x32x16xf32, #tpu.memory_space<hbm>>
          %dma_wait3A_163 = arith.constant 0 : i32
          %dma_wait3A_164 = arith.constant 0 : i32
          %dma_wait3A_165 = arith.constant 0 : i32
          %dma_wait3A_166 = tpu.memref_slice %arg4[%dma_wait3A_163, %dma_wait3A_164, %dma_wait3A_165] : memref<50x32x16384xf32, #tpu.memory_space<hbm>> -> memref<50x32x16xf32, #tpu.memory_space<hbm>>
          %dma_wait3A_167 = arith.constant 0 : i32
          %dma_wait3A_168 = arith.constant 0 : i32
          %dma_wait3A_169 = arith.constant 0 : i32
          %dma_wait3A_170 = tpu.memref_slice %arg10[%dma_wait3A_167, %dma_wait3A_168, %dma_wait3A_169] : memref<50x32x17xf32, #tpu.memory_space<vmem>> -> memref<50x32x16xf32, #tpu.memory_space<vmem>>
          tpu.wait_dma2 semaphore(%arg16 : memref<!tpu.dma_semaphore, #tpu.memory_space<semaphore_mem>>) src(%dma_wait3A_170 : memref<50x32x16xf32, #tpu.memory_space<vmem>>) dst(%dma_wait3A_166 : memref<50x32x16xf32, #tpu.memory_space<hbm>>)
        } else {
        }
        %parallel_loop3A = arith.constant 0 : i32
        %parallel_loop3A_135 = arith.constant 50 : i32
        %parallel_loop3A_136 = arith.constant 1 : i32
        scf.for %parallel_loop3A_155 = %parallel_loop3A to %parallel_loop3A_135 step %parallel_loop3A_136  : i32 {
          %parallel_loop3A_156 = arith.constant 0 : i32
          %parallel_loop3A_157 = vector.broadcast %parallel_loop3A_156 : i32 to vector<16xi32>
          %parallel_loop3A_158 = vector.broadcast %parallel_loop3A_155 : i32 to vector<16xi32>
          %parallel_loop3A_159 = arith.addi %parallel_loop3A_157, %parallel_loop3A_158 : vector<16xi32>
          %parallel_loop3A_160 = arith.constant 0 : i32
          %parallel_loop3A_161 = arith.addi %parallel_loop3A_160, %parallel_loop3A_155 : i32
          %parallel_loop3A_162 = arith.index_cast %parallel_loop3A_161 : i32 to index
          %parallel_loop3A_163 = arith.constant 0 : index
          %parallel_loop3A_164 = tpu.vector_load %arg8[%parallel_loop3A_162, %parallel_loop3A_163] {strides = array<i32>} : memref<800x32xf32, #tpu.memory_space<vmem>>, vector<16xf32>,
          tpu.vector_store_idx %arg10[%parallel_loop3A_159, %add3A_5, %broadcast_in_dim3A_9], %parallel_loop3A_164 : memref<50x32x17xf32, #tpu.memory_space<vmem>>[vector<16xi32>, vector<16xi32>, vector<16xi32>], vector<16xf32>,
          %parallel_loop3A_165 = arith.constant 0 : i32
          %parallel_loop3A_166 = arith.addi %parallel_loop3A_165, %parallel_loop3A_155 : i32
          %parallel_loop3A_167 = arith.index_cast %parallel_loop3A_166 : i32 to index
          %parallel_loop3A_168 = arith.constant 16 : index
          %parallel_loop3A_169 = tpu.vector_load %arg8[%parallel_loop3A_167, %parallel_loop3A_168] {strides = array<i32>} : memref<800x32xf32, #tpu.memory_space<vmem>>, vector<16xf32>,
          tpu.vector_store_idx %arg10[%parallel_loop3A_159, %add3A_8, %broadcast_in_dim3A_9], %parallel_loop3A_169 : memref<50x32x17xf32, #tpu.memory_space<vmem>>[vector<16xi32>, vector<16xi32>, vector<16xi32>], vector<16xf32>,
          %parallel_loop3A_170 = arith.constant 50 : i32
          %parallel_loop3A_171 = arith.addi %parallel_loop3A_170, %parallel_loop3A_155 : i32
          %parallel_loop3A_172 = arith.index_cast %parallel_loop3A_171 : i32 to index
          %parallel_loop3A_173 = arith.constant 0 : index
          %parallel_loop3A_174 = tpu.vector_load %arg8[%parallel_loop3A_172, %parallel_loop3A_173] {strides = array<i32>} : memref<800x32xf32, #tpu.memory_space<vmem>>, vector<16xf32>,
          tpu.vector_store_idx %arg10[%parallel_loop3A_159, %add3A_5, %broadcast_in_dim3A_11], %parallel_loop3A_174 : memref<50x32x17xf32, #tpu.memory_space<vmem>>[vector<16xi32>, vector<16xi32>, vector<16xi32>], vector<16xf32>,
          %parallel_loop3A_175 = arith.constant 50 : i32
          %parallel_loop3A_176 = arith.addi %parallel_loop3A_175, %parallel_loop3A_155 : i32
          %parallel_loop3A_177 = arith.index_cast %parallel_loop3A_176 : i32 to index
          %parallel_loop3A_178 = arith.constant 16 : index
          %parallel_loop3A_179 = tpu.vector_load %arg8[%parallel_loop3A_177, %parallel_loop3A_178] {strides = array<i32>} : memref<800x32xf32, #tpu.memory_space<vmem>>, vector<16xf32>,
          tpu.vector_store_idx %arg10[%parallel_loop3A_159, %add3A_8, %broadcast_in_dim3A_11], %parallel_loop3A_179 : memref<50x32x17xf32, #tpu.memory_space<vmem>>[vector<16xi32>, vector<16xi32>, vector<16xi32>], vector<16xf32>,
          %parallel_loop3A_180 = arith.constant 100 : i32
          %parallel_loop3A_181 = arith.addi %parallel_loop3A_180, %parallel_loop3A_155 : i32
          %parallel_loop3A_182 = arith.index_cast %parallel_loop3A_181 : i32 to index
          %parallel_loop3A_183 = arith.constant 0 : index
          %parallel_loop3A_184 = tpu.vector_load %arg8[%parallel_loop3A_182, %parallel_loop3A_183] {strides = array<i32>} : memref<800x32xf32, #tpu.memory_space<vmem>>, vector<16xf32>,
          tpu.vector_store_idx %arg10[%parallel_loop3A_159, %add3A_5, %broadcast_in_dim3A_13], %parallel_loop3A_184 : memref<50x32x17xf32, #tpu.memory_space<vmem>>[vector<16xi32>, vector<16xi32>, vector<16xi32>], vector<16xf32>,
          %parallel_loop3A_185 = arith.constant 100 : i32
          %parallel_loop3A_186 = arith.addi %parallel_loop3A_185, %parallel_loop3A_155 : i32
          %parallel_loop3A_187 = arith.index_cast %parallel_loop3A_186 : i32 to index
          %parallel_loop3A_188 = arith.constant 16 : index
          %parallel_loop3A_189 = tpu.vector_load %arg8[%parallel_loop3A_187, %parallel_loop3A_188] {strides = array<i32>} : memref<800x32xf32, #tpu.memory_space<vmem>>, vector<16xf32>,
          tpu.vector_store_idx %arg10[%parallel_loop3A_159, %add3A_8, %broadcast_in_dim3A_13], %parallel_loop3A_189 : memref<50x32x17xf32, #tpu.memory_space<vmem>>[vector<16xi32>, vector<16xi32>, vector<16xi32>], vector<16xf32>,
          %parallel_loop3A_190 = arith.constant 150 : i32
          %parallel_loop3A_191 = arith.addi %parallel_loop3A_190, %parallel_loop3A_155 : i32
          %parallel_loop3A_192 = arith.index_cast %parallel_loop3A_191 : i32 to index
          %parallel_loop3A_193 = arith.constant 0 : index
          %parallel_loop3A_194 = tpu.vector_load %arg8[%parallel_loop3A_192, %parallel_loop3A_193] {strides = array<i32>} : memref<800x32xf32, #tpu.memory_space<vmem>>, vector<16xf32>,
          tpu.vector_store_idx %arg10[%parallel_loop3A_159, %add3A_5, %broadcast_in_dim3A_15], %parallel_loop3A_194 : memref<50x32x17xf32, #tpu.memory_space<vmem>>[vector<16xi32>, vector<16xi32>, vector<16xi32>], vector<16xf32>,
          %parallel_loop3A_195 = arith.constant 150 : i32
          %parallel_loop3A_196 = arith.addi %parallel_loop3A_195, %parallel_loop3A_155 : i32
          %parallel_loop3A_197 = arith.index_cast %parallel_loop3A_196 : i32 to index
          %parallel_loop3A_198 = arith.constant 16 : index
          %parallel_loop3A_199 = tpu.vector_load %arg8[%parallel_loop3A_197, %parallel_loop3A_198] {strides = array<i32>} : memref<800x32xf32, #tpu.memory_space<vmem>>, vector<16xf32>,
          tpu.vector_store_idx %arg10[%parallel_loop3A_159, %add3A_8, %broadcast_in_dim3A_15], %parallel_loop3A_199 : memref<50x32x17xf32, #tpu.memory_space<vmem>>[vector<16xi32>, vector<16xi32>, vector<16xi32>], vector<16xf32>,
          %parallel_loop3A_200 = arith.constant 200 : i32
          %parallel_loop3A_201 = arith.addi %parallel_loop3A_200, %parallel_loop3A_155 : i32
          %parallel_loop3A_202 = arith.index_cast %parallel_loop3A_201 : i32 to index
          %parallel_loop3A_203 = arith.constant 0 : index
          %parallel_loop3A_204 = tpu.vector_load %arg8[%parallel_loop3A_202, %parallel_loop3A_203] {strides = array<i32>} : memref<800x32xf32, #tpu.memory_space<vmem>>, vector<16xf32>,
          tpu.vector_store_idx %arg10[%parallel_loop3A_159, %add3A_5, %broadcast_in_dim3A_17], %parallel_loop3A_204 : memref<50x32x17xf32, #tpu.memory_space<vmem>>[vector<16xi32>, vector<16xi32>, vector<16xi32>], vector<16xf32>,
          %parallel_loop3A_205 = arith.constant 200 : i32
          %parallel_loop3A_206 = arith.addi %parallel_loop3A_205, %parallel_loop3A_155 : i32
          %parallel_loop3A_207 = arith.index_cast %parallel_loop3A_206 : i32 to index
          %parallel_loop3A_208 = arith.constant 16 : index
          %parallel_loop3A_209 = tpu.vector_load %arg8[%parallel_loop3A_207, %parallel_loop3A_208] {strides = array<i32>} : memref<800x32xf32, #tpu.memory_space<vmem>>, vector<16xf32>,
          tpu.vector_store_idx %arg10[%parallel_loop3A_159, %add3A_8, %broadcast_in_dim3A_17], %parallel_loop3A_209 : memref<50x32x17xf32, #tpu.memory_space<vmem>>[vector<16xi32>, vector<16xi32>, vector<16xi32>], vector<16xf32>,
          %parallel_loop3A_210 = arith.constant 250 : i32
          %parallel_loop3A_211 = arith.addi %parallel_loop3A_210, %parallel_loop3A_155 : i32
          %parallel_loop3A_212 = arith.index_cast %parallel_loop3A_211 : i32 to index
          %parallel_loop3A_213 = arith.constant 0 : index
          %parallel_loop3A_214 = tpu.vector_load %arg8[%parallel_loop3A_212, %parallel_loop3A_213] {strides = array<i32>} : memref<800x32xf32, #tpu.memory_space<vmem>>, vector<16xf32>,
          tpu.vector_store_idx %arg10[%parallel_loop3A_159, %add3A_5, %broadcast_in_dim3A_19], %parallel_loop3A_214 : memref<50x32x17xf32, #tpu.memory_space<vmem>>[vector<16xi32>, vector<16xi32>, vector<16xi32>], vector<16xf32>,
          %parallel_loop3A_215 = arith.constant 250 : i32
          %parallel_loop3A_216 = arith.addi %parallel_loop3A_215, %parallel_loop3A_155 : i32
          %parallel_loop3A_217 = arith.index_cast %parallel_loop3A_216 : i32 to index
          %parallel_loop3A_218 = arith.constant 16 : index
          %parallel_loop3A_219 = tpu.vector_load %arg8[%parallel_loop3A_217, %parallel_loop3A_218] {strides = array<i32>} : memref<800x32xf32, #tpu.memory_space<vmem>>, vector<16xf32>,
          tpu.vector_store_idx %arg10[%parallel_loop3A_159, %add3A_8, %broadcast_in_dim3A_19], %parallel_loop3A_219 : memref<50x32x17xf32, #tpu.memory_space<vmem>>[vector<16xi32>, vector<16xi32>, vector<16xi32>], vector<16xf32>,
          %parallel_loop3A_220 = arith.constant 300 : i32
          %parallel_loop3A_221 = arith.addi %parallel_loop3A_220, %parallel_loop3A_155 : i32
          %parallel_loop3A_222 = arith.index_cast %parallel_loop3A_221 : i32 to index
          %parallel_loop3A_223 = arith.constant 0 : index
          %parallel_loop3A_224 = tpu.vector_load %arg8[%parallel_loop3A_222, %parallel_loop3A_223] {strides = array<i32>} : memref<800x32xf32, #tpu.memory_space<vmem>>, vector<16xf32>,
          tpu.vector_store_idx %arg10[%parallel_loop3A_159, %add3A_5, %broadcast_in_dim3A_21], %parallel_loop3A_224 : memref<50x32x17xf32, #tpu.memory_space<vmem>>[vector<16xi32>, vector<16xi32>, vector<16xi32>], vector<16xf32>,
          %parallel_loop3A_225 = arith.constant 300 : i32
          %parallel_loop3A_226 = arith.addi %parallel_loop3A_225, %parallel_loop3A_155 : i32
          %parallel_loop3A_227 = arith.index_cast %parallel_loop3A_226 : i32 to index
          %parallel_loop3A_228 = arith.constant 16 : index
          %parallel_loop3A_229 = tpu.vector_load %arg8[%parallel_loop3A_227, %parallel_loop3A_228] {strides = array<i32>} : memref<800x32xf32, #tpu.memory_space<vmem>>, vector<16xf32>,
          tpu.vector_store_idx %arg10[%parallel_loop3A_159, %add3A_8, %broadcast_in_dim3A_21], %parallel_loop3A_229 : memref<50x32x17xf32, #tpu.memory_space<vmem>>[vector<16xi32>, vector<16xi32>, vector<16xi32>], vector<16xf32>,
          %parallel_loop3A_230 = arith.constant 350 : i32
          %parallel_loop3A_231 = arith.addi %parallel_loop3A_230, %parallel_loop3A_155 : i32
          %parallel_loop3A_232 = arith.index_cast %parallel_loop3A_231 : i32 to index
          %parallel_loop3A_233 = arith.constant 0 : index
          %parallel_loop3A_234 = tpu.vector_load %arg8[%parallel_loop3A_232, %parallel_loop3A_233] {strides = array<i32>} : memref<800x32xf32, #tpu.memory_space<vmem>>, vector<16xf32>,
          tpu.vector_store_idx %arg10[%parallel_loop3A_159, %add3A_5, %broadcast_in_dim3A_23], %parallel_loop3A_234 : memref<50x32x17xf32, #tpu.memory_space<vmem>>[vector<16xi32>, vector<16xi32>, vector<16xi32>], vector<16xf32>,
          %parallel_loop3A_235 = arith.constant 350 : i32
          %parallel_loop3A_236 = arith.addi %parallel_loop3A_235, %parallel_loop3A_155 : i32
          %parallel_loop3A_237 = arith.index_cast %parallel_loop3A_236 : i32 to index
          %parallel_loop3A_238 = arith.constant 16 : index
          %parallel_loop3A_239 = tpu.vector_load %arg8[%parallel_loop3A_237, %parallel_loop3A_238] {strides = array<i32>} : memref<800x32xf32, #tpu.memory_space<vmem>>, vector<16xf32>,
          tpu.vector_store_idx %arg10[%parallel_loop3A_159, %add3A_8, %broadcast_in_dim3A_23], %parallel_loop3A_239 : memref<50x32x17xf32, #tpu.memory_space<vmem>>[vector<16xi32>, vector<16xi32>, vector<16xi32>], vector<16xf32>,
          %parallel_loop3A_240 = arith.constant 400 : i32
          %parallel_loop3A_241 = arith.addi %parallel_loop3A_240, %parallel_loop3A_155 : i32
          %parallel_loop3A_242 = arith.index_cast %parallel_loop3A_241 : i32 to index
          %parallel_loop3A_243 = arith.constant 0 : index
          %parallel_loop3A_244 = tpu.vector_load %arg8[%parallel_loop3A_242, %parallel_loop3A_243] {strides = array<i32>} : memref<800x32xf32, #tpu.memory_space<vmem>>, vector<16xf32>,
          tpu.vector_store_idx %arg10[%parallel_loop3A_159, %add3A_5, %broadcast_in_dim3A_25], %parallel_loop3A_244 : memref<50x32x17xf32, #tpu.memory_space<vmem>>[vector<16xi32>, vector<16xi32>, vector<16xi32>], vector<16xf32>,
          %parallel_loop3A_245 = arith.constant 400 : i32
          %parallel_loop3A_246 = arith.addi %parallel_loop3A_245, %parallel_loop3A_155 : i32
          %parallel_loop3A_247 = arith.index_cast %parallel_loop3A_246 : i32 to index
          %parallel_loop3A_248 = arith.constant 16 : index
          %parallel_loop3A_249 = tpu.vector_load %arg8[%parallel_loop3A_247, %parallel_loop3A_248] {strides = array<i32>} : memref<800x32xf32, #tpu.memory_space<vmem>>, vector<16xf32>,
          tpu.vector_store_idx %arg10[%parallel_loop3A_159, %add3A_8, %broadcast_in_dim3A_25], %parallel_loop3A_249 : memref<50x32x17xf32, #tpu.memory_space<vmem>>[vector<16xi32>, vector<16xi32>, vector<16xi32>], vector<16xf32>,
          %parallel_loop3A_250 = arith.constant 450 : i32
          %parallel_loop3A_251 = arith.addi %parallel_loop3A_250, %parallel_loop3A_155 : i32
          %parallel_loop3A_252 = arith.index_cast %parallel_loop3A_251 : i32 to index
          %parallel_loop3A_253 = arith.constant 0 : index
          %parallel_loop3A_254 = tpu.vector_load %arg8[%parallel_loop3A_252, %parallel_loop3A_253] {strides = array<i32>} : memref<800x32xf32, #tpu.memory_space<vmem>>, vector<16xf32>,
          tpu.vector_store_idx %arg10[%parallel_loop3A_159, %add3A_5, %broadcast_in_dim3A_27], %parallel_loop3A_254 : memref<50x32x17xf32, #tpu.memory_space<vmem>>[vector<16xi32>, vector<16xi32>, vector<16xi32>], vector<16xf32>,
          %parallel_loop3A_255 = arith.constant 450 : i32
          %parallel_loop3A_256 = arith.addi %parallel_loop3A_255, %parallel_loop3A_155 : i32
          %parallel_loop3A_257 = arith.index_cast %parallel_loop3A_256 : i32 to index
          %parallel_loop3A_258 = arith.constant 16 : index
          %parallel_loop3A_259 = tpu.vector_load %arg8[%parallel_loop3A_257, %parallel_loop3A_258] {strides = array<i32>} : memref<800x32xf32, #tpu.memory_space<vmem>>, vector<16xf32>,
          tpu.vector_store_idx %arg10[%parallel_loop3A_159, %add3A_8, %broadcast_in_dim3A_27], %parallel_loop3A_259 : memref<50x32x17xf32, #tpu.memory_space<vmem>>[vector<16xi32>, vector<16xi32>, vector<16xi32>], vector<16xf32>,
          %parallel_loop3A_260 = arith.constant 500 : i32
          %parallel_loop3A_261 = arith.addi %parallel_loop3A_260, %parallel_loop3A_155 : i32
          %parallel_loop3A_262 = arith.index_cast %parallel_loop3A_261 : i32 to index
          %parallel_loop3A_263 = arith.constant 0 : index
          %parallel_loop3A_264 = tpu.vector_load %arg8[%parallel_loop3A_262, %parallel_loop3A_263] {strides = array<i32>} : memref<800x32xf32, #tpu.memory_space<vmem>>, vector<16xf32>,
          tpu.vector_store_idx %arg10[%parallel_loop3A_159, %add3A_5, %broadcast_in_dim3A_29], %parallel_loop3A_264 : memref<50x32x17xf32, #tpu.memory_space<vmem>>[vector<16xi32>, vector<16xi32>, vector<16xi32>], vector<16xf32>,
          %parallel_loop3A_265 = arith.constant 500 : i32
          %parallel_loop3A_266 = arith.addi %parallel_loop3A_265, %parallel_loop3A_155 : i32
          %parallel_loop3A_267 = arith.index_cast %parallel_loop3A_266 : i32 to index
          %parallel_loop3A_268 = arith.constant 16 : index
          %parallel_loop3A_269 = tpu.vector_load %arg8[%parallel_loop3A_267, %parallel_loop3A_268] {strides = array<i32>} : memref<800x32xf32, #tpu.memory_space<vmem>>, vector<16xf32>,
          tpu.vector_store_idx %arg10[%parallel_loop3A_159, %add3A_8, %broadcast_in_dim3A_29], %parallel_loop3A_269 : memref<50x32x17xf32, #tpu.memory_space<vmem>>[vector<16xi32>, vector<16xi32>, vector<16xi32>], vector<16xf32>,
          %parallel_loop3A_270 = arith.constant 550 : i32
          %parallel_loop3A_271 = arith.addi %parallel_loop3A_270, %parallel_loop3A_155 : i32
          %parallel_loop3A_272 = arith.index_cast %parallel_loop3A_271 : i32 to index
          %parallel_loop3A_273 = arith.constant 0 : index
          %parallel_loop3A_274 = tpu.vector_load %arg8[%parallel_loop3A_272, %parallel_loop3A_273] {strides = array<i32>} : memref<800x32xf32, #tpu.memory_space<vmem>>, vector<16xf32>,
          tpu.vector_store_idx %arg10[%parallel_loop3A_159, %add3A_5, %broadcast_in_dim3A_31], %parallel_loop3A_274 : memref<50x32x17xf32, #tpu.memory_space<vmem>>[vector<16xi32>, vector<16xi32>, vector<16xi32>], vector<16xf32>,
          %parallel_loop3A_275 = arith.constant 550 : i32
          %parallel_loop3A_276 = arith.addi %parallel_loop3A_275, %parallel_loop3A_155 : i32
          %parallel_loop3A_277 = arith.index_cast %parallel_loop3A_276 : i32 to index
          %parallel_loop3A_278 = arith.constant 16 : index
          %parallel_loop3A_279 = tpu.vector_load %arg8[%parallel_loop3A_277, %parallel_loop3A_278] {strides = array<i32>} : memref<800x32xf32, #tpu.memory_space<vmem>>, vector<16xf32>,
          tpu.vector_store_idx %arg10[%parallel_loop3A_159, %add3A_8, %broadcast_in_dim3A_31], %parallel_loop3A_279 : memref<50x32x17xf32, #tpu.memory_space<vmem>>[vector<16xi32>, vector<16xi32>, vector<16xi32>], vector<16xf32>,
          %parallel_loop3A_280 = arith.constant 600 : i32
          %parallel_loop3A_281 = arith.addi %parallel_loop3A_280, %parallel_loop3A_155 : i32
          %parallel_loop3A_282 = arith.index_cast %parallel_loop3A_281 : i32 to index
          %parallel_loop3A_283 = arith.constant 0 : index
          %parallel_loop3A_284 = tpu.vector_load %arg8[%parallel_loop3A_282, %parallel_loop3A_283] {strides = array<i32>} : memref<800x32xf32, #tpu.memory_space<vmem>>, vector<16xf32>,
          tpu.vector_store_idx %arg10[%parallel_loop3A_159, %add3A_5, %broadcast_in_dim3A_33], %parallel_loop3A_284 : memref<50x32x17xf32, #tpu.memory_space<vmem>>[vector<16xi32>, vector<16xi32>, vector<16xi32>], vector<16xf32>,
          %parallel_loop3A_285 = arith.constant 600 : i32
          %parallel_loop3A_286 = arith.addi %parallel_loop3A_285, %parallel_loop3A_155 : i32
          %parallel_loop3A_287 = arith.index_cast %parallel_loop3A_286 : i32 to index
          %parallel_loop3A_288 = arith.constant 16 : index
          %parallel_loop3A_289 = tpu.vector_load %arg8[%parallel_loop3A_287, %parallel_loop3A_288] {strides = array<i32>} : memref<800x32xf32, #tpu.memory_space<vmem>>, vector<16xf32>,
          tpu.vector_store_idx %arg10[%parallel_loop3A_159, %add3A_8, %broadcast_in_dim3A_33], %parallel_loop3A_289 : memref<50x32x17xf32, #tpu.memory_space<vmem>>[vector<16xi32>, vector<16xi32>, vector<16xi32>], vector<16xf32>,
          %parallel_loop3A_290 = arith.constant 650 : i32
          %parallel_loop3A_291 = arith.addi %parallel_loop3A_290, %parallel_loop3A_155 : i32
          %parallel_loop3A_292 = arith.index_cast %parallel_loop3A_291 : i32 to index
          %parallel_loop3A_293 = arith.constant 0 : index
          %parallel_loop3A_294 = tpu.vector_load %arg8[%parallel_loop3A_292, %parallel_loop3A_293] {strides = array<i32>} : memref<800x32xf32, #tpu.memory_space<vmem>>, vector<16xf32>,
          tpu.vector_store_idx %arg10[%parallel_loop3A_159, %add3A_5, %broadcast_in_dim3A_35], %parallel_loop3A_294 : memref<50x32x17xf32, #tpu.memory_space<vmem>>[vector<16xi32>, vector<16xi32>, vector<16xi32>], vector<16xf32>,
          %parallel_loop3A_295 = arith.constant 650 : i32
          %parallel_loop3A_296 = arith.addi %parallel_loop3A_295, %parallel_loop3A_155 : i32
          %parallel_loop3A_297 = arith.index_cast %parallel_loop3A_296 : i32 to index
          %parallel_loop3A_298 = arith.constant 16 : index
          %parallel_loop3A_299 = tpu.vector_load %arg8[%parallel_loop3A_297, %parallel_loop3A_298] {strides = array<i32>} : memref<800x32xf32, #tpu.memory_space<vmem>>, vector<16xf32>,
          tpu.vector_store_idx %arg10[%parallel_loop3A_159, %add3A_8, %broadcast_in_dim3A_35], %parallel_loop3A_299 : memref<50x32x17xf32, #tpu.memory_space<vmem>>[vector<16xi32>, vector<16xi32>, vector<16xi32>], vector<16xf32>,
          %parallel_loop3A_300 = arith.constant 700 : i32
          %parallel_loop3A_301 = arith.addi %parallel_loop3A_300, %parallel_loop3A_155 : i32
          %parallel_loop3A_302 = arith.index_cast %parallel_loop3A_301 : i32 to index
          %parallel_loop3A_303 = arith.constant 0 : index
          %parallel_loop3A_304 = tpu.vector_load %arg8[%parallel_loop3A_302, %parallel_loop3A_303] {strides = array<i32>} : memref<800x32xf32, #tpu.memory_space<vmem>>, vector<16xf32>,
          tpu.vector_store_idx %arg10[%parallel_loop3A_159, %add3A_5, %broadcast_in_dim3A_37], %parallel_loop3A_304 : memref<50x32x17xf32, #tpu.memory_space<vmem>>[vector<16xi32>, vector<16xi32>, vector<16xi32>], vector<16xf32>,
          %parallel_loop3A_305 = arith.constant 700 : i32
          %parallel_loop3A_306 = arith.addi %parallel_loop3A_305, %parallel_loop3A_155 : i32
          %parallel_loop3A_307 = arith.index_cast %parallel_loop3A_306 : i32 to index
          %parallel_loop3A_308 = arith.constant 16 : index
          %parallel_loop3A_309 = tpu.vector_load %arg8[%parallel_loop3A_307, %parallel_loop3A_308] {strides = array<i32>} : memref<800x32xf32, #tpu.memory_space<vmem>>, vector<16xf32>,
          tpu.vector_store_idx %arg10[%parallel_loop3A_159, %add3A_8, %broadcast_in_dim3A_37], %parallel_loop3A_309 : memref<50x32x17xf32, #tpu.memory_space<vmem>>[vector<16xi32>, vector<16xi32>, vector<16xi32>], vector<16xf32>,
          %parallel_loop3A_310 = arith.constant 750 : i32
          %parallel_loop3A_311 = arith.addi %parallel_loop3A_310, %parallel_loop3A_155 : i32
          %parallel_loop3A_312 = arith.index_cast %parallel_loop3A_311 : i32 to index
          %parallel_loop3A_313 = arith.constant 0 : index
          %parallel_loop3A_314 = tpu.vector_load %arg8[%parallel_loop3A_312, %parallel_loop3A_313] {strides = array<i32>} : memref<800x32xf32, #tpu.memory_space<vmem>>, vector<16xf32>,
          tpu.vector_store_idx %arg10[%parallel_loop3A_159, %add3A_5, %broadcast_in_dim3A_39], %parallel_loop3A_314 : memref<50x32x17xf32, #tpu.memory_space<vmem>>[vector<16xi32>, vector<16xi32>, vector<16xi32>], vector<16xf32>,
          %parallel_loop3A_315 = arith.constant 750 : i32
          %parallel_loop3A_316 = arith.addi %parallel_loop3A_315, %parallel_loop3A_155 : i32
          %parallel_loop3A_317 = arith.index_cast %parallel_loop3A_316 : i32 to index
          %parallel_loop3A_318 = arith.constant 16 : index
          %parallel_loop3A_319 = tpu.vector_load %arg8[%parallel_loop3A_317, %parallel_loop3A_318] {strides = array<i32>} : memref<800x32xf32, #tpu.memory_space<vmem>>, vector<16xf32>,
          tpu.vector_store_idx %arg10[%parallel_loop3A_159, %add3A_8, %broadcast_in_dim3A_39], %parallel_loop3A_319 : memref<50x32x17xf32, #tpu.memory_space<vmem>>[vector<16xi32>, vector<16xi32>, vector<16xi32>], vector<16xf32>,
        } {sc.loop_unroll_factor = 2 : i64, sc.parallel_access}
        %sub3A = arith.constant 1 : i32
        %sub3A_137 = arith.subi %add3A_85, %sub3A : i32
        %mul3A_138 = arith.constant 16 : i32
        %mul3A_139 = arith.muli %sub3A_137, %mul3A_138 : i32
        %add3A_140 = arith.addi %mul3A_2, %mul3A_139 : i32
        %dma_start3A_141 = arith.constant 0 : i32
        %dma_start3A_142 = arith.constant 0 : i32
        %dma_start3A_143 = arith.constant 0 : i32
        %dma_start3A_144 = tpu.memref_slice %arg10[%dma_start3A_141, %dma_start3A_142, %dma_start3A_143] : memref<50x32x17xf32, #tpu.memory_space<vmem>> -> memref<50x32x16xf32, #tpu.memory_space<vmem>>
        %dma_start3A_145 = arith.constant 0 : i32
        %dma_start3A_146 = arith.constant 0 : i32
        %dma_start3A_147 = tpu.memref_slice %arg4[%dma_start3A_145, %dma_start3A_146, %add3A_140] : memref<50x32x16384xf32, #tpu.memory_space<hbm>> -> memref<50x32x16xf32, #tpu.memory_space<hbm>>
        %dma_start3A_148 = arith.constant 0 : i32
        %dma_start3A_149 = arith.constant 0 : i32
        %dma_start3A_150 = tpu.memref_slice %arg4[%dma_start3A_148, %dma_start3A_149, %add3A_140] : memref<50x32x16384xf32, #tpu.memory_space<hbm>> -> memref<50x32x16xf32, #tpu.memory_space<hbm>>
        %dma_start3A_151 = arith.constant 0 : i32
        %dma_start3A_152 = arith.constant 0 : i32
        %dma_start3A_153 = arith.constant 0 : i32
        %dma_start3A_154 = tpu.memref_slice %arg10[%dma_start3A_151, %dma_start3A_152, %dma_start3A_153] : memref<50x32x17xf32, #tpu.memory_space<vmem>> -> memref<50x32x16xf32, #tpu.memory_space<vmem>>
        tpu.enqueue_dma source(%dma_start3A_154 : memref<50x32x16xf32, #tpu.memory_space<vmem>>) target(%dma_start3A_150 : memref<50x32x16xf32, #tpu.memory_space<hbm>>) target_semaphore(%arg16 : memref<!tpu.dma_semaphore, #tpu.memory_space<semaphore_mem>>)
      } else {
      }
      %mul3A_100 = arith.constant 2 : i32
      %mul3A_101 = arith.muli %scan3A_81, %mul3A_100 : i32
      %add3A_102 = arith.constant 1 : i32
      %add3A_103 = arith.addi %mul3A_101, %add3A_102 : i32
      %lt3A_104 = arith.constant 32 : i32
      %lt3A_105 = arith.cmpi slt, %add3A_103, %lt3A_104 : i32
      %convert_element_type3A_106 = arith.extui %lt3A_105 : i1 to i32
      %cond3A_107 = arith.constant 0 : i32
      %cond3A_108 = arith.cmpi ne, %convert_element_type3A_106, %cond3A_107 : i32
      scf.if %cond3A_108 {
        %dma_wait3A_124 = arith.constant 0 : i32
        %dma_wait3A_125 = arith.constant 0 : i32
        %dma_wait3A_126 = tpu.memref_slice %arg2[%dma_wait3A_124, %dma_wait3A_125] : memref<16384x50xi32, #tpu.memory_space<hbm>> -> memref<16x50xi32, #tpu.memory_space<hbm>>
        %dma_wait3A_127 = arith.constant 0 : i32
        %dma_wait3A_128 = arith.constant 0 : i32
        %dma_wait3A_129 = tpu.memref_slice %arg2[%dma_wait3A_127, %dma_wait3A_128] : memref<16384x50xi32, #tpu.memory_space<hbm>> -> memref<16x50xi32, #tpu.memory_space<hbm>>
        tpu.wait_dma2 semaphore(%arg12 : memref<!tpu.dma_semaphore, #tpu.memory_space<semaphore_mem>>) src(%dma_wait3A_129 : memref<16x50xi32, #tpu.memory_space<hbm>>) dst(%arg6 : memref<16x50xi32, #tpu.memory_space<vmem>>)
        %dma_start3A_130 = arith.constant 0 : i32
        %dma_start3A_131 = arith.constant 0 : i32
        %dma_start3A_132 = arith.constant 0 : i32
        %dma_start3A_133 = tpu.memref_slice %arg8[%dma_start3A_131, %dma_start3A_132] : memref<800x32xf32, #tpu.memory_space<vmem>> -> memref<50x32xf32, #tpu.memory_space<vmem>>
        %dma_start3A_134 = arith.constant 0 : i32
        %dma_start3A_135 = tpu.memref_slice %arg6[%dma_start3A_130, %dma_start3A_134] : memref<16x50xi32, #tpu.memory_space<vmem>> -> memref<1x50xi32, #tpu.memory_space<vmem>>
        %dma_start3A_136 = tpu.memref_squeeze %dma_start3A_135 : memref<1x50xi32, #tpu.memory_space<vmem>> -> memref<50xi32, #tpu.memory_space<vmem>>
        %dma_start3A_137 = arith.constant 0 : i32
        %dma_start3A_138 = arith.constant 0 : i32
        %dma_start3A_139 = tpu.memref_slice %arg3[%dma_start3A_137, %dma_start3A_138] : memref<1000004x32xf32, #tpu.memory_space<hbm>> -> memref<1000004x32xf32, #tpu.memory_space<hbm>>
        tpu.enqueue_indirect_dma source(%dma_start3A_139 : memref<1000004x32xf32, #tpu.memory_space<hbm>>) target(%dma_start3A_133 : memref<50x32xf32, #tpu.memory_space<vmem>>) offsets(%dma_start3A_136 : memref<50xi32, #tpu.memory_space<vmem>>) semaphore(%arg14 : memref<!tpu.dma_semaphore, #tpu.memory_space<semaphore_mem>>)
        %dma_start3A_140 = arith.constant 1 : i32
        %dma_start3A_141 = arith.constant 50 : i32
        %dma_start3A_142 = arith.constant 0 : i32
        %dma_start3A_143 = tpu.memref_slice %arg8[%dma_start3A_141, %dma_start3A_142] : memref<800x32xf32, #tpu.memory_space<vmem>> -> memref<50x32xf32, #tpu.memory_space<vmem>>
        %dma_start3A_144 = arith.constant 0 : i32
        %dma_start3A_145 = tpu.memref_slice %arg6[%dma_start3A_140, %dma_start3A_144] : memref<16x50xi32, #tpu.memory_space<vmem>> -> memref<1x50xi32, #tpu.memory_space<vmem>>
        %dma_start3A_146 = tpu.memref_squeeze %dma_start3A_145 : memref<1x50xi32, #tpu.memory_space<vmem>> -> memref<50xi32, #tpu.memory_space<vmem>>
        %dma_start3A_147 = arith.constant 0 : i32
        %dma_start3A_148 = arith.constant 0 : i32
        %dma_start3A_149 = tpu.memref_slice %arg3[%dma_start3A_147, %dma_start3A_148] : memref<1000004x32xf32, #tpu.memory_space<hbm>> -> memref<1000004x32xf32, #tpu.memory_space<hbm>>
        tpu.enqueue_indirect_dma source(%dma_start3A_149 : memref<1000004x32xf32, #tpu.memory_space<hbm>>) target(%dma_start3A_143 : memref<50x32xf32, #tpu.memory_space<vmem>>) offsets(%dma_start3A_146 : memref<50xi32, #tpu.memory_space<vmem>>) semaphore(%arg14 : memref<!tpu.dma_semaphore, #tpu.memory_space<semaphore_mem>>)
        %dma_start3A_150 = arith.constant 2 : i32
        %dma_start3A_151 = arith.constant 100 : i32
        %dma_start3A_152 = arith.constant 0 : i32
        %dma_start3A_153 = tpu.memref_slice %arg8[%dma_start3A_151, %dma_start3A_152] : memref<800x32xf32, #tpu.memory_space<vmem>> -> memref<50x32xf32, #tpu.memory_space<vmem>>
        %dma_start3A_154 = arith.constant 0 : i32
        %dma_start3A_155 = tpu.memref_slice %arg6[%dma_start3A_150, %dma_start3A_154] : memref<16x50xi32, #tpu.memory_space<vmem>> -> memref<1x50xi32, #tpu.memory_space<vmem>>
        %dma_start3A_156 = tpu.memref_squeeze %dma_start3A_155 : memref<1x50xi32, #tpu.memory_space<vmem>> -> memref<50xi32, #tpu.memory_space<vmem>>
        %dma_start3A_157 = arith.constant 0 : i32
        %dma_start3A_158 = arith.constant 0 : i32
        %dma_start3A_159 = tpu.memref_slice %arg3[%dma_start3A_157, %dma_start3A_158] : memref<1000004x32xf32, #tpu.memory_space<hbm>> -> memref<1000004x32xf32, #tpu.memory_space<hbm>>
        tpu.enqueue_indirect_dma source(%dma_start3A_159 : memref<1000004x32xf32, #tpu.memory_space<hbm>>) target(%dma_start3A_153 : memref<50x32xf32, #tpu.memory_space<vmem>>) offsets(%dma_start3A_156 : memref<50xi32, #tpu.memory_space<vmem>>) semaphore(%arg14 : memref<!tpu.dma_semaphore, #tpu.memory_space<semaphore_mem>>)
        %dma_start3A_160 = arith.constant 3 : i32
        %dma_start3A_161 = arith.constant 150 : i32
        %dma_start3A_162 = arith.constant 0 : i32
        %dma_start3A_163 = tpu.memref_slice %arg8[%dma_start3A_161, %dma_start3A_162] : memref<800x32xf32, #tpu.memory_space<vmem>> -> memref<50x32xf32, #tpu.memory_space<vmem>>
        %dma_start3A_164 = arith.constant 0 : i32
        %dma_start3A_165 = tpu.memref_slice %arg6[%dma_start3A_160, %dma_start3A_164] : memref<16x50xi32, #tpu.memory_space<vmem>> -> memref<1x50xi32, #tpu.memory_space<vmem>>
        %dma_start3A_166 = tpu.memref_squeeze %dma_start3A_165 : memref<1x50xi32, #tpu.memory_space<vmem>> -> memref<50xi32, #tpu.memory_space<vmem>>
        %dma_start3A_167 = arith.constant 0 : i32
        %dma_start3A_168 = arith.constant 0 : i32
        %dma_start3A_169 = tpu.memref_slice %arg3[%dma_start3A_167, %dma_start3A_168] : memref<1000004x32xf32, #tpu.memory_space<hbm>> -> memref<1000004x32xf32, #tpu.memory_space<hbm>>
        tpu.enqueue_indirect_dma source(%dma_start3A_169 : memref<1000004x32xf32, #tpu.memory_space<hbm>>) target(%dma_start3A_163 : memref<50x32xf32, #tpu.memory_space<vmem>>) offsets(%dma_start3A_166 : memref<50xi32, #tpu.memory_space<vmem>>) semaphore(%arg14 : memref<!tpu.dma_semaphore, #tpu.memory_space<semaphore_mem>>)
        %dma_start3A_170 = arith.constant 4 : i32
        %dma_start3A_171 = arith.constant 200 : i32
        %dma_start3A_172 = arith.constant 0 : i32
        %dma_start3A_173 = tpu.memref_slice %arg8[%dma_start3A_171, %dma_start3A_172] : memref<800x32xf32, #tpu.memory_space<vmem>> -> memref<50x32xf32, #tpu.memory_space<vmem>>
        %dma_start3A_174 = arith.constant 0 : i32
        %dma_start3A_175 = tpu.memref_slice %arg6[%dma_start3A_170, %dma_start3A_174] : memref<16x50xi32, #tpu.memory_space<vmem>> -> memref<1x50xi32, #tpu.memory_space<vmem>>
        %dma_start3A_176 = tpu.memref_squeeze %dma_start3A_175 : memref<1x50xi32, #tpu.memory_space<vmem>> -> memref<50xi32, #tpu.memory_space<vmem>>
        %dma_start3A_177 = arith.constant 0 : i32
        %dma_start3A_178 = arith.constant 0 : i32
        %dma_start3A_179 = tpu.memref_slice %arg3[%dma_start3A_177, %dma_start3A_178] : memref<1000004x32xf32, #tpu.memory_space<hbm>> -> memref<1000004x32xf32, #tpu.memory_space<hbm>>
        tpu.enqueue_indirect_dma source(%dma_start3A_179 : memref<1000004x32xf32, #tpu.memory_space<hbm>>) target(%dma_start3A_173 : memref<50x32xf32, #tpu.memory_space<vmem>>) offsets(%dma_start3A_176 : memref<50xi32, #tpu.memory_space<vmem>>) semaphore(%arg14 : memref<!tpu.dma_semaphore, #tpu.memory_space<semaphore_mem>>)
        %dma_start3A_180 = arith.constant 5 : i32
        %dma_start3A_181 = arith.constant 250 : i32
        %dma_start3A_182 = arith.constant 0 : i32
        %dma_start3A_183 = tpu.memref_slice %arg8[%dma_start3A_181, %dma_start3A_182] : memref<800x32xf32, #tpu.memory_space<vmem>> -> memref<50x32xf32, #tpu.memory_space<vmem>>
        %dma_start3A_184 = arith.constant 0 : i32
        %dma_start3A_185 = tpu.memref_slice %arg6[%dma_start3A_180, %dma_start3A_184] : memref<16x50xi32, #tpu.memory_space<vmem>> -> memref<1x50xi32, #tpu.memory_space<vmem>>
        %dma_start3A_186 = tpu.memref_squeeze %dma_start3A_185 : memref<1x50xi32, #tpu.memory_space<vmem>> -> memref<50xi32, #tpu.memory_space<vmem>>
        %dma_start3A_187 = arith.constant 0 : i32
        %dma_start3A_188 = arith.constant 0 : i32
        %dma_start3A_189 = tpu.memref_slice %arg3[%dma_start3A_187, %dma_start3A_188] : memref<1000004x32xf32, #tpu.memory_space<hbm>> -> memref<1000004x32xf32, #tpu.memory_space<hbm>>
        tpu.enqueue_indirect_dma source(%dma_start3A_189 : memref<1000004x32xf32, #tpu.memory_space<hbm>>) target(%dma_start3A_183 : memref<50x32xf32, #tpu.memory_space<vmem>>) offsets(%dma_start3A_186 : memref<50xi32, #tpu.memory_space<vmem>>) semaphore(%arg14 : memref<!tpu.dma_semaphore, #tpu.memory_space<semaphore_mem>>)
        %dma_start3A_190 = arith.constant 6 : i32
        %dma_start3A_191 = arith.constant 300 : i32
        %dma_start3A_192 = arith.constant 0 : i32
        %dma_start3A_193 = tpu.memref_slice %arg8[%dma_start3A_191, %dma_start3A_192] : memref<800x32xf32, #tpu.memory_space<vmem>> -> memref<50x32xf32, #tpu.memory_space<vmem>>
        %dma_start3A_194 = arith.constant 0 : i32
        %dma_start3A_195 = tpu.memref_slice %arg6[%dma_start3A_190, %dma_start3A_194] : memref<16x50xi32, #tpu.memory_space<vmem>> -> memref<1x50xi32, #tpu.memory_space<vmem>>
        %dma_start3A_196 = tpu.memref_squeeze %dma_start3A_195 : memref<1x50xi32, #tpu.memory_space<vmem>> -> memref<50xi32, #tpu.memory_space<vmem>>
        %dma_start3A_197 = arith.constant 0 : i32
        %dma_start3A_198 = arith.constant 0 : i32
        %dma_start3A_199 = tpu.memref_slice %arg3[%dma_start3A_197, %dma_start3A_198] : memref<1000004x32xf32, #tpu.memory_space<hbm>> -> memref<1000004x32xf32, #tpu.memory_space<hbm>>
        tpu.enqueue_indirect_dma source(%dma_start3A_199 : memref<1000004x32xf32, #tpu.memory_space<hbm>>) target(%dma_start3A_193 : memref<50x32xf32, #tpu.memory_space<vmem>>) offsets(%dma_start3A_196 : memref<50xi32, #tpu.memory_space<vmem>>) semaphore(%arg14 : memref<!tpu.dma_semaphore, #tpu.memory_space<semaphore_mem>>)
        %dma_start3A_200 = arith.constant 7 : i32
        %dma_start3A_201 = arith.constant 350 : i32
        %dma_start3A_202 = arith.constant 0 : i32
        %dma_start3A_203 = tpu.memref_slice %arg8[%dma_start3A_201, %dma_start3A_202] : memref<800x32xf32, #tpu.memory_space<vmem>> -> memref<50x32xf32, #tpu.memory_space<vmem>>
        %dma_start3A_204 = arith.constant 0 : i32
        %dma_start3A_205 = tpu.memref_slice %arg6[%dma_start3A_200, %dma_start3A_204] : memref<16x50xi32, #tpu.memory_space<vmem>> -> memref<1x50xi32, #tpu.memory_space<vmem>>
        %dma_start3A_206 = tpu.memref_squeeze %dma_start3A_205 : memref<1x50xi32, #tpu.memory_space<vmem>> -> memref<50xi32, #tpu.memory_space<vmem>>
        %dma_start3A_207 = arith.constant 0 : i32
        %dma_start3A_208 = arith.constant 0 : i32
        %dma_start3A_209 = tpu.memref_slice %arg3[%dma_start3A_207, %dma_start3A_208] : memref<1000004x32xf32, #tpu.memory_space<hbm>> -> memref<1000004x32xf32, #tpu.memory_space<hbm>>
        tpu.enqueue_indirect_dma source(%dma_start3A_209 : memref<1000004x32xf32, #tpu.memory_space<hbm>>) target(%dma_start3A_203 : memref<50x32xf32, #tpu.memory_space<vmem>>) offsets(%dma_start3A_206 : memref<50xi32, #tpu.memory_space<vmem>>) semaphore(%arg14 : memref<!tpu.dma_semaphore, #tpu.memory_space<semaphore_mem>>)
        %dma_start3A_210 = arith.constant 8 : i32
        %dma_start3A_211 = arith.constant 400 : i32
        %dma_start3A_212 = arith.constant 0 : i32
        %dma_start3A_213 = tpu.memref_slice %arg8[%dma_start3A_211, %dma_start3A_212] : memref<800x32xf32, #tpu.memory_space<vmem>> -> memref<50x32xf32, #tpu.memory_space<vmem>>
        %dma_start3A_214 = arith.constant 0 : i32
        %dma_start3A_215 = tpu.memref_slice %arg6[%dma_start3A_210, %dma_start3A_214] : memref<16x50xi32, #tpu.memory_space<vmem>> -> memref<1x50xi32, #tpu.memory_space<vmem>>
        %dma_start3A_216 = tpu.memref_squeeze %dma_start3A_215 : memref<1x50xi32, #tpu.memory_space<vmem>> -> memref<50xi32, #tpu.memory_space<vmem>>
        %dma_start3A_217 = arith.constant 0 : i32
        %dma_start3A_218 = arith.constant 0 : i32
        %dma_start3A_219 = tpu.memref_slice %arg3[%dma_start3A_217, %dma_start3A_218] : memref<1000004x32xf32, #tpu.memory_space<hbm>> -> memref<1000004x32xf32, #tpu.memory_space<hbm>>
        tpu.enqueue_indirect_dma source(%dma_start3A_219 : memref<1000004x32xf32, #tpu.memory_space<hbm>>) target(%dma_start3A_213 : memref<50x32xf32, #tpu.memory_space<vmem>>) offsets(%dma_start3A_216 : memref<50xi32, #tpu.memory_space<vmem>>) semaphore(%arg14 : memref<!tpu.dma_semaphore, #tpu.memory_space<semaphore_mem>>)
        %dma_start3A_220 = arith.constant 9 : i32
        %dma_start3A_221 = arith.constant 450 : i32
        %dma_start3A_222 = arith.constant 0 : i32
        %dma_start3A_223 = tpu.memref_slice %arg8[%dma_start3A_221, %dma_start3A_222] : memref<800x32xf32, #tpu.memory_space<vmem>> -> memref<50x32xf32, #tpu.memory_space<vmem>>
        %dma_start3A_224 = arith.constant 0 : i32
        %dma_start3A_225 = tpu.memref_slice %arg6[%dma_start3A_220, %dma_start3A_224] : memref<16x50xi32, #tpu.memory_space<vmem>> -> memref<1x50xi32, #tpu.memory_space<vmem>>
        %dma_start3A_226 = tpu.memref_squeeze %dma_start3A_225 : memref<1x50xi32, #tpu.memory_space<vmem>> -> memref<50xi32, #tpu.memory_space<vmem>>
        %dma_start3A_227 = arith.constant 0 : i32
        %dma_start3A_228 = arith.constant 0 : i32
        %dma_start3A_229 = tpu.memref_slice %arg3[%dma_start3A_227, %dma_start3A_228] : memref<1000004x32xf32, #tpu.memory_space<hbm>> -> memref<1000004x32xf32, #tpu.memory_space<hbm>>
        tpu.enqueue_indirect_dma source(%dma_start3A_229 : memref<1000004x32xf32, #tpu.memory_space<hbm>>) target(%dma_start3A_223 : memref<50x32xf32, #tpu.memory_space<vmem>>) offsets(%dma_start3A_226 : memref<50xi32, #tpu.memory_space<vmem>>) semaphore(%arg14 : memref<!tpu.dma_semaphore, #tpu.memory_space<semaphore_mem>>)
        %dma_start3A_230 = arith.constant 10 : i32
        %dma_start3A_231 = arith.constant 500 : i32
        %dma_start3A_232 = arith.constant 0 : i32
        %dma_start3A_233 = tpu.memref_slice %arg8[%dma_start3A_231, %dma_start3A_232] : memref<800x32xf32, #tpu.memory_space<vmem>> -> memref<50x32xf32, #tpu.memory_space<vmem>>
        %dma_start3A_234 = arith.constant 0 : i32
        %dma_start3A_235 = tpu.memref_slice %arg6[%dma_start3A_230, %dma_start3A_234] : memref<16x50xi32, #tpu.memory_space<vmem>> -> memref<1x50xi32, #tpu.memory_space<vmem>>
        %dma_start3A_236 = tpu.memref_squeeze %dma_start3A_235 : memref<1x50xi32, #tpu.memory_space<vmem>> -> memref<50xi32, #tpu.memory_space<vmem>>
        %dma_start3A_237 = arith.constant 0 : i32
        %dma_start3A_238 = arith.constant 0 : i32
        %dma_start3A_239 = tpu.memref_slice %arg3[%dma_start3A_237, %dma_start3A_238] : memref<1000004x32xf32, #tpu.memory_space<hbm>> -> memref<1000004x32xf32, #tpu.memory_space<hbm>>
        tpu.enqueue_indirect_dma source(%dma_start3A_239 : memref<1000004x32xf32, #tpu.memory_space<hbm>>) target(%dma_start3A_233 : memref<50x32xf32, #tpu.memory_space<vmem>>) offsets(%dma_start3A_236 : memref<50xi32, #tpu.memory_space<vmem>>) semaphore(%arg14 : memref<!tpu.dma_semaphore, #tpu.memory_space<semaphore_mem>>)
        %dma_start3A_240 = arith.constant 11 : i32
        %dma_start3A_241 = arith.constant 550 : i32
        %dma_start3A_242 = arith.constant 0 : i32
        %dma_start3A_243 = tpu.memref_slice %arg8[%dma_start3A_241, %dma_start3A_242] : memref<800x32xf32, #tpu.memory_space<vmem>> -> memref<50x32xf32, #tpu.memory_space<vmem>>
        %dma_start3A_244 = arith.constant 0 : i32
        %dma_start3A_245 = tpu.memref_slice %arg6[%dma_start3A_240, %dma_start3A_244] : memref<16x50xi32, #tpu.memory_space<vmem>> -> memref<1x50xi32, #tpu.memory_space<vmem>>
        %dma_start3A_246 = tpu.memref_squeeze %dma_start3A_245 : memref<1x50xi32, #tpu.memory_space<vmem>> -> memref<50xi32, #tpu.memory_space<vmem>>
        %dma_start3A_247 = arith.constant 0 : i32
        %dma_start3A_248 = arith.constant 0 : i32
        %dma_start3A_249 = tpu.memref_slice %arg3[%dma_start3A_247, %dma_start3A_248] : memref<1000004x32xf32, #tpu.memory_space<hbm>> -> memref<1000004x32xf32, #tpu.memory_space<hbm>>
        tpu.enqueue_indirect_dma source(%dma_start3A_249 : memref<1000004x32xf32, #tpu.memory_space<hbm>>) target(%dma_start3A_243 : memref<50x32xf32, #tpu.memory_space<vmem>>) offsets(%dma_start3A_246 : memref<50xi32, #tpu.memory_space<vmem>>) semaphore(%arg14 : memref<!tpu.dma_semaphore, #tpu.memory_space<semaphore_mem>>)
        %dma_start3A_250 = arith.constant 12 : i32
        %dma_start3A_251 = arith.constant 600 : i32
        %dma_start3A_252 = arith.constant 0 : i32
        %dma_start3A_253 = tpu.memref_slice %arg8[%dma_start3A_251, %dma_start3A_252] : memref<800x32xf32, #tpu.memory_space<vmem>> -> memref<50x32xf32, #tpu.memory_space<vmem>>
        %dma_start3A_254 = arith.constant 0 : i32
        %dma_start3A_255 = tpu.memref_slice %arg6[%dma_start3A_250, %dma_start3A_254] : memref<16x50xi32, #tpu.memory_space<vmem>> -> memref<1x50xi32, #tpu.memory_space<vmem>>
        %dma_start3A_256 = tpu.memref_squeeze %dma_start3A_255 : memref<1x50xi32, #tpu.memory_space<vmem>> -> memref<50xi32, #tpu.memory_space<vmem>>
        %dma_start3A_257 = arith.constant 0 : i32
        %dma_start3A_258 = arith.constant 0 : i32
        %dma_start3A_259 = tpu.memref_slice %arg3[%dma_start3A_257, %dma_start3A_258] : memref<1000004x32xf32, #tpu.memory_space<hbm>> -> memref<1000004x32xf32, #tpu.memory_space<hbm>>
        tpu.enqueue_indirect_dma source(%dma_start3A_259 : memref<1000004x32xf32, #tpu.memory_space<hbm>>) target(%dma_start3A_253 : memref<50x32xf32, #tpu.memory_space<vmem>>) offsets(%dma_start3A_256 : memref<50xi32, #tpu.memory_space<vmem>>) semaphore(%arg14 : memref<!tpu.dma_semaphore, #tpu.memory_space<semaphore_mem>>)
        %dma_start3A_260 = arith.constant 13 : i32
        %dma_start3A_261 = arith.constant 650 : i32
        %dma_start3A_262 = arith.constant 0 : i32
        %dma_start3A_263 = tpu.memref_slice %arg8[%dma_start3A_261, %dma_start3A_262] : memref<800x32xf32, #tpu.memory_space<vmem>> -> memref<50x32xf32, #tpu.memory_space<vmem>>
        %dma_start3A_264 = arith.constant 0 : i32
        %dma_start3A_265 = tpu.memref_slice %arg6[%dma_start3A_260, %dma_start3A_264] : memref<16x50xi32, #tpu.memory_space<vmem>> -> memref<1x50xi32, #tpu.memory_space<vmem>>
        %dma_start3A_266 = tpu.memref_squeeze %dma_start3A_265 : memref<1x50xi32, #tpu.memory_space<vmem>> -> memref<50xi32, #tpu.memory_space<vmem>>
        %dma_start3A_267 = arith.constant 0 : i32
        %dma_start3A_268 = arith.constant 0 : i32
        %dma_start3A_269 = tpu.memref_slice %arg3[%dma_start3A_267, %dma_start3A_268] : memref<1000004x32xf32, #tpu.memory_space<hbm>> -> memref<1000004x32xf32, #tpu.memory_space<hbm>>
        tpu.enqueue_indirect_dma source(%dma_start3A_269 : memref<1000004x32xf32, #tpu.memory_space<hbm>>) target(%dma_start3A_263 : memref<50x32xf32, #tpu.memory_space<vmem>>) offsets(%dma_start3A_266 : memref<50xi32, #tpu.memory_space<vmem>>) semaphore(%arg14 : memref<!tpu.dma_semaphore, #tpu.memory_space<semaphore_mem>>)
        %dma_start3A_270 = arith.constant 14 : i32
        %dma_start3A_271 = arith.constant 700 : i32
        %dma_start3A_272 = arith.constant 0 : i32
        %dma_start3A_273 = tpu.memref_slice %arg8[%dma_start3A_271, %dma_start3A_272] : memref<800x32xf32, #tpu.memory_space<vmem>> -> memref<50x32xf32, #tpu.memory_space<vmem>>
        %dma_start3A_274 = arith.constant 0 : i32
        %dma_start3A_275 = tpu.memref_slice %arg6[%dma_start3A_270, %dma_start3A_274] : memref<16x50xi32, #tpu.memory_space<vmem>> -> memref<1x50xi32, #tpu.memory_space<vmem>>
        %dma_start3A_276 = tpu.memref_squeeze %dma_start3A_275 : memref<1x50xi32, #tpu.memory_space<vmem>> -> memref<50xi32, #tpu.memory_space<vmem>>
        %dma_start3A_277 = arith.constant 0 : i32
        %dma_start3A_278 = arith.constant 0 : i32
        %dma_start3A_279 = tpu.memref_slice %arg3[%dma_start3A_277, %dma_start3A_278] : memref<1000004x32xf32, #tpu.memory_space<hbm>> -> memref<1000004x32xf32, #tpu.memory_space<hbm>>
        tpu.enqueue_indirect_dma source(%dma_start3A_279 : memref<1000004x32xf32, #tpu.memory_space<hbm>>) target(%dma_start3A_273 : memref<50x32xf32, #tpu.memory_space<vmem>>) offsets(%dma_start3A_276 : memref<50xi32, #tpu.memory_space<vmem>>) semaphore(%arg14 : memref<!tpu.dma_semaphore, #tpu.memory_space<semaphore_mem>>)
        %dma_start3A_280 = arith.constant 15 : i32
        %dma_start3A_281 = arith.constant 750 : i32
        %dma_start3A_282 = arith.constant 0 : i32
        %dma_start3A_283 = tpu.memref_slice %arg8[%dma_start3A_281, %dma_start3A_282] : memref<800x32xf32, #tpu.memory_space<vmem>> -> memref<50x32xf32, #tpu.memory_space<vmem>>
        %dma_start3A_284 = arith.constant 0 : i32
        %dma_start3A_285 = tpu.memref_slice %arg6[%dma_start3A_280, %dma_start3A_284] : memref<16x50xi32, #tpu.memory_space<vmem>> -> memref<1x50xi32, #tpu.memory_space<vmem>>
        %dma_start3A_286 = tpu.memref_squeeze %dma_start3A_285 : memref<1x50xi32, #tpu.memory_space<vmem>> -> memref<50xi32, #tpu.memory_space<vmem>>
        %dma_start3A_287 = arith.constant 0 : i32
        %dma_start3A_288 = arith.constant 0 : i32
        %dma_start3A_289 = tpu.memref_slice %arg3[%dma_start3A_287, %dma_start3A_288] : memref<1000004x32xf32, #tpu.memory_space<hbm>> -> memref<1000004x32xf32, #tpu.memory_space<hbm>>
        tpu.enqueue_indirect_dma source(%dma_start3A_289 : memref<1000004x32xf32, #tpu.memory_space<hbm>>) target(%dma_start3A_283 : memref<50x32xf32, #tpu.memory_space<vmem>>) offsets(%dma_start3A_286 : memref<50xi32, #tpu.memory_space<vmem>>) semaphore(%arg14 : memref<!tpu.dma_semaphore, #tpu.memory_space<semaphore_mem>>)
      } else {
      }
      %add3A_109 = arith.constant 1 : i32
      %add3A_110 = arith.addi %add3A_103, %add3A_109 : i32
      %lt3A_111 = arith.constant 32 : i32
      %lt3A_112 = arith.cmpi slt, %add3A_110, %lt3A_111 : i32
      %convert_element_type3A_113 = arith.extui %lt3A_112 : i1 to i32
      %cond3A_114 = arith.constant 0 : i32
      %cond3A_115 = arith.cmpi ne, %convert_element_type3A_113, %cond3A_114 : i32
      scf.if %cond3A_115 {
        %add3A_124 = arith.constant 1 : i32
        %add3A_125 = arith.addi %add3A_103, %add3A_124 : i32
        %mul3A_126 = arith.constant 16 : i32
        %mul3A_127 = arith.muli %add3A_125, %mul3A_126 : i32
        %add3A_128 = arith.addi %mul3A_2, %mul3A_127 : i32
        %multiple_of3A_129 = tpu.assume_multiple %add3A_128, 8 : i32
        %dma_start3A_130 = arith.constant 0 : i32
        %dma_start3A_131 = tpu.memref_slice %arg2[%multiple_of3A_129, %dma_start3A_130] : memref<16384x50xi32, #tpu.memory_space<hbm>> -> memref<16x50xi32, #tpu.memory_space<hbm>>
        %dma_start3A_132 = arith.constant 0 : i32
        %dma_start3A_133 = tpu.memref_slice %arg2[%multiple_of3A_129, %dma_start3A_132] : memref<16384x50xi32, #tpu.memory_space<hbm>> -> memref<16x50xi32, #tpu.memory_space<hbm>>
        tpu.enqueue_dma source(%dma_start3A_133 : memref<16x50xi32, #tpu.memory_space<hbm>>) target(%arg5 : memref<16x50xi32, #tpu.memory_space<vmem>>) target_semaphore(%arg11 : memref<!tpu.dma_semaphore, #tpu.memory_space<semaphore_mem>>)
      } else {
      }
      %ge3A_116 = arith.constant 1 : i32
      %ge3A_117 = arith.cmpi sge, %add3A_103, %ge3A_116 : i32
      %le3A_118 = arith.constant 32 : i32
      %le3A_119 = arith.cmpi sle, %add3A_103, %le3A_118 : i32
      %and3A_120 = arith.andi %ge3A_117, %le3A_119 : i1
      %convert_element_type3A_121 = arith.extui %and3A_120 : i1 to i32
      %cond3A_122 = arith.constant 0 : i32
      %cond3A_123 = arith.cmpi ne, %convert_element_type3A_121, %cond3A_122 : i32
      scf.if %cond3A_123 {
        %dma_wait3A_124 = arith.constant 0 : i32
        %dma_wait3A_125 = arith.constant 0 : i32
        %dma_wait3A_126 = tpu.memref_slice %arg3[%dma_wait3A_124, %dma_wait3A_125] : memref<1000004x32xf32, #tpu.memory_space<hbm>> -> memref<800x32xf32, #tpu.memory_space<hbm>>
        %dma_wait3A_127 = arith.constant 0 : i32
        %dma_wait3A_128 = arith.constant 0 : i32
        %dma_wait3A_129 = tpu.memref_slice %arg3[%dma_wait3A_127, %dma_wait3A_128] : memref<1000004x32xf32, #tpu.memory_space<hbm>> -> memref<800x32xf32, #tpu.memory_space<hbm>>
        tpu.wait_dma2 semaphore(%arg13 : memref<!tpu.dma_semaphore, #tpu.memory_space<semaphore_mem>>) src(%dma_wait3A_129 : memref<800x32xf32, #tpu.memory_space<hbm>>) dst(%arg7 : memref<800x32xf32, #tpu.memory_space<vmem>>)
        %ge3A_130 = arith.constant 3 : i32
        %ge3A_131 = arith.cmpi sge, %add3A_103, %ge3A_130 : i32
        %convert_element_type3A_132 = arith.extui %ge3A_131 : i1 to i32
        %cond3A_133 = arith.constant 0 : i32
        %cond3A_134 = arith.cmpi ne, %convert_element_type3A_132, %cond3A_133 : i32
        scf.if %cond3A_134 {
          %dma_wait3A_155 = arith.constant 0 : i32
          %dma_wait3A_156 = arith.constant 0 : i32
          %dma_wait3A_157 = arith.constant 0 : i32
          %dma_wait3A_158 = tpu.memref_slice %arg9[%dma_wait3A_155, %dma_wait3A_156, %dma_wait3A_157] : memref<50x32x17xf32, #tpu.memory_space<vmem>> -> memref<50x32x16xf32, #tpu.memory_space<vmem>>
          %dma_wait3A_159 = arith.constant 0 : i32
          %dma_wait3A_160 = arith.constant 0 : i32
          %dma_wait3A_161 = arith.constant 0 : i32
          %dma_wait3A_162 = tpu.memref_slice %arg4[%dma_wait3A_159, %dma_wait3A_160, %dma_wait3A_161] : memref<50x32x16384xf32, #tpu.memory_space<hbm>> -> memref<50x32x16xf32, #tpu.memory_space<hbm>>
          %dma_wait3A_163 = arith.constant 0 : i32
          %dma_wait3A_164 = arith.constant 0 : i32
          %dma_wait3A_165 = arith.constant 0 : i32
          %dma_wait3A_166 = tpu.memref_slice %arg4[%dma_wait3A_163, %dma_wait3A_164, %dma_wait3A_165] : memref<50x32x16384xf32, #tpu.memory_space<hbm>> -> memref<50x32x16xf32, #tpu.memory_space<hbm>>
          %dma_wait3A_167 = arith.constant 0 : i32
          %dma_wait3A_168 = arith.constant 0 : i32
          %dma_wait3A_169 = arith.constant 0 : i32
          %dma_wait3A_170 = tpu.memref_slice %arg9[%dma_wait3A_167, %dma_wait3A_168, %dma_wait3A_169] : memref<50x32x17xf32, #tpu.memory_space<vmem>> -> memref<50x32x16xf32, #tpu.memory_space<vmem>>
          tpu.wait_dma2 semaphore(%arg15 : memref<!tpu.dma_semaphore, #tpu.memory_space<semaphore_mem>>) src(%dma_wait3A_170 : memref<50x32x16xf32, #tpu.memory_space<vmem>>) dst(%dma_wait3A_166 : memref<50x32x16xf32, #tpu.memory_space<hbm>>)
        } else {
        }
        %parallel_loop3A = arith.constant 0 : i32
        %parallel_loop3A_135 = arith.constant 50 : i32
        %parallel_loop3A_136 = arith.constant 1 : i32
        scf.for %parallel_loop3A_155 = %parallel_loop3A to %parallel_loop3A_135 step %parallel_loop3A_136  : i32 {
          %parallel_loop3A_156 = arith.constant 0 : i32
          %parallel_loop3A_157 = vector.broadcast %parallel_loop3A_156 : i32 to vector<16xi32>
          %parallel_loop3A_158 = vector.broadcast %parallel_loop3A_155 : i32 to vector<16xi32>
          %parallel_loop3A_159 = arith.addi %parallel_loop3A_157, %parallel_loop3A_158 : vector<16xi32>
          %parallel_loop3A_160 = arith.constant 0 : i32
          %parallel_loop3A_161 = arith.addi %parallel_loop3A_160, %parallel_loop3A_155 : i32
          %parallel_loop3A_162 = arith.index_cast %parallel_loop3A_161 : i32 to index
          %parallel_loop3A_163 = arith.constant 0 : index
          %parallel_loop3A_164 = tpu.vector_load %arg7[%parallel_loop3A_162, %parallel_loop3A_163] {strides = array<i32>} : memref<800x32xf32, #tpu.memory_space<vmem>>, vector<16xf32>,
          tpu.vector_store_idx %arg9[%parallel_loop3A_159, %add3A_5, %broadcast_in_dim3A_9], %parallel_loop3A_164 : memref<50x32x17xf32, #tpu.memory_space<vmem>>[vector<16xi32>, vector<16xi32>, vector<16xi32>], vector<16xf32>,
          %parallel_loop3A_165 = arith.constant 0 : i32
          %parallel_loop3A_166 = arith.addi %parallel_loop3A_165, %parallel_loop3A_155 : i32
          %parallel_loop3A_167 = arith.index_cast %parallel_loop3A_166 : i32 to index
          %parallel_loop3A_168 = arith.constant 16 : index
          %parallel_loop3A_169 = tpu.vector_load %arg7[%parallel_loop3A_167, %parallel_loop3A_168] {strides = array<i32>} : memref<800x32xf32, #tpu.memory_space<vmem>>, vector<16xf32>,
          tpu.vector_store_idx %arg9[%parallel_loop3A_159, %add3A_8, %broadcast_in_dim3A_9], %parallel_loop3A_169 : memref<50x32x17xf32, #tpu.memory_space<vmem>>[vector<16xi32>, vector<16xi32>, vector<16xi32>], vector<16xf32>,
          %parallel_loop3A_170 = arith.constant 50 : i32
          %parallel_loop3A_171 = arith.addi %parallel_loop3A_170, %parallel_loop3A_155 : i32
          %parallel_loop3A_172 = arith.index_cast %parallel_loop3A_171 : i32 to index
          %parallel_loop3A_173 = arith.constant 0 : index
          %parallel_loop3A_174 = tpu.vector_load %arg7[%parallel_loop3A_172, %parallel_loop3A_173] {strides = array<i32>} : memref<800x32xf32, #tpu.memory_space<vmem>>, vector<16xf32>,
          tpu.vector_store_idx %arg9[%parallel_loop3A_159, %add3A_5, %broadcast_in_dim3A_11], %parallel_loop3A_174 : memref<50x32x17xf32, #tpu.memory_space<vmem>>[vector<16xi32>, vector<16xi32>, vector<16xi32>], vector<16xf32>,
          %parallel_loop3A_175 = arith.constant 50 : i32
          %parallel_loop3A_176 = arith.addi %parallel_loop3A_175, %parallel_loop3A_155 : i32
          %parallel_loop3A_177 = arith.index_cast %parallel_loop3A_176 : i32 to index
          %parallel_loop3A_178 = arith.constant 16 : index
          %parallel_loop3A_179 = tpu.vector_load %arg7[%parallel_loop3A_177, %parallel_loop3A_178] {strides = array<i32>} : memref<800x32xf32, #tpu.memory_space<vmem>>, vector<16xf32>,
          tpu.vector_store_idx %arg9[%parallel_loop3A_159, %add3A_8, %broadcast_in_dim3A_11], %parallel_loop3A_179 : memref<50x32x17xf32, #tpu.memory_space<vmem>>[vector<16xi32>, vector<16xi32>, vector<16xi32>], vector<16xf32>,
          %parallel_loop3A_180 = arith.constant 100 : i32
          %parallel_loop3A_181 = arith.addi %parallel_loop3A_180, %parallel_loop3A_155 : i32
          %parallel_loop3A_182 = arith.index_cast %parallel_loop3A_181 : i32 to index
          %parallel_loop3A_183 = arith.constant 0 : index
          %parallel_loop3A_184 = tpu.vector_load %arg7[%parallel_loop3A_182, %parallel_loop3A_183] {strides = array<i32>} : memref<800x32xf32, #tpu.memory_space<vmem>>, vector<16xf32>,
          tpu.vector_store_idx %arg9[%parallel_loop3A_159, %add3A_5, %broadcast_in_dim3A_13], %parallel_loop3A_184 : memref<50x32x17xf32, #tpu.memory_space<vmem>>[vector<16xi32>, vector<16xi32>, vector<16xi32>], vector<16xf32>,
          %parallel_loop3A_185 = arith.constant 100 : i32
          %parallel_loop3A_186 = arith.addi %parallel_loop3A_185, %parallel_loop3A_155 : i32
          %parallel_loop3A_187 = arith.index_cast %parallel_loop3A_186 : i32 to index
          %parallel_loop3A_188 = arith.constant 16 : index
          %parallel_loop3A_189 = tpu.vector_load %arg7[%parallel_loop3A_187, %parallel_loop3A_188] {strides = array<i32>} : memref<800x32xf32, #tpu.memory_space<vmem>>, vector<16xf32>,
          tpu.vector_store_idx %arg9[%parallel_loop3A_159, %add3A_8, %broadcast_in_dim3A_13], %parallel_loop3A_189 : memref<50x32x17xf32, #tpu.memory_space<vmem>>[vector<16xi32>, vector<16xi32>, vector<16xi32>], vector<16xf32>,
          %parallel_loop3A_190 = arith.constant 150 : i32
          %parallel_loop3A_191 = arith.addi %parallel_loop3A_190, %parallel_loop3A_155 : i32
          %parallel_loop3A_192 = arith.index_cast %parallel_loop3A_191 : i32 to index
          %parallel_loop3A_193 = arith.constant 0 : index
          %parallel_loop3A_194 = tpu.vector_load %arg7[%parallel_loop3A_192, %parallel_loop3A_193] {strides = array<i32>} : memref<800x32xf32, #tpu.memory_space<vmem>>, vector<16xf32>,
          tpu.vector_store_idx %arg9[%parallel_loop3A_159, %add3A_5, %broadcast_in_dim3A_15], %parallel_loop3A_194 : memref<50x32x17xf32, #tpu.memory_space<vmem>>[vector<16xi32>, vector<16xi32>, vector<16xi32>], vector<16xf32>,
          %parallel_loop3A_195 = arith.constant 150 : i32
          %parallel_loop3A_196 = arith.addi %parallel_loop3A_195, %parallel_loop3A_155 : i32
          %parallel_loop3A_197 = arith.index_cast %parallel_loop3A_196 : i32 to index
          %parallel_loop3A_198 = arith.constant 16 : index
          %parallel_loop3A_199 = tpu.vector_load %arg7[%parallel_loop3A_197, %parallel_loop3A_198] {strides = array<i32>} : memref<800x32xf32, #tpu.memory_space<vmem>>, vector<16xf32>,
          tpu.vector_store_idx %arg9[%parallel_loop3A_159, %add3A_8, %broadcast_in_dim3A_15], %parallel_loop3A_199 : memref<50x32x17xf32, #tpu.memory_space<vmem>>[vector<16xi32>, vector<16xi32>, vector<16xi32>], vector<16xf32>,
          %parallel_loop3A_200 = arith.constant 200 : i32
          %parallel_loop3A_201 = arith.addi %parallel_loop3A_200, %parallel_loop3A_155 : i32
          %parallel_loop3A_202 = arith.index_cast %parallel_loop3A_201 : i32 to index
          %parallel_loop3A_203 = arith.constant 0 : index
          %parallel_loop3A_204 = tpu.vector_load %arg7[%parallel_loop3A_202, %parallel_loop3A_203] {strides = array<i32>} : memref<800x32xf32, #tpu.memory_space<vmem>>, vector<16xf32>,
          tpu.vector_store_idx %arg9[%parallel_loop3A_159, %add3A_5, %broadcast_in_dim3A_17], %parallel_loop3A_204 : memref<50x32x17xf32, #tpu.memory_space<vmem>>[vector<16xi32>, vector<16xi32>, vector<16xi32>], vector<16xf32>,
          %parallel_loop3A_205 = arith.constant 200 : i32
          %parallel_loop3A_206 = arith.addi %parallel_loop3A_205, %parallel_loop3A_155 : i32
          %parallel_loop3A_207 = arith.index_cast %parallel_loop3A_206 : i32 to index
          %parallel_loop3A_208 = arith.constant 16 : index
          %parallel_loop3A_209 = tpu.vector_load %arg7[%parallel_loop3A_207, %parallel_loop3A_208] {strides = array<i32>} : memref<800x32xf32, #tpu.memory_space<vmem>>, vector<16xf32>,
          tpu.vector_store_idx %arg9[%parallel_loop3A_159, %add3A_8, %broadcast_in_dim3A_17], %parallel_loop3A_209 : memref<50x32x17xf32, #tpu.memory_space<vmem>>[vector<16xi32>, vector<16xi32>, vector<16xi32>], vector<16xf32>,
          %parallel_loop3A_210 = arith.constant 250 : i32
          %parallel_loop3A_211 = arith.addi %parallel_loop3A_210, %parallel_loop3A_155 : i32
          %parallel_loop3A_212 = arith.index_cast %parallel_loop3A_211 : i32 to index
          %parallel_loop3A_213 = arith.constant 0 : index
          %parallel_loop3A_214 = tpu.vector_load %arg7[%parallel_loop3A_212, %parallel_loop3A_213] {strides = array<i32>} : memref<800x32xf32, #tpu.memory_space<vmem>>, vector<16xf32>,
          tpu.vector_store_idx %arg9[%parallel_loop3A_159, %add3A_5, %broadcast_in_dim3A_19], %parallel_loop3A_214 : memref<50x32x17xf32, #tpu.memory_space<vmem>>[vector<16xi32>, vector<16xi32>, vector<16xi32>], vector<16xf32>,
          %parallel_loop3A_215 = arith.constant 250 : i32
          %parallel_loop3A_216 = arith.addi %parallel_loop3A_215, %parallel_loop3A_155 : i32
          %parallel_loop3A_217 = arith.index_cast %parallel_loop3A_216 : i32 to index
          %parallel_loop3A_218 = arith.constant 16 : index
          %parallel_loop3A_219 = tpu.vector_load %arg7[%parallel_loop3A_217, %parallel_loop3A_218] {strides = array<i32>} : memref<800x32xf32, #tpu.memory_space<vmem>>, vector<16xf32>,
          tpu.vector_store_idx %arg9[%parallel_loop3A_159, %add3A_8, %broadcast_in_dim3A_19], %parallel_loop3A_219 : memref<50x32x17xf32, #tpu.memory_space<vmem>>[vector<16xi32>, vector<16xi32>, vector<16xi32>], vector<16xf32>,
          %parallel_loop3A_220 = arith.constant 300 : i32
          %parallel_loop3A_221 = arith.addi %parallel_loop3A_220, %parallel_loop3A_155 : i32
          %parallel_loop3A_222 = arith.index_cast %parallel_loop3A_221 : i32 to index
          %parallel_loop3A_223 = arith.constant 0 : index
          %parallel_loop3A_224 = tpu.vector_load %arg7[%parallel_loop3A_222, %parallel_loop3A_223] {strides = array<i32>} : memref<800x32xf32, #tpu.memory_space<vmem>>, vector<16xf32>,
          tpu.vector_store_idx %arg9[%parallel_loop3A_159, %add3A_5, %broadcast_in_dim3A_21], %parallel_loop3A_224 : memref<50x32x17xf32, #tpu.memory_space<vmem>>[vector<16xi32>, vector<16xi32>, vector<16xi32>], vector<16xf32>,
          %parallel_loop3A_225 = arith.constant 300 : i32
          %parallel_loop3A_226 = arith.addi %parallel_loop3A_225, %parallel_loop3A_155 : i32
          %parallel_loop3A_227 = arith.index_cast %parallel_loop3A_226 : i32 to index
          %parallel_loop3A_228 = arith.constant 16 : index
          %parallel_loop3A_229 = tpu.vector_load %arg7[%parallel_loop3A_227, %parallel_loop3A_228] {strides = array<i32>} : memref<800x32xf32, #tpu.memory_space<vmem>>, vector<16xf32>,
          tpu.vector_store_idx %arg9[%parallel_loop3A_159, %add3A_8, %broadcast_in_dim3A_21], %parallel_loop3A_229 : memref<50x32x17xf32, #tpu.memory_space<vmem>>[vector<16xi32>, vector<16xi32>, vector<16xi32>], vector<16xf32>,
          %parallel_loop3A_230 = arith.constant 350 : i32
          %parallel_loop3A_231 = arith.addi %parallel_loop3A_230, %parallel_loop3A_155 : i32
          %parallel_loop3A_232 = arith.index_cast %parallel_loop3A_231 : i32 to index
          %parallel_loop3A_233 = arith.constant 0 : index
          %parallel_loop3A_234 = tpu.vector_load %arg7[%parallel_loop3A_232, %parallel_loop3A_233] {strides = array<i32>} : memref<800x32xf32, #tpu.memory_space<vmem>>, vector<16xf32>,
          tpu.vector_store_idx %arg9[%parallel_loop3A_159, %add3A_5, %broadcast_in_dim3A_23], %parallel_loop3A_234 : memref<50x32x17xf32, #tpu.memory_space<vmem>>[vector<16xi32>, vector<16xi32>, vector<16xi32>], vector<16xf32>,
          %parallel_loop3A_235 = arith.constant 350 : i32
          %parallel_loop3A_236 = arith.addi %parallel_loop3A_235, %parallel_loop3A_155 : i32
          %parallel_loop3A_237 = arith.index_cast %parallel_loop3A_236 : i32 to index
          %parallel_loop3A_238 = arith.constant 16 : index
          %parallel_loop3A_239 = tpu.vector_load %arg7[%parallel_loop3A_237, %parallel_loop3A_238] {strides = array<i32>} : memref<800x32xf32, #tpu.memory_space<vmem>>, vector<16xf32>,
          tpu.vector_store_idx %arg9[%parallel_loop3A_159, %add3A_8, %broadcast_in_dim3A_23], %parallel_loop3A_239 : memref<50x32x17xf32, #tpu.memory_space<vmem>>[vector<16xi32>, vector<16xi32>, vector<16xi32>], vector<16xf32>,
          %parallel_loop3A_240 = arith.constant 400 : i32
          %parallel_loop3A_241 = arith.addi %parallel_loop3A_240, %parallel_loop3A_155 : i32
          %parallel_loop3A_242 = arith.index_cast %parallel_loop3A_241 : i32 to index
          %parallel_loop3A_243 = arith.constant 0 : index
          %parallel_loop3A_244 = tpu.vector_load %arg7[%parallel_loop3A_242, %parallel_loop3A_243] {strides = array<i32>} : memref<800x32xf32, #tpu.memory_space<vmem>>, vector<16xf32>,
          tpu.vector_store_idx %arg9[%parallel_loop3A_159, %add3A_5, %broadcast_in_dim3A_25], %parallel_loop3A_244 : memref<50x32x17xf32, #tpu.memory_space<vmem>>[vector<16xi32>, vector<16xi32>, vector<16xi32>], vector<16xf32>,
          %parallel_loop3A_245 = arith.constant 400 : i32
          %parallel_loop3A_246 = arith.addi %parallel_loop3A_245, %parallel_loop3A_155 : i32
          %parallel_loop3A_247 = arith.index_cast %parallel_loop3A_246 : i32 to index
          %parallel_loop3A_248 = arith.constant 16 : index
          %parallel_loop3A_249 = tpu.vector_load %arg7[%parallel_loop3A_247, %parallel_loop3A_248] {strides = array<i32>} : memref<800x32xf32, #tpu.memory_space<vmem>>, vector<16xf32>,
          tpu.vector_store_idx %arg9[%parallel_loop3A_159, %add3A_8, %broadcast_in_dim3A_25], %parallel_loop3A_249 : memref<50x32x17xf32, #tpu.memory_space<vmem>>[vector<16xi32>, vector<16xi32>, vector<16xi32>], vector<16xf32>,
          %parallel_loop3A_250 = arith.constant 450 : i32
          %parallel_loop3A_251 = arith.addi %parallel_loop3A_250, %parallel_loop3A_155 : i32
          %parallel_loop3A_252 = arith.index_cast %parallel_loop3A_251 : i32 to index
          %parallel_loop3A_253 = arith.constant 0 : index
          %parallel_loop3A_254 = tpu.vector_load %arg7[%parallel_loop3A_252, %parallel_loop3A_253] {strides = array<i32>} : memref<800x32xf32, #tpu.memory_space<vmem>>, vector<16xf32>,
          tpu.vector_store_idx %arg9[%parallel_loop3A_159, %add3A_5, %broadcast_in_dim3A_27], %parallel_loop3A_254 : memref<50x32x17xf32, #tpu.memory_space<vmem>>[vector<16xi32>, vector<16xi32>, vector<16xi32>], vector<16xf32>,
          %parallel_loop3A_255 = arith.constant 450 : i32
          %parallel_loop3A_256 = arith.addi %parallel_loop3A_255, %parallel_loop3A_155 : i32
          %parallel_loop3A_257 = arith.index_cast %parallel_loop3A_256 : i32 to index
          %parallel_loop3A_258 = arith.constant 16 : index
          %parallel_loop3A_259 = tpu.vector_load %arg7[%parallel_loop3A_257, %parallel_loop3A_258] {strides = array<i32>} : memref<800x32xf32, #tpu.memory_space<vmem>>, vector<16xf32>,
          tpu.vector_store_idx %arg9[%parallel_loop3A_159, %add3A_8, %broadcast_in_dim3A_27], %parallel_loop3A_259 : memref<50x32x17xf32, #tpu.memory_space<vmem>>[vector<16xi32>, vector<16xi32>, vector<16xi32>], vector<16xf32>,
          %parallel_loop3A_260 = arith.constant 500 : i32
          %parallel_loop3A_261 = arith.addi %parallel_loop3A_260, %parallel_loop3A_155 : i32
          %parallel_loop3A_262 = arith.index_cast %parallel_loop3A_261 : i32 to index
          %parallel_loop3A_263 = arith.constant 0 : index
          %parallel_loop3A_264 = tpu.vector_load %arg7[%parallel_loop3A_262, %parallel_loop3A_263] {strides = array<i32>} : memref<800x32xf32, #tpu.memory_space<vmem>>, vector<16xf32>,
          tpu.vector_store_idx %arg9[%parallel_loop3A_159, %add3A_5, %broadcast_in_dim3A_29], %parallel_loop3A_264 : memref<50x32x17xf32, #tpu.memory_space<vmem>>[vector<16xi32>, vector<16xi32>, vector<16xi32>], vector<16xf32>,
          %parallel_loop3A_265 = arith.constant 500 : i32
          %parallel_loop3A_266 = arith.addi %parallel_loop3A_265, %parallel_loop3A_155 : i32
          %parallel_loop3A_267 = arith.index_cast %parallel_loop3A_266 : i32 to index
          %parallel_loop3A_268 = arith.constant 16 : index
          %parallel_loop3A_269 = tpu.vector_load %arg7[%parallel_loop3A_267, %parallel_loop3A_268] {strides = array<i32>} : memref<800x32xf32, #tpu.memory_space<vmem>>, vector<16xf32>,
          tpu.vector_store_idx %arg9[%parallel_loop3A_159, %add3A_8, %broadcast_in_dim3A_29], %parallel_loop3A_269 : memref<50x32x17xf32, #tpu.memory_space<vmem>>[vector<16xi32>, vector<16xi32>, vector<16xi32>], vector<16xf32>,
          %parallel_loop3A_270 = arith.constant 550 : i32
          %parallel_loop3A_271 = arith.addi %parallel_loop3A_270, %parallel_loop3A_155 : i32
          %parallel_loop3A_272 = arith.index_cast %parallel_loop3A_271 : i32 to index
          %parallel_loop3A_273 = arith.constant 0 : index
          %parallel_loop3A_274 = tpu.vector_load %arg7[%parallel_loop3A_272, %parallel_loop3A_273] {strides = array<i32>} : memref<800x32xf32, #tpu.memory_space<vmem>>, vector<16xf32>,
          tpu.vector_store_idx %arg9[%parallel_loop3A_159, %add3A_5, %broadcast_in_dim3A_31], %parallel_loop3A_274 : memref<50x32x17xf32, #tpu.memory_space<vmem>>[vector<16xi32>, vector<16xi32>, vector<16xi32>], vector<16xf32>,
          %parallel_loop3A_275 = arith.constant 550 : i32
          %parallel_loop3A_276 = arith.addi %parallel_loop3A_275, %parallel_loop3A_155 : i32
          %parallel_loop3A_277 = arith.index_cast %parallel_loop3A_276 : i32 to index
          %parallel_loop3A_278 = arith.constant 16 : index
          %parallel_loop3A_279 = tpu.vector_load %arg7[%parallel_loop3A_277, %parallel_loop3A_278] {strides = array<i32>} : memref<800x32xf32, #tpu.memory_space<vmem>>, vector<16xf32>,
          tpu.vector_store_idx %arg9[%parallel_loop3A_159, %add3A_8, %broadcast_in_dim3A_31], %parallel_loop3A_279 : memref<50x32x17xf32, #tpu.memory_space<vmem>>[vector<16xi32>, vector<16xi32>, vector<16xi32>], vector<16xf32>,
          %parallel_loop3A_280 = arith.constant 600 : i32
          %parallel_loop3A_281 = arith.addi %parallel_loop3A_280, %parallel_loop3A_155 : i32
          %parallel_loop3A_282 = arith.index_cast %parallel_loop3A_281 : i32 to index
          %parallel_loop3A_283 = arith.constant 0 : index
          %parallel_loop3A_284 = tpu.vector_load %arg7[%parallel_loop3A_282, %parallel_loop3A_283] {strides = array<i32>} : memref<800x32xf32, #tpu.memory_space<vmem>>, vector<16xf32>,
          tpu.vector_store_idx %arg9[%parallel_loop3A_159, %add3A_5, %broadcast_in_dim3A_33], %parallel_loop3A_284 : memref<50x32x17xf32, #tpu.memory_space<vmem>>[vector<16xi32>, vector<16xi32>, vector<16xi32>], vector<16xf32>,
          %parallel_loop3A_285 = arith.constant 600 : i32
          %parallel_loop3A_286 = arith.addi %parallel_loop3A_285, %parallel_loop3A_155 : i32
          %parallel_loop3A_287 = arith.index_cast %parallel_loop3A_286 : i32 to index
          %parallel_loop3A_288 = arith.constant 16 : index
          %parallel_loop3A_289 = tpu.vector_load %arg7[%parallel_loop3A_287, %parallel_loop3A_288] {strides = array<i32>} : memref<800x32xf32, #tpu.memory_space<vmem>>, vector<16xf32>,
          tpu.vector_store_idx %arg9[%parallel_loop3A_159, %add3A_8, %broadcast_in_dim3A_33], %parallel_loop3A_289 : memref<50x32x17xf32, #tpu.memory_space<vmem>>[vector<16xi32>, vector<16xi32>, vector<16xi32>], vector<16xf32>,
          %parallel_loop3A_290 = arith.constant 650 : i32
          %parallel_loop3A_291 = arith.addi %parallel_loop3A_290, %parallel_loop3A_155 : i32
          %parallel_loop3A_292 = arith.index_cast %parallel_loop3A_291 : i32 to index
          %parallel_loop3A_293 = arith.constant 0 : index
          %parallel_loop3A_294 = tpu.vector_load %arg7[%parallel_loop3A_292, %parallel_loop3A_293] {strides = array<i32>} : memref<800x32xf32, #tpu.memory_space<vmem>>, vector<16xf32>,
          tpu.vector_store_idx %arg9[%parallel_loop3A_159, %add3A_5, %broadcast_in_dim3A_35], %parallel_loop3A_294 : memref<50x32x17xf32, #tpu.memory_space<vmem>>[vector<16xi32>, vector<16xi32>, vector<16xi32>], vector<16xf32>,
          %parallel_loop3A_295 = arith.constant 650 : i32
          %parallel_loop3A_296 = arith.addi %parallel_loop3A_295, %parallel_loop3A_155 : i32
          %parallel_loop3A_297 = arith.index_cast %parallel_loop3A_296 : i32 to index
          %parallel_loop3A_298 = arith.constant 16 : index
          %parallel_loop3A_299 = tpu.vector_load %arg7[%parallel_loop3A_297, %parallel_loop3A_298] {strides = array<i32>} : memref<800x32xf32, #tpu.memory_space<vmem>>, vector<16xf32>,
          tpu.vector_store_idx %arg9[%parallel_loop3A_159, %add3A_8, %broadcast_in_dim3A_35], %parallel_loop3A_299 : memref<50x32x17xf32, #tpu.memory_space<vmem>>[vector<16xi32>, vector<16xi32>, vector<16xi32>], vector<16xf32>,
          %parallel_loop3A_300 = arith.constant 700 : i32
          %parallel_loop3A_301 = arith.addi %parallel_loop3A_300, %parallel_loop3A_155 : i32
          %parallel_loop3A_302 = arith.index_cast %parallel_loop3A_301 : i32 to index
          %parallel_loop3A_303 = arith.constant 0 : index
          %parallel_loop3A_304 = tpu.vector_load %arg7[%parallel_loop3A_302, %parallel_loop3A_303] {strides = array<i32>} : memref<800x32xf32, #tpu.memory_space<vmem>>, vector<16xf32>,
          tpu.vector_store_idx %arg9[%parallel_loop3A_159, %add3A_5, %broadcast_in_dim3A_37], %parallel_loop3A_304 : memref<50x32x17xf32, #tpu.memory_space<vmem>>[vector<16xi32>, vector<16xi32>, vector<16xi32>], vector<16xf32>,
          %parallel_loop3A_305 = arith.constant 700 : i32
          %parallel_loop3A_306 = arith.addi %parallel_loop3A_305, %parallel_loop3A_155 : i32
          %parallel_loop3A_307 = arith.index_cast %parallel_loop3A_306 : i32 to index
          %parallel_loop3A_308 = arith.constant 16 : index
          %parallel_loop3A_309 = tpu.vector_load %arg7[%parallel_loop3A_307, %parallel_loop3A_308] {strides = array<i32>} : memref<800x32xf32, #tpu.memory_space<vmem>>, vector<16xf32>,
          tpu.vector_store_idx %arg9[%parallel_loop3A_159, %add3A_8, %broadcast_in_dim3A_37], %parallel_loop3A_309 : memref<50x32x17xf32, #tpu.memory_space<vmem>>[vector<16xi32>, vector<16xi32>, vector<16xi32>], vector<16xf32>,
          %parallel_loop3A_310 = arith.constant 750 : i32
          %parallel_loop3A_311 = arith.addi %parallel_loop3A_310, %parallel_loop3A_155 : i32
          %parallel_loop3A_312 = arith.index_cast %parallel_loop3A_311 : i32 to index
          %parallel_loop3A_313 = arith.constant 0 : index
          %parallel_loop3A_314 = tpu.vector_load %arg7[%parallel_loop3A_312, %parallel_loop3A_313] {strides = array<i32>} : memref<800x32xf32, #tpu.memory_space<vmem>>, vector<16xf32>,
          tpu.vector_store_idx %arg9[%parallel_loop3A_159, %add3A_5, %broadcast_in_dim3A_39], %parallel_loop3A_314 : memref<50x32x17xf32, #tpu.memory_space<vmem>>[vector<16xi32>, vector<16xi32>, vector<16xi32>], vector<16xf32>,
          %parallel_loop3A_315 = arith.constant 750 : i32
          %parallel_loop3A_316 = arith.addi %parallel_loop3A_315, %parallel_loop3A_155 : i32
          %parallel_loop3A_317 = arith.index_cast %parallel_loop3A_316 : i32 to index
          %parallel_loop3A_318 = arith.constant 16 : index
          %parallel_loop3A_319 = tpu.vector_load %arg7[%parallel_loop3A_317, %parallel_loop3A_318] {strides = array<i32>} : memref<800x32xf32, #tpu.memory_space<vmem>>, vector<16xf32>,
          tpu.vector_store_idx %arg9[%parallel_loop3A_159, %add3A_8, %broadcast_in_dim3A_39], %parallel_loop3A_319 : memref<50x32x17xf32, #tpu.memory_space<vmem>>[vector<16xi32>, vector<16xi32>, vector<16xi32>], vector<16xf32>,
        } {sc.loop_unroll_factor = 2 : i64, sc.parallel_access}
        %sub3A = arith.constant 1 : i32
        %sub3A_137 = arith.subi %add3A_103, %sub3A : i32
        %mul3A_138 = arith.constant 16 : i32
        %mul3A_139 = arith.muli %sub3A_137, %mul3A_138 : i32
        %add3A_140 = arith.addi %mul3A_2, %mul3A_139 : i32
        %dma_start3A_141 = arith.constant 0 : i32
        %dma_start3A_142 = arith.constant 0 : i32
        %dma_start3A_143 = arith.constant 0 : i32
        %dma_start3A_144 = tpu.memref_slice %arg9[%dma_start3A_141, %dma_start3A_142, %dma_start3A_143] : memref<50x32x17xf32, #tpu.memory_space<vmem>> -> memref<50x32x16xf32, #tpu.memory_space<vmem>>
        %dma_start3A_145 = arith.constant 0 : i32
        %dma_start3A_146 = arith.constant 0 : i32
        %dma_start3A_147 = tpu.memref_slice %arg4[%dma_start3A_145, %dma_start3A_146, %add3A_140] : memref<50x32x16384xf32, #tpu.memory_space<hbm>> -> memref<50x32x16xf32, #tpu.memory_space<hbm>>
        %dma_start3A_148 = arith.constant 0 : i32
        %dma_start3A_149 = arith.constant 0 : i32
        %dma_start3A_150 = tpu.memref_slice %arg4[%dma_start3A_148, %dma_start3A_149, %add3A_140] : memref<50x32x16384xf32, #tpu.memory_space<hbm>> -> memref<50x32x16xf32, #tpu.memory_space<hbm>>
        %dma_start3A_151 = arith.constant 0 : i32
        %dma_start3A_152 = arith.constant 0 : i32
        %dma_start3A_153 = arith.constant 0 : i32
        %dma_start3A_154 = tpu.memref_slice %arg9[%dma_start3A_151, %dma_start3A_152, %dma_start3A_153] : memref<50x32x17xf32, #tpu.memory_space<vmem>> -> memref<50x32x16xf32, #tpu.memory_space<vmem>>
        tpu.enqueue_dma source(%dma_start3A_154 : memref<50x32x16xf32, #tpu.memory_space<vmem>>) target(%dma_start3A_150 : memref<50x32x16xf32, #tpu.memory_space<hbm>>) target_semaphore(%arg15 : memref<!tpu.dma_semaphore, #tpu.memory_space<semaphore_mem>>)
      } else {
      }
    }
    %scan3A_49 = arith.constant 17 : i32
    %dma_wait3A = arith.constant 0 : i32
    %dma_wait3A_50 = arith.constant 0 : i32
    %dma_wait3A_51 = arith.constant 0 : i32
    %dma_wait3A_52 = tpu.memref_slice %arg9[%dma_wait3A, %dma_wait3A_50, %dma_wait3A_51] : memref<50x32x17xf32, #tpu.memory_space<vmem>> -> memref<50x32x16xf32, #tpu.memory_space<vmem>>
    %dma_wait3A_53 = arith.constant 0 : i32
    %dma_wait3A_54 = arith.constant 0 : i32
    %dma_wait3A_55 = arith.constant 0 : i32
    %dma_wait3A_56 = tpu.memref_slice %arg4[%dma_wait3A_53, %dma_wait3A_54, %dma_wait3A_55] : memref<50x32x16384xf32, #tpu.memory_space<hbm>> -> memref<50x32x16xf32, #tpu.memory_space<hbm>>
    %dma_wait3A_57 = arith.constant 0 : i32
    %dma_wait3A_58 = arith.constant 0 : i32
    %dma_wait3A_59 = arith.constant 0 : i32
    %dma_wait3A_60 = tpu.memref_slice %arg4[%dma_wait3A_57, %dma_wait3A_58, %dma_wait3A_59] : memref<50x32x16384xf32, #tpu.memory_space<hbm>> -> memref<50x32x16xf32, #tpu.memory_space<hbm>>
    %dma_wait3A_61 = arith.constant 0 : i32
    %dma_wait3A_62 = arith.constant 0 : i32
    %dma_wait3A_63 = arith.constant 0 : i32
    %dma_wait3A_64 = tpu.memref_slice %arg9[%dma_wait3A_61, %dma_wait3A_62, %dma_wait3A_63] : memref<50x32x17xf32, #tpu.memory_space<vmem>> -> memref<50x32x16xf32, #tpu.memory_space<vmem>>
    tpu.wait_dma2 semaphore(%arg15 : memref<!tpu.dma_semaphore, #tpu.memory_space<semaphore_mem>>) src(%dma_wait3A_64 : memref<50x32x16xf32, #tpu.memory_space<vmem>>) dst(%dma_wait3A_60 : memref<50x32x16xf32, #tpu.memory_space<hbm>>)
    %dma_wait3A_65 = arith.constant 0 : i32
    %dma_wait3A_66 = arith.constant 0 : i32
    %dma_wait3A_67 = arith.constant 0 : i32
    %dma_wait3A_68 = tpu.memref_slice %arg10[%dma_wait3A_65, %dma_wait3A_66, %dma_wait3A_67] : memref<50x32x17xf32, #tpu.memory_space<vmem>> -> memref<50x32x16xf32, #tpu.memory_space<vmem>>
    %dma_wait3A_69 = arith.constant 0 : i32
    %dma_wait3A_70 = arith.constant 0 : i32
    %dma_wait3A_71 = arith.constant 0 : i32
    %dma_wait3A_72 = tpu.memref_slice %arg4[%dma_wait3A_69, %dma_wait3A_70, %dma_wait3A_71] : memref<50x32x16384xf32, #tpu.memory_space<hbm>> -> memref<50x32x16xf32, #tpu.memory_space<hbm>>
    %dma_wait3A_73 = arith.constant 0 : i32
    %dma_wait3A_74 = arith.constant 0 : i32
    %dma_wait3A_75 = arith.constant 0 : i32
    %dma_wait3A_76 = tpu.memref_slice %arg4[%dma_wait3A_73, %dma_wait3A_74, %dma_wait3A_75] : memref<50x32x16384xf32, #tpu.memory_space<hbm>> -> memref<50x32x16xf32, #tpu.memory_space<hbm>>
    %dma_wait3A_77 = arith.constant 0 : i32
    %dma_wait3A_78 = arith.constant 0 : i32
    %dma_wait3A_79 = arith.constant 0 : i32
    %dma_wait3A_80 = tpu.memref_slice %arg10[%dma_wait3A_77, %dma_wait3A_78, %dma_wait3A_79] : memref<50x32x17xf32, #tpu.memory_space<vmem>> -> memref<50x32x16xf32, #tpu.memory_space<vmem>>
    tpu.wait_dma2 semaphore(%arg16 : memref<!tpu.dma_semaphore, #tpu.memory_space<semaphore_mem>>) src(%dma_wait3A_80 : memref<50x32x16xf32, #tpu.memory_space<vmem>>) dst(%dma_wait3A_76 : memref<50x32x16xf32, #tpu.memory_space<hbm>>)
    return
  }
}

</mosaic_0001>

<sc_bundles>
// kernel: kernel.3.cloned.1.call-start
scs
__scs_entry_jumppad:
0x0: {  	(pc) =	sbr.rel $0x88, $3  }
0x1: {  	(tag) =	ssettag $0x0;
	lr =	simm.s32 $0x1  }
0x2: {  	[smem:$0x3F9F] =	sst lr;
	_ =	strace $0xD0000000  }
0x3: {  	_ = 	snop  }
0x4: {  	_ = 	snop  }
0x5: {  	_ = 	snop  }
0x6: {  	_ = 	snop  }
0x7: {  	_ = 	snop  }
__scs_overlays_trampoline_lowered:
0x8: {  	[smem:$0x3FAE] =	sst s0  }
0x9: {  	[smem:$0x3FAF] =	sst s1  }
0xa: {  	[smem:$0x3FB0] =	sst s2  }
0xb: {  	[smem:$0x3FB1] =	sst s3  }
0xc: {  	[smem:$0x3FB2] =	sst s4  }
0xd: {  	[smem:$0x3FB3] =	sst s5  }
0xe: {  	[smem:$0x3FB4] =	sst s6  }
0xf: {  	[smem:$0x3FB5] =	sst s7  }
0x10: {  	[smem:$0x3FB6] =	sst s8  }
0x11: {  	[smem:$0x3FB7] =	sst s9;
	s0 =	simm.s32 @!p0 $0x0  }
0x12: {  	s1 =	sld [smem:$0x3F9D];
	s0 =	simm.s32 @p0 $0x1  }
0x13: {  	[smem:$0x3FB8] =	sst s0;
	s0 =	simm.s32 @!p1 $0x0  }
0x14: {  	s2 =	sld [smem:$0x3F9C];
	s0 =	simm.s32 @p1 $0x1  }
0x15: {  	[smem:$0x3FB9] =	sst s0;
	s0 =	simm.s32 @!p2 $0x0  }
0x16: {  	s3 =	sld [smem:$0x3FDB];
	s0 =	simm.s32 @p2 $0x1  }
0x17: {  	s4 =	simm.s32 $0x1BF5;
	[smem:$0x3FBB] =	sst s0  }
0x18: {  	s0 =	sld [smem:$0x3F9E];
	_ =	swait.ge [sflag:s4], $0x0  }
0x19: {  	s7 =	sld [smem:$0x3F9F]  }
0x1a: {  	s8 =	sadd.s32 $0xFFFFE003, lr  }
0x1b: {  	s9 =	sadd.s32 $0xFFFFFEF7, lr;
	s5 =	simm.s32 $0xFFFFFFFF;
	p2 =	slt.u32 s8, $0xFFFFF086  }
0x1c: {  	p1 =	slt.u32 s9, $0xF7A;
	s5 =	simm.s32 @!p2 $0x0  }
0x1d: {  	s5 =	simm.s32 @p1 $0x1;
	p0 =	seq.s32 s7, s2  }
0x1e: {  	s7 =	smul.u32 @!p0 $0xF7A, s2;
	p2 =	seq.s32 @!p0 s5, $0x0  }
0x1f: {  	s9 =	smul.u32 $0xF7A, s1;
	s8 =	simm.s32 @!p0 $0x1BF5;
	p2 =	por !p2, p0  }
0x20: {  	[sflag:s8] =	ssyncset.s32 @!p0 $0xFFFFF086;
	s6 =	sadd.s32 @!p0 s3, s7;
	s7 =	simm.s32 @!p0 $0x108  }
0x21: {  	s3 =	sadd.s32 s3, s9;
	s6 =	sadd.s32 @!p0 $0x88, s6;
	s7 =	simm.s32 @p2 $0x1082  }
0x22: {  	[simem:s7], [sflag:s8] =	dma.local @!p0 [hbm:s6], $0xF7A  }
0x23: {  	s9 =	sor.u32 $0xD0000000, s2;
	s6 =	simm.s32 $0x108;
	_ =	swait.ge @!p0 [sflag:s8], $0x0  }
0x24: {  	s3 =	sadd.s32 $0x88, s3;
	s6 =	simm.s32 @!p1 $0x1082;
	[sflag:s4] =	ssyncset.s32 $0xFFFFF086  }
0x25: {  	[simem:s6], [sflag:s4] =	dma.local [hbm:s3], $0xF7A  }
0x26: {  	[smem:$0x3F9F] =	sst s1;
	(tag) =	ssettag s2;
	_ =	strace s9  }
0x27: {  	s1 =	sld [smem:$0x3FAF]  }
0x28: {  	s2 =	sld [smem:$0x3FB0]  }
0x29: {  	s4 =	sld [smem:$0x3FB2]  }
0x2a: {  	p0 =	seq.s32 s5, $0x0;
	s5 =	sld [smem:$0x3FB3]  }
0x2b: {  	s6 =	sld [smem:$0x3FB4]  }
0x2c: {  	s7 =	sld [smem:$0x3FB5]  }
0x2d: {  	s3 =	simm.s32 $0x108;
	s8 =	sld [smem:$0x3FB6]  }
0x2e: {  	s3 =	simm.s32 @!p0 $0x1082;
	s9 =	sld [smem:$0x3FB7]  }
0x2f: {  	lr =	sadd.s32 s0, s3;
	s0 =	sld [smem:$0x3FAE]  }
0x30: {  	s3 =	sld [smem:$0x3FB1]  }
0x31: {  	[smem:$0x3FBA] =	sst s10  }
0x32: {  	s10 =	sld [smem:$0x3FB8];
	_ =	sdelay $0x3  }
0x33: {  	p0 =	seq.s32 s10, $0x1;
	s10 =	sld [smem:$0x3FBA];
	_ =	sdelay $0x3  }
0x34: {  	[smem:$0x3FBA] =	sst s10  }
0x35: {  	s10 =	sld [smem:$0x3FB9];
	_ =	sdelay $0x3  }
0x36: {  	p1 =	seq.s32 s10, $0x1;
	s10 =	sld [smem:$0x3FBA];
	_ =	sdelay $0x3  }
0x37: {  	[smem:$0x3FBA] =	sst s10  }
0x38: {  	s10 =	sld [smem:$0x3FBB]  }
0x39: {  	_ = 	snop;
	(pc) =	sbr.ind lr, $3  }
0x3a: {  	_ = 	snop  }
0x3b: {  	_ = 	snop  }
0x3c: {  	p2 =	seq.s32 s10, $0x1;
	s10 =	sld [smem:$0x3FBA]  }
0x3d: {  	_ =	shalt  }
0x3e: {  	_ =	shalt  }
0x3f: {  	_ =	shalt  }
0x40: {  	_ =	shalt  }
0x41: {  	_ =	shalt  }
0x42: {  	_ =	shalt  }
0x43: {  	_ =	shalt  }
0x44: {  	_ =	shalt  }
0x45: {  	_ =	shalt  }
0x46: {  	_ =	shalt  }
0x47: {  	_ =	shalt  }
0x48: {  	_ =	shalt  }
0x49: {  	_ =	shalt  }
0x4a: {  	_ =	shalt  }
0x4b: {  	_ =	shalt  }
0x4c: {  	_ =	shalt  }
0x4d: {  	_ =	shalt  }
0x4e: {  	_ =	shalt  }
0x4f: {  	_ =	shalt  }
0x50: {  	_ =	shalt  }
0x51: {  	_ =	shalt  }
0x52: {  	_ =	shalt  }
0x53: {  	_ =	shalt  }
0x54: {  	_ =	shalt  }
0x55: {  	_ =	shalt  }
0x56: {  	_ =	shalt  }
0x57: {  	_ =	shalt  }
0x58: {  	_ =	shalt  }
0x59: {  	_ =	shalt  }
0x5a: {  	_ =	shalt  }
0x5b: {  	_ =	shalt  }
0x5c: {  	_ =	shalt  }
0x5d: {  	_ =	shalt  }
0x5e: {  	_ =	shalt  }
0x5f: {  	_ =	shalt  }
0x60: {  	_ =	shalt  }
0x61: {  	_ =	shalt  }
0x62: {  	_ =	shalt  }
0x63: {  	_ =	shalt  }
0x64: {  	_ =	shalt  }
0x65: {  	_ =	shalt  }
0x66: {  	_ =	shalt  }
0x67: {  	_ =	shalt  }
0x68: {  	_ =	shalt  }
0x69: {  	_ =	shalt  }
0x6a: {  	_ =	shalt  }
0x6b: {  	_ =	shalt  }
0x6c: {  	_ =	shalt  }
0x6d: {  	_ =	shalt  }
0x6e: {  	_ =	shalt  }
0x6f: {  	_ =	shalt  }
0x70: {  	_ =	shalt  }
0x71: {  	_ =	shalt  }
0x72: {  	_ =	shalt  }
0x73: {  	_ =	shalt  }
0x74: {  	_ =	shalt  }
0x75: {  	_ =	shalt  }
0x76: {  	_ =	shalt  }
0x77: {  	_ =	shalt  }
0x78: {  	_ =	shalt  }
0x79: {  	_ =	shalt  }
0x7a: {  	_ =	shalt  }
0x7b: {  	_ =	shalt  }
0x7c: {  	_ =	shalt  }
0x7d: {  	_ =	shalt  }
0x7e: {  	_ =	shalt  }
0x7f: {  	_ =	shalt  }
0x80: {  	_ =	shalt  }
0x81: {  	_ =	shalt  }
0x82: {  	_ =	shalt  }
0x83: {  	_ =	shalt  }
0x84: {  	_ =	shalt  }
0x85: {  	_ =	shalt  }
0x86: {  	_ =	shalt  }
0x87: {  	_ =	shalt  }
.Lfunc_end0:
.L_simem_size_0:
called_computation_lowered:
.L_overlay_start_0:
0x88: {  	s2 =	sld [smem:$0x3FD9]  }
0x89: {  	s3 =	sld [smem:$0x3FFE];
	_ =	sdelay $0x1  }
0x8a: {  	s1 =	srdreg.scid  }
0x8b: {  	s0 =	sand.u32 $0x1, s1  }
0x8c: {  	s17 =	sshll.u32 s0, $0xA;
	s2 =	sadd.s32 s3, s2  }
0x8d: {  	s2 =	sadd.s32 s2, s17  }
0x8e: {  	[smem:$0x3FC6] =	sst s2  }
0x8f: {  	_ = 	snop  }
0x90: {  	s2 =	sld [smem:$0x3FD0];
	(tm) =	ssettm $0x1  }
0x91: {  	s18 =	sld [smem:$0x3FFB];
	_ =	sdelay $0x3  }
0x92: {  	_ =	strace s18  }
0x93: {  	s3 =	sld [smem:$0x3FFC];
	_ =	sdelay $0x3  }
0x94: {  	_ =	strace s3  }
0x95: {  	s3 =	sld [smem:$0x3FFD];
	_ =	sdelay $0x3  }
0x96: {  	_ =	strace s3  }
0x97: {  	_ =	strace $0x8FFFFFFF  }
0x98: {  	s19 =	sld [smem:$0x3FDB];
	_ =	sdelay $0x1  }
0x99: {  	s4 =	simm.s32 $_scs_section_size  }
0x9a: {  	s5 =	simm.s32 $_size__tile_overlayer_lowered;
	s6 =	simm.s32 $_tile_overlayer_lowered  }
0x9b: {  	s22 =	simm.s32 $0x1BFF;
	s21 =	sshll.u32 s6, $0x1;
	s3 =	sadd.s32 s4, s19  }
0x9c: {  	s7 =	simm.s32 $0x0;
	s20 =	sshll.u32 s5, $0x1;
	s5 =	sadd.s32 s21, s3  }
0x9d: {  	[timem:s7], [sflag:s22] =	dma.local [hbm:s5], s20  }
0x9e: {  	_ =	swait.ge [sflag:s22], s20  }
0x9f: {  	s4 =	ssub.s32 $0x0, s20;
	[sflag:s22] =	ssyncset.done $0x0  }
0xa0: {  	[sflag:s22] =	ssyncadd.s32 s4;
	_ =	sdelay $0x1  }
0xa1: {  	s23 =	simm.s32 $0x1B8B  }
0xa2: {  	_ =	swait.ge [sflag:s23], $0x1  }
0xa3: {  	[sflag:s23] =	ssyncset.done $0x0  }
0xa4: {  	s25 =	simm.s32 $0x1B8E;
	s24 =	sld [smem:$0x3FFE];
	[sflag:s23] =	ssyncadd.s32 $0xFFFFFFFF  }
0xa5: {  	s26 =	simm.s32 $execute0_lowered;
	[smem:$0x3FD2] =	sst s25  }
0xa6: {  	s5 =	sshll.u32 s26, $0x1;
	_ =	strace $0x80000046;
	[dreg:$0x1] =	wrdreg $0xFFFFFFFF  }
0xa7: {  	s28 =	simm.s32 $_size_execute0_lowered;
	s3 =	sadd.s32 s3, s5;
	[dreg:$0x0] =	wrdreg $0x0  }
0xa8: {  	s5 =	sshll.u32 s28, $0x1;
	[dreg:$0x2] =	wrdreg s3  }
0xa9: {  	[dreg:$0x3] =	wrdreg s5  }
0xaa: {  	[dreg:$0x4] =	wrdreg $0xC0  }
0xab: {  	_ =	task [dreg:s7], $0x5FFFF  }
0xac: {  	[dreg:$0x1] =	wrdreg $0xFFFFFFFF  }
0xad: {  	[dreg:$0x0] =	wrdreg $0x60  }
0xae: {  	[dreg:$0x2] =	wrdreg s2  }
0xaf: {  	[dreg:$0x3] =	wrdreg s24  }
0xb0: {  	[dreg:$0x4] =	wrdreg $0x9  }
0xb1: {  	_ =	task.clear_ibuf [dreg:s7], $0x5FFFF;
	_ =	strace $0x90000046  }
0xb2: {  	s29 =	simm.s32 $0x9;
	_ =	strace $0x80000048  }
0xb3: {  	_ =	swait.ge [sflag:s29], $0x1  }
0xb4: {  	[sflag:s29] =	ssyncadd.s32 $0xFFFFFFFF  }
0xb5: {  	_ =	strace $0x90000048  }
0xb6: {  	_ =	sfence  }
0xb7: {  	s30 =	sld [smem:$0x0];
	_ =	sdelay $0x2  }
0xb8: {  	s31 =	sshll.u32 s1, $0xD;
	s1 =	sshrl.u32 s1, $0x2  }
0xb9: {  	s3 =	sand.u32 $0x4000, s31;
	s1 =	sadd.s32 s1, s30  }
0xba: {  	s0 =	sor.u32 s3, s0;
	s1 =	sshll.u32 s1, $0x11  }
0xbb: {  	s0 =	sor.u32 s1, s0  }
0xbc: {  	s0 =	sadd.s32 $0x8F2B, s0  }
0xbd: {  	[sflag:s0] =	ssyncadd.remote.s32 $0x1  }
0xbe: {  	_ =	sfence.sel $0xFFFF  }
0xbf: {  	[dreg:$0x0] =	wrdreg $0xFFFFFFFF;
	(pc) =	sbr.abs _section_cstart, $3  }
0xc0: {  	[dreg:$0x1] =	wrdreg $0xFFFFFFFF  }
0xc1: {  	_ =	task.clear_ibuf [dreg:s7], $0x2FFFF;
	_ =	strace $0x9FFFFFFF  }
0xc2: {  	(tm) =	ssettm $0x7FFFFFFF  }
0xc3: {  	_ =	shalt  }
tec
execute0_lowered:
.L_overlay_start_1:
0x0: {  	(tag) =	ssettag $0x1  }
0x1: {  	s2 =	rddreg [dreg:$0x0]  }
0x2: {  	s0 =	rddreg [dreg:$0x1];
	v0 =	vlaneseq.u32  }
0x3: {  	s1 =	srdreg.scid;
	s4 =	stileid.u32;
	s3 =	simm.s32 $0x0;
	v0 =	vmul.u32 $0x18, v0  }
0x4: {  	s11 =	simm.s32 $0x4;
	s12 =	simm.s32 $0x16500;
	s13 =	simm.s32 $0x3  }
0x5: {  	s14 =	simm.s32 $0xCF00;
	s17 =	simm.s32 $0x2;
	s18 =	simm.s32 $0x32;
	v1 =	vadd.s32 $0x180, v0  }
0x6: {  	s23 =	simm.s32 $0x5E8;
	s24 =	simm.s32 $0xAFC0;
	s28 =	simm.s32 $0x658;
	v2 =	vor.u32 $0x1, v0;
	v3 =	vadd.s32 $0x181, v0;
	v4 =	vor.u32 $0x2, v0  }
0x7: {  	s29 =	simm.s32 $0xBC40;
	s30 =	simm.s32 $0x690;
	s31 =	simm.s32 $0xC280;
	v5 =	vadd.s32 $0x182, v0;
	v6 =	vor.u32 $0x3, v0;
	v7 =	vadd.s32 $0x183, v0  }
0x8: {  	s15 =	simm.s32 $0x0;
	s1 =	sand.u32 $0x1, s1;
	s4 =	sshll.u32 s4, $0xA;
	v8 =	vor.u32 $0x4, v0;
	v9 =	vadd.s32 $0x184, v0;
	v10 =	vor.u32 $0x5, v0  }
0x9: {  	[smem:$0x7FF] =	sst s3;
	s6 =	sadd.s32 $0x600, s0;
	s5 =	sshll.u32 s1, $0x9;
	v11 =	vadd.s32 $0x185, v0;
	v12 =	vor.u32 $0x6, v0;
	v13 =	vadd.s32 $0x186, v0  }
0xa: {  	s1 =	ssub.s32 $0x2, s1;
	_ =	strace $0x80000047;
	s4 =	sor.u32 s5, s4;
	v14 =	vor.u32 $0x7, v0;
	v15 =	vadd.s32 $0x187, v0;
	v16 =	vadd.s32 $0x8, v0  }
.Ltmp0:
0xb: {  	s7 =	sshrl.u32 s1, $0x1;
	s5 =	sadd.s32 $0xF42C00, s0;
	v17 =	vadd.s32 $0x188, v0;
	v18 =	vadd.s32 $0x9, v0;
	v19 =	vadd.s32 $0x189, v0;
	(pc) =	sbr.rel .LBB2_1-.Ltmp0, $4  }
0xc: {  	v20 =	vadd.s32 $0xA, v0;
	v21 =	vadd.s32 $0x18A, v0;
	v22 =	vadd.s32 $0xB, v0;
	s8 =	smul.u32 $0x7, s4;
	s25 =	ssub.s32 s1, s7;
	s9 =	sor.u32 $0x20, s4  }
0xd: {  	v23 =	vadd.s32 $0x18B, v0;
	v24 =	vadd.s32 $0xC, v0;
	v25 =	vadd.s32 $0x18C, v0;
	s1 =	simm.s32 $0xC8C0;
	s0 =	smax.u32 s25, $0x1;
	s25 =	simm.s32 $0x620  }
0xe: {  	v26 =	vadd.s32 $0xD, v0;
	v27 =	vadd.s32 $0x18D, v0;
	v28 =	vadd.s32 $0xE, v0;
	s26 =	sadd.s32 s2, s8;
	s8 =	sadd.s32 $0xFFFFFFF0, s4;
	[dreg:$0x4] =	wrdreg s0  }
0xf: {  	v29 =	vadd.s32 $0x18E, v0;
	v30 =	vadd.s32 $0xF, v0;
	v31 =	vadd.s32 $0x18F, v0;
	s0 =	simm.s32 $0x6C8;
	[dreg:$0x3] =	wrdreg s26;
	s26 =	simm.s32 $0xB600  }
.LBB2_15:
0x10: {  	s7 =	simm.s32 $0x5  }
0x11: {  	_ =	swait.ge [sflag:s7], $0x6400  }
0x12: {  	[sflag:s7] =	ssyncset.done $0x0  }
0x13: {  	s10 =	simm.s32 $0x6;
	[sflag:s7] =	ssyncadd.s32 $0xFFFF9C00  }
0x14: {  	_ =	swait.ge [sflag:s10], $0x6400  }
0x15: {  	s15 =	rddreg [dreg:$0x5]  }
0x16: {  	s22 =	rddreg [dreg:$0x4];
	s15 =	sadd.s32 $0x1, s15  }
0x17: {  	p0 =	sne.s32 s15, s22  }
.Ltmp1:
0x18: {  	_ = 	snop;
	(pc) =	sbr.rel @!p0 .LBB2_16-.Ltmp1, $3  }
0x19: {  	_ =	sdelay $0x1  }
0x1a: {  	[sflag:s10] =	ssyncset.done $0x0  }
0x1b: {  	[sflag:s10] =	ssyncadd.s32 $0xFFFF9C00  }
.LBB2_1:
.Ltmp2:
0x1c: {  	(pc) =	sbr.rel .LBB2_2-.Ltmp2, $4  }
0x1d: {  	_ = 	snop  }
0x1e: {  	s7 =	rddreg [dreg:$0x3]  }
0x1f: {  	[tilespmem:s3], [sflag:$0x1] =	stream.linear.gather [hbm4b:s7+s3], $0x380, $0x38;
	[tilespmem:$0x1FB00] =	vst v63  }
0x20: {  	[dreg:$0x5] =	wrdreg s15;
	s7 =	simm.s32 $0x0  }
.LBB2_14:
0x21: {  	s7 =	sadd.s32 $0x1, s7  }
0x22: {  	p0 =	sne.s32 s7, $0x11  }
.Ltmp3:
0x23: {  	_ = 	snop;
	(pc) =	sbr.rel @!p0 .LBB2_15-.Ltmp3, $1  }
0x24: {  	_ =	sdelay $0x3  }
.LBB2_2:
0x25: {  	p0 =	seq.s32 s7, $0x10  }
0x26: {  	s10 =	simm.s32 @!p0 $0x1  }
0x27: {  	_ =	swait.ge @!p0 [sflag:s10], $0x380  }
0x28: {  	s15 =	simm.s32 @!p0 $0x32;
	[sflag:s10] =	ssyncset.done @!p0 $0x0  }
0x29: {  	s16 =	simm.s32 @!p0 $0x0;
	[sflag:s10] =	ssyncadd.s32 @!p0 $0xFFFFFC80;
	s10 =	simm.s32 @!p0 $0x700  }
0x2a: {  	[tilespmem:s10], [sflag:$0x3] =	stream.indirect.gather @!p0 [hbm4b:s5+s15], $0x20, s16, s15, $0xb8;
	[tilespmem:$0x1FB00] =	vst v63  }
0x2b: {  	s19 =	simm.s32 @!p0 $0xD40;
	s10 =	simm.s32 @!p0 $0x38  }
0x2c: {  	[tilespmem:s19], [sflag:$0x3] =	stream.indirect.gather @!p0 [hbm4b:s5+s15], $0x20, s10, s15, $0xb8;
	[tilespmem:$0x1FB00] =	vst v63  }
0x2d: {  	s10 =	simm.s32 @!p0 $0x70;
	s19 =	simm.s32 @!p0 $0x1380  }
0x2e: {  	[tilespmem:s19], [sflag:$0x3] =	stream.indirect.gather @!p0 [hbm4b:s5+s15], $0x20, s10, s15, $0xb8;
	[tilespmem:$0x1FB00] =	vst v63  }
0x2f: {  	s10 =	simm.s32 @!p0 $0xA8;
	s19 =	simm.s32 @!p0 $0x19C0  }
0x30: {  	[tilespmem:s19], [sflag:$0x3] =	stream.indirect.gather @!p0 [hbm4b:s5+s15], $0x20, s10, s15, $0xb8;
	[tilespmem:$0x1FB00] =	vst v63  }
0x31: {  	s10 =	simm.s32 @!p0 $0xE0;
	s19 =	simm.s32 @!p0 $0x2000  }
0x32: {  	[tilespmem:s19], [sflag:$0x3] =	stream.indirect.gather @!p0 [hbm4b:s5+s15], $0x20, s10, s15, $0xb8;
	[tilespmem:$0x1FB00] =	vst v63  }
0x33: {  	s10 =	simm.s32 @!p0 $0x118;
	s19 =	simm.s32 @!p0 $0x2640  }
0x34: {  	[tilespmem:s19], [sflag:$0x3] =	stream.indirect.gather @!p0 [hbm4b:s5+s15], $0x20, s10, s15, $0xb8;
	[tilespmem:$0x1FB00] =	vst v63  }
0x35: {  	s10 =	simm.s32 @!p0 $0x150;
	s19 =	simm.s32 @!p0 $0x2C80  }
0x36: {  	[tilespmem:s19], [sflag:$0x3] =	stream.indirect.gather @!p0 [hbm4b:s5+s15], $0x20, s10, s15, $0xb8;
	[tilespmem:$0x1FB00] =	vst v63  }
0x37: {  	s10 =	simm.s32 @!p0 $0x188;
	s19 =	simm.s32 @!p0 $0x32C0  }
0x38: {  	[tilespmem:s19], [sflag:$0x3] =	stream.indirect.gather @!p0 [hbm4b:s5+s15], $0x20, s10, s15, $0xb8;
	[tilespmem:$0x1FB00] =	vst v63  }
0x39: {  	s10 =	simm.s32 @!p0 $0x1C0;
	s19 =	simm.s32 @!p0 $0x3900  }
0x3a: {  	[tilespmem:s19], [sflag:$0x3] =	stream.indirect.gather @!p0 [hbm4b:s5+s15], $0x20, s10, s15, $0xb8;
	[tilespmem:$0x1FB00] =	vst v63  }
0x3b: {  	s10 =	simm.s32 @!p0 $0x1F8;
	s19 =	simm.s32 @!p0 $0x3F40  }
0x3c: {  	[tilespmem:s19], [sflag:$0x3] =	stream.indirect.gather @!p0 [hbm4b:s5+s15], $0x20, s10, s15, $0xb8;
	[tilespmem:$0x1FB00] =	vst v63  }
0x3d: {  	s10 =	simm.s32 @!p0 $0x230;
	s19 =	simm.s32 @!p0 $0x4580  }
0x3e: {  	[tilespmem:s19], [sflag:$0x3] =	stream.indirect.gather @!p0 [hbm4b:s5+s15], $0x20, s10, s15, $0xb8;
	[tilespmem:$0x1FB00] =	vst v63  }
0x3f: {  	s10 =	simm.s32 @!p0 $0x268;
	s19 =	simm.s32 @!p0 $0x4BC0  }
0x40: {  	[tilespmem:s19], [sflag:$0x3] =	stream.indirect.gather @!p0 [hbm4b:s5+s15], $0x20, s10, s15, $0xb8;
	[tilespmem:$0x1FB00] =	vst v63  }
0x41: {  	s10 =	simm.s32 @!p0 $0x2A0;
	s19 =	simm.s32 @!p0 $0x5200  }
0x42: {  	[tilespmem:s19], [sflag:$0x3] =	stream.indirect.gather @!p0 [hbm4b:s5+s15], $0x20, s10, s15, $0xb8;
	[tilespmem:$0x1FB00] =	vst v63  }
0x43: {  	s10 =	simm.s32 @!p0 $0x2D8;
	s19 =	simm.s32 @!p0 $0x5840  }
0x44: {  	[tilespmem:s19], [sflag:$0x3] =	stream.indirect.gather @!p0 [hbm4b:s5+s15], $0x20, s10, s15, $0xb8;
	[tilespmem:$0x1FB00] =	vst v63  }
0x45: {  	s10 =	simm.s32 @!p0 $0x310;
	s19 =	simm.s32 @!p0 $0x5E80  }
0x46: {  	[tilespmem:s19], [sflag:$0x3] =	stream.indirect.gather @!p0 [hbm4b:s5+s15], $0x20, s10, s15, $0xb8;
	[tilespmem:$0x1FB00] =	vst v63  }
0x47: {  	s20 =	simm.s32 @!p0 $0x348;
	s21 =	simm.s32 @!p0 $0x64C0  }
0x48: {  	[tilespmem:s21], [sflag:$0x3] =	stream.indirect.gather @!p0 [hbm4b:s5+s15], $0x20, s20, s15, $0xb8;
	[tilespmem:$0x1FB00] =	vst v63  }
0x49: {  	s15 =	sshll.u32 @!p0 s7, $0x1  }
0x4a: {  	s15 =	sadd.s32 @!p0 $0xFFFFFFFE, s15  }
0x4b: {  	s10 =	sshllo.u32 @!p0 s7, $0x1;
	p1 =	sgt.u32 @!p0 s15, $0x1F  }
0x4c: {  	s19 =	sshll.u32 @!p0 s10, $0x4;
	p1 =	por p0, !p1  }
.Ltmp4:
0x4d: {  	s19 =	sadd.s32 @!p0 s4, s19;
	(pc) =	sbr.rel @!p1 .LBB2_8-.Ltmp4, $3  }
0x4e: {  	s19 =	smul.u32 @!p0 $0x7, s19;
	_ =	sdelay $0x1  }
0x4f: {  	s20 =	simm.s32 @!p0 $0x380;
	s19 =	sadd.s32 @!p0 s2, s19  }
0x50: {  	[tilespmem:s20], [sflag:$0x2] =	stream.linear.gather @!p0 [hbm4b:s19+s16], $0x380, $0x38;
	[tilespmem:$0x1FB00] =	vst v63  }
0x51: {  	_ =	swait.ge [sflag:s11], $0x6400;
	s15 =	simm.s32 $0x1  }
0x52: {  	p1 =	slt.u32 s7, $0x2;
	s16 =	simm.s32 $0x0;
	[sflag:s11] =	ssyncset.done $0x0;
	v32 =	vmov s15  }
0x53: {  	s15 =	simm.s32 @!p1 $0x6;
	v33 =	vmov s16;
	[sflag:s11] =	ssyncadd.s32 $0xFFFF9C00;
	v32 =	vmul.u32 $0x300, v32  }
0x54: {  	v33 =	vmul.u32 $0x300, v33;
	_ =	swait.ge @!p1 [sflag:s15], $0x6400  }
0x55: {  	[sflag:s15] =	ssyncset.done @!p1 $0x0;
	v37 =	vbroadcast v32, $0x0  }
0x56: {  	s16 =	simm.s32 $0x6B00;
	v34 =	vbroadcast v33, $0x0;
	[sflag:s15] =	ssyncadd.s32 @!p1 $0xFFFF9C00  }
0x57: {  	v52 =	vld [tilespmem:s16+$0x20];
	v53 =	vadd.s32 v0, v37  }
0x58: {  	v35 =	vld [tilespmem:s16+$0x0];
	v36 =	vor.u32 v0, v34;
	_ =	sdelay $0x3  }
0x59: {  	[tilespmem:v53+s12+$0x0] =	vst.idx.msk $0xffff, v52  }
0x5a: {  	v54 =	vadd.s32 v1, v37;
	[tilespmem:v36+s12+$0x0] =	vst.idx.msk $0xffff, v35;
	v32 =	vld [tilespmem:s16+$0x30]  }
0x5b: {  	v55 =	vadd.s32 v1, v34;
	v35 =	vld [tilespmem:s16+$0x10];
	_ =	sdelay $0x3  }
0x5c: {  	[tilespmem:v54+s12+$0x0] =	vst.idx.msk $0xffff, v32  }
0x5d: {  	v56 =	vadd.s32 v2, v37;
	[tilespmem:v55+s12+$0x0] =	vst.idx.msk $0xffff, v35;
	v32 =	vld [tilespmem:s16+$0x660]  }
0x5e: {  	v57 =	vor.u32 v2, v34;
	v35 =	vld [tilespmem:s16+$0x640];
	_ =	sdelay $0x3  }
0x5f: {  	[tilespmem:v56+s12+$0x0] =	vst.idx.msk $0xffff, v32  }
0x60: {  	v58 =	vadd.s32 v3, v37;
	[tilespmem:v57+s12+$0x0] =	vst.idx.msk $0xffff, v35;
	v32 =	vld [tilespmem:s16+$0x670]  }
0x61: {  	v59 =	vadd.s32 v3, v34;
	v35 =	vld [tilespmem:s16+$0x650];
	_ =	sdelay $0x3  }
0x62: {  	[tilespmem:v58+s12+$0x0] =	vst.idx.msk $0xffff, v32  }
0x63: {  	v60 =	vadd.s32 v4, v37;
	[tilespmem:v59+s12+$0x0] =	vst.idx.msk $0xffff, v35;
	v32 =	vld [tilespmem:s16+$0xCA0]  }
0x64: {  	v61 =	vor.u32 v4, v34;
	v35 =	vld [tilespmem:s16+$0xC80];
	_ =	sdelay $0x3  }
0x65: {  	[tilespmem:v60+s12+$0x0] =	vst.idx.msk $0xffff, v32  }
0x66: {  	v62 =	vadd.s32 v5, v37;
	[tilespmem:v61+s12+$0x0] =	vst.idx.msk $0xffff, v35;
	v32 =	vld [tilespmem:s16+$0xCB0]  }
0x67: {  	v63 =	vadd.s32 v5, v34;
	v35 =	vld [tilespmem:s16+$0xC90];
	_ =	sdelay $0x3  }
0x68: {  	[tilespmem:v62+s12+$0x0] =	vst.idx.msk $0xffff, v32  }
0x69: {  	v40 =	vadd.s32 v6, v37;
	[tilespmem:v63+s12+$0x0] =	vst.idx.msk $0xffff, v35;
	v32 =	vld [tilespmem:s16+$0x12E0]  }
0x6a: {  	v41 =	vor.u32 v6, v34;
	v35 =	vld [tilespmem:s16+$0x12C0];
	_ =	sdelay $0x3  }
0x6b: {  	[tilespmem:v40+s12+$0x0] =	vst.idx.msk $0xffff, v32  }
0x6c: {  	v42 =	vadd.s32 v7, v37;
	[tilespmem:v41+s12+$0x0] =	vst.idx.msk $0xffff, v35;
	v32 =	vld [tilespmem:s16+$0x12F0]  }
0x6d: {  	v43 =	vadd.s32 v7, v34;
	v35 =	vld [tilespmem:s16+$0x12D0];
	_ =	sdelay $0x3  }
0x6e: {  	[tilespmem:v42+s12+$0x0] =	vst.idx.msk $0xffff, v32  }
0x6f: {  	v44 =	vadd.s32 v8, v37;
	[tilespmem:v43+s12+$0x0] =	vst.idx.msk $0xffff, v35;
	v32 =	vld [tilespmem:s16+$0x1920]  }
0x70: {  	v45 =	vor.u32 v8, v34;
	v35 =	vld [tilespmem:s16+$0x1900];
	_ =	sdelay $0x3  }
0x71: {  	[tilespmem:v44+s12+$0x0] =	vst.idx.msk $0xffff, v32  }
0x72: {  	v46 =	vadd.s32 v9, v37;
	[tilespmem:v45+s12+$0x0] =	vst.idx.msk $0xffff, v35;
	v32 =	vld [tilespmem:s16+$0x1930]  }
0x73: {  	v47 =	vadd.s32 v9, v34;
	v35 =	vld [tilespmem:s16+$0x1910];
	_ =	sdelay $0x2  }
0x74: {  	s21 =	simm.s32 $0x3  }
0x75: {  	s19 =	simm.s32 $0x2;
	v38 =	vmov s21;
	[tilespmem:v46+s12+$0x0] =	vst.idx.msk $0xffff, v32  }
0x76: {  	v48 =	vmov s19;
	v49 =	vmul.u32 $0x300, v38;
	v51 =	vadd.s32 v10, v37;
	[tilespmem:v47+s12+$0x0] =	vst.idx.msk $0xffff, v35;
	v50 =	vld [tilespmem:s16+$0x1F60]  }
0x77: {  	v39 =	vor.u32 v10, v34;
	v32 =	vmul.u32 $0x300, v48;
	v52 =	vld [tilespmem:s16+$0x1F40]  }
0x78: {  	v33 =	vbroadcast v49, $0x0  }
0x79: {  	s15 =	simm.s32 $0x6B40;
	v32 =	vbroadcast v32, $0x0  }
0x7a: {  	v40 =	vld [tilespmem:s15+$0x20];
	v41 =	vadd.s32 v0, v33  }
0x7b: {  	v42 =	vld [tilespmem:s15+$0x0];
	v43 =	vor.u32 v0, v32;
	[tilespmem:v51+s12+$0x0] =	vst.idx.msk $0xffff, v50  }
0x7c: {  	v53 =	vadd.s32 v11, v37;
	[tilespmem:v39+s12+$0x0] =	vst.idx.msk $0xffff, v52;
	v35 =	vld [tilespmem:s16+$0x1F70]  }
0x7d: {  	v54 =	vadd.s32 v11, v34;
	v38 =	vld [tilespmem:s16+$0x1F50];
	_ =	sdelay $0x1  }
0x7e: {  	[tilespmem:v41+s12+$0x0] =	vst.idx.msk $0xffff, v40  }
0x7f: {  	v55 =	vadd.s32 v1, v33;
	v40 =	vld [tilespmem:s15+$0x30];
	[tilespmem:v43+s12+$0x0] =	vst.idx.msk $0xffff, v42  }
0x80: {  	v56 =	vadd.s32 v1, v32;
	v42 =	vld [tilespmem:s15+$0x10];
	[tilespmem:v53+s12+$0x0] =	vst.idx.msk $0xffff, v35  }
0x81: {  	v57 =	vadd.s32 v12, v37;
	[tilespmem:v54+s12+$0x0] =	vst.idx.msk $0xffff, v38;
	v35 =	vld [tilespmem:s16+$0x25A0]  }
0x82: {  	v58 =	vor.u32 v12, v34;
	v38 =	vld [tilespmem:s16+$0x2580];
	_ =	sdelay $0x1  }
0x83: {  	[tilespmem:v55+s12+$0x0] =	vst.idx.msk $0xffff, v40  }
0x84: {  	v59 =	vadd.s32 v2, v33;
	v40 =	vld [tilespmem:s15+$0x660];
	[tilespmem:v56+s12+$0x0] =	vst.idx.msk $0xffff, v42  }
0x85: {  	v60 =	vor.u32 v2, v32;
	v42 =	vld [tilespmem:s15+$0x640];
	[tilespmem:v57+s12+$0x0] =	vst.idx.msk $0xffff, v35  }
0x86: {  	v61 =	vadd.s32 v13, v37;
	[tilespmem:v58+s12+$0x0] =	vst.idx.msk $0xffff, v38;
	v35 =	vld [tilespmem:s16+$0x25B0]  }
0x87: {  	v62 =	vadd.s32 v13, v34;
	v38 =	vld [tilespmem:s16+$0x2590];
	_ =	sdelay $0x1  }
0x88: {  	[tilespmem:v59+s12+$0x0] =	vst.idx.msk $0xffff, v40  }
0x89: {  	v63 =	vadd.s32 v3, v33;
	v40 =	vld [tilespmem:s15+$0x670];
	[tilespmem:v60+s12+$0x0] =	vst.idx.msk $0xffff, v42  }
0x8a: {  	v45 =	vadd.s32 v3, v32;
	v42 =	vld [tilespmem:s15+$0x650];
	[tilespmem:v61+s12+$0x0] =	vst.idx.msk $0xffff, v35  }
0x8b: {  	v46 =	vadd.s32 v14, v37;
	[tilespmem:v62+s12+$0x0] =	vst.idx.msk $0xffff, v38;
	v35 =	vld [tilespmem:s16+$0x2BE0]  }
0x8c: {  	v47 =	vor.u32 v14, v34;
	v38 =	vld [tilespmem:s16+$0x2BC0];
	_ =	sdelay $0x1  }
0x8d: {  	[tilespmem:v63+s12+$0x0] =	vst.idx.msk $0xffff, v40  }
0x8e: {  	v48 =	vadd.s32 v4, v33;
	v40 =	vld [tilespmem:s15+$0xCA0];
	[tilespmem:v45+s12+$0x0] =	vst.idx.msk $0xffff, v42  }
0x8f: {  	v49 =	vor.u32 v4, v32;
	v42 =	vld [tilespmem:s15+$0xC80];
	[tilespmem:v46+s12+$0x0] =	vst.idx.msk $0xffff, v35  }
0x90: {  	v50 =	vadd.s32 v15, v37;
	[tilespmem:v47+s12+$0x0] =	vst.idx.msk $0xffff, v38;
	v35 =	vld [tilespmem:s16+$0x2BF0]  }
0x91: {  	v51 =	vadd.s32 v15, v34;
	v38 =	vld [tilespmem:s16+$0x2BD0];
	_ =	sdelay $0x1  }
0x92: {  	[tilespmem:v48+s12+$0x0] =	vst.idx.msk $0xffff, v40  }
0x93: {  	v52 =	vadd.s32 v5, v33;
	v40 =	vld [tilespmem:s15+$0xCB0];
	[tilespmem:v49+s12+$0x0] =	vst.idx.msk $0xffff, v42  }
0x94: {  	v53 =	vadd.s32 v5, v32;
	v42 =	vld [tilespmem:s15+$0xC90];
	[tilespmem:v50+s12+$0x0] =	vst.idx.msk $0xffff, v35  }
0x95: {  	v54 =	vadd.s32 v16, v37;
	[tilespmem:v51+s12+$0x0] =	vst.idx.msk $0xffff, v38;
	v35 =	vld [tilespmem:s16+$0x3220]  }
0x96: {  	v55 =	vor.u32 v16, v34;
	v38 =	vld [tilespmem:s16+$0x3200];
	_ =	sdelay $0x1  }
0x97: {  	[tilespmem:v52+s12+$0x0] =	vst.idx.msk $0xffff, v40  }
0x98: {  	v56 =	vadd.s32 v6, v33;
	v40 =	vld [tilespmem:s15+$0x12E0];
	[tilespmem:v53+s12+$0x0] =	vst.idx.msk $0xffff, v42  }
0x99: {  	v57 =	vor.u32 v6, v32;
	v42 =	vld [tilespmem:s15+$0x12C0];
	[tilespmem:v54+s12+$0x0] =	vst.idx.msk $0xffff, v35  }
0x9a: {  	v58 =	vadd.s32 v17, v37;
	[tilespmem:v55+s12+$0x0] =	vst.idx.msk $0xffff, v38;
	v35 =	vld [tilespmem:s16+$0x3230]  }
0x9b: {  	v59 =	vadd.s32 v17, v34;
	v38 =	vld [tilespmem:s16+$0x3210];
	_ =	sdelay $0x1  }
0x9c: {  	[tilespmem:v56+s12+$0x0] =	vst.idx.msk $0xffff, v40  }
0x9d: {  	v60 =	vadd.s32 v7, v33;
	v40 =	vld [tilespmem:s15+$0x12F0];
	[tilespmem:v57+s12+$0x0] =	vst.idx.msk $0xffff, v42  }
0x9e: {  	v61 =	vadd.s32 v7, v32;
	v42 =	vld [tilespmem:s15+$0x12D0];
	[tilespmem:v58+s12+$0x0] =	vst.idx.msk $0xffff, v35  }
0x9f: {  	v62 =	vadd.s32 v18, v37;
	[tilespmem:v59+s12+$0x0] =	vst.idx.msk $0xffff, v38;
	v35 =	vld [tilespmem:s16+$0x3860]  }
0xa0: {  	v63 =	vor.u32 v18, v34;
	v38 =	vld [tilespmem:s16+$0x3840];
	_ =	sdelay $0x1  }
0xa1: {  	[tilespmem:v60+s12+$0x0] =	vst.idx.msk $0xffff, v40  }
0xa2: {  	v45 =	vadd.s32 v8, v33;
	v40 =	vld [tilespmem:s15+$0x1920];
	[tilespmem:v61+s12+$0x0] =	vst.idx.msk $0xffff, v42  }
0xa3: {  	v46 =	vor.u32 v8, v32;
	v42 =	vld [tilespmem:s15+$0x1900];
	[tilespmem:v62+s12+$0x0] =	vst.idx.msk $0xffff, v35  }
0xa4: {  	v47 =	vadd.s32 v19, v37;
	[tilespmem:v63+s12+$0x0] =	vst.idx.msk $0xffff, v38;
	v35 =	vld [tilespmem:s16+$0x3870]  }
0xa5: {  	v48 =	vadd.s32 v19, v34;
	v38 =	vld [tilespmem:s16+$0x3850];
	_ =	sdelay $0x1  }
0xa6: {  	[tilespmem:v45+s12+$0x0] =	vst.idx.msk $0xffff, v40  }
0xa7: {  	v49 =	vadd.s32 v9, v33;
	v40 =	vld [tilespmem:s15+$0x1930];
	[tilespmem:v46+s12+$0x0] =	vst.idx.msk $0xffff, v42  }
0xa8: {  	v50 =	vadd.s32 v9, v32;
	v42 =	vld [tilespmem:s15+$0x1910];
	[tilespmem:v47+s12+$0x0] =	vst.idx.msk $0xffff, v35  }
0xa9: {  	v51 =	vadd.s32 v20, v37;
	[tilespmem:v48+s12+$0x0] =	vst.idx.msk $0xffff, v38;
	v35 =	vld [tilespmem:s16+$0x3EA0]  }
0xaa: {  	v52 =	vor.u32 v20, v34;
	v38 =	vld [tilespmem:s16+$0x3E80]  }
0xab: {  	s22 =	simm.s32 $0x5  }
0xac: {  	s20 =	simm.s32 $0x4;
	v44 =	vmov s22;
	[tilespmem:v49+s12+$0x0] =	vst.idx.msk $0xffff, v40  }
0xad: {  	v56 =	vadd.s32 v10, v33;
	v53 =	vmov s20;
	v54 =	vmul.u32 $0x300, v44;
	v55 =	vld [tilespmem:s15+$0x1F60];
	[tilespmem:v50+s12+$0x0] =	vst.idx.msk $0xffff, v42  }
0xae: {  	v45 =	vor.u32 v10, v32;
	v40 =	vmul.u32 $0x300, v53;
	v57 =	vld [tilespmem:s15+$0x1F40];
	[tilespmem:v51+s12+$0x0] =	vst.idx.msk $0xffff, v35  }
0xaf: {  	v59 =	vadd.s32 v21, v37;
	v35 =	vbroadcast v54, $0x0;
	[tilespmem:v52+s12+$0x0] =	vst.idx.msk $0xffff, v38;
	v58 =	vld [tilespmem:s16+$0x3EB0]  }
0xb0: {  	s19 =	simm.s32 $0x6B80;
	v36 =	vbroadcast v40, $0x0;
	v61 =	vadd.s32 v21, v34;
	v60 =	vld [tilespmem:s16+$0x3E90]  }
0xb1: {  	v46 =	vld [tilespmem:s19+$0x20];
	v47 =	vadd.s32 v0, v35  }
0xb2: {  	v49 =	vor.u32 v0, v36;
	[tilespmem:v56+s12+$0x0] =	vst.idx.msk $0xffff, v55;
	v48 =	vld [tilespmem:s19+$0x0]  }
0xb3: {  	v62 =	vadd.s32 v11, v33;
	v42 =	vld [tilespmem:s15+$0x1F70];
	[tilespmem:v45+s12+$0x0] =	vst.idx.msk $0xffff, v57  }
0xb4: {  	v63 =	vadd.s32 v11, v32;
	v44 =	vld [tilespmem:s15+$0x1F50];
	[tilespmem:v59+s12+$0x0] =	vst.idx.msk $0xffff, v58  }
0xb5: {  	v52 =	vadd.s32 v22, v37;
	[tilespmem:v61+s12+$0x0] =	vst.idx.msk $0xffff, v60;
	v38 =	vld [tilespmem:s16+$0x44E0]  }
0xb6: {  	v53 =	vor.u32 v22, v34;
	[tilespmem:v47+s12+$0x0] =	vst.idx.msk $0xffff, v46;
	v40 =	vld [tilespmem:s16+$0x44C0]  }
0xb7: {  	[tilespmem:v49+s12+$0x0] =	vst.idx.msk $0xffff, v48;
	v54 =	vadd.s32 v1, v35;
	v46 =	vld [tilespmem:s19+$0x30]  }
0xb8: {  	v55 =	vadd.s32 v1, v36;
	v48 =	vld [tilespmem:s19+$0x10];
	[tilespmem:v62+s12+$0x0] =	vst.idx.msk $0xffff, v42  }
0xb9: {  	v56 =	vadd.s32 v12, v33;
	v42 =	vld [tilespmem:s15+$0x25A0];
	[tilespmem:v63+s12+$0x0] =	vst.idx.msk $0xffff, v44  }
0xba: {  	v57 =	vor.u32 v12, v32;
	v44 =	vld [tilespmem:s15+$0x2580];
	[tilespmem:v52+s12+$0x0] =	vst.idx.msk $0xffff, v38  }
0xbb: {  	v58 =	vadd.s32 v23, v37;
	[tilespmem:v53+s12+$0x0] =	vst.idx.msk $0xffff, v40;
	v38 =	vld [tilespmem:s16+$0x44F0]  }
0xbc: {  	v59 =	vadd.s32 v23, v34;
	[tilespmem:v54+s12+$0x0] =	vst.idx.msk $0xffff, v46;
	v40 =	vld [tilespmem:s16+$0x44D0]  }
0xbd: {  	[tilespmem:v55+s12+$0x0] =	vst.idx.msk $0xffff, v48;
	v60 =	vadd.s32 v2, v35;
	v46 =	vld [tilespmem:s19+$0x660]  }
0xbe: {  	v48 =	vld [tilespmem:s19+$0x640];
	v61 =	vor.u32 v2, v36;
	[tilespmem:v56+s12+$0x0] =	vst.idx.msk $0xffff, v42  }
0xbf: {  	v62 =	vadd.s32 v13, v33;
	v42 =	vld [tilespmem:s15+$0x25B0];
	[tilespmem:v57+s12+$0x0] =	vst.idx.msk $0xffff, v44  }
0xc0: {  	v63 =	vadd.s32 v13, v32;
	v44 =	vld [tilespmem:s15+$0x2590];
	[tilespmem:v58+s12+$0x0] =	vst.idx.msk $0xffff, v38  }
0xc1: {  	v52 =	vadd.s32 v24, v37;
	[tilespmem:v59+s12+$0x0] =	vst.idx.msk $0xffff, v40;
	v38 =	vld [tilespmem:s16+$0x4B20]  }
0xc2: {  	v53 =	vor.u32 v24, v34;
	[tilespmem:v60+s12+$0x0] =	vst.idx.msk $0xffff, v46;
	v40 =	vld [tilespmem:s16+$0x4B00]  }
0xc3: {  	[tilespmem:v61+s12+$0x0] =	vst.idx.msk $0xffff, v48;
	v54 =	vadd.s32 v3, v35;
	v46 =	vld [tilespmem:s19+$0x670]  }
0xc4: {  	v55 =	vadd.s32 v3, v36;
	v48 =	vld [tilespmem:s19+$0x650];
	[tilespmem:v62+s12+$0x0] =	vst.idx.msk $0xffff, v42  }
0xc5: {  	v56 =	vadd.s32 v14, v33;
	v42 =	vld [tilespmem:s15+$0x2BE0];
	[tilespmem:v63+s12+$0x0] =	vst.idx.msk $0xffff, v44  }
0xc6: {  	v57 =	vor.u32 v14, v32;
	v44 =	vld [tilespmem:s15+$0x2BC0];
	[tilespmem:v52+s12+$0x0] =	vst.idx.msk $0xffff, v38  }
0xc7: {  	v58 =	vadd.s32 v25, v37;
	[tilespmem:v53+s12+$0x0] =	vst.idx.msk $0xffff, v40;
	v38 =	vld [tilespmem:s16+$0x4B30]  }
0xc8: {  	v59 =	vadd.s32 v25, v34;
	[tilespmem:v54+s12+$0x0] =	vst.idx.msk $0xffff, v46;
	v40 =	vld [tilespmem:s16+$0x4B10]  }
0xc9: {  	[tilespmem:v55+s12+$0x0] =	vst.idx.msk $0xffff, v48;
	v60 =	vadd.s32 v4, v35;
	v46 =	vld [tilespmem:s19+$0xCA0]  }
0xca: {  	v61 =	vor.u32 v4, v36;
	v48 =	vld [tilespmem:s19+$0xC80];
	[tilespmem:v56+s12+$0x0] =	vst.idx.msk $0xffff, v42  }
0xcb: {  	v62 =	vadd.s32 v15, v33;
	v42 =	vld [tilespmem:s15+$0x2BF0];
	[tilespmem:v57+s12+$0x0] =	vst.idx.msk $0xffff, v44  }
0xcc: {  	v63 =	vadd.s32 v15, v32;
	v44 =	vld [tilespmem:s15+$0x2BD0];
	[tilespmem:v58+s12+$0x0] =	vst.idx.msk $0xffff, v38  }
0xcd: {  	v52 =	vadd.s32 v26, v37;
	[tilespmem:v59+s12+$0x0] =	vst.idx.msk $0xffff, v40;
	v38 =	vld [tilespmem:s16+$0x5160]  }
0xce: {  	v53 =	vor.u32 v26, v34;
	[tilespmem:v60+s12+$0x0] =	vst.idx.msk $0xffff, v46;
	v40 =	vld [tilespmem:s16+$0x5140]  }
0xcf: {  	[tilespmem:v61+s12+$0x0] =	vst.idx.msk $0xffff, v48;
	v54 =	vadd.s32 v5, v35;
	v46 =	vld [tilespmem:s19+$0xCB0]  }
0xd0: {  	v55 =	vadd.s32 v5, v36;
	v48 =	vld [tilespmem:s19+$0xC90];
	[tilespmem:v62+s12+$0x0] =	vst.idx.msk $0xffff, v42  }
0xd1: {  	v56 =	vadd.s32 v16, v33;
	v42 =	vld [tilespmem:s15+$0x3220];
	[tilespmem:v63+s12+$0x0] =	vst.idx.msk $0xffff, v44  }
0xd2: {  	v57 =	vor.u32 v16, v32;
	v44 =	vld [tilespmem:s15+$0x3200];
	[tilespmem:v52+s12+$0x0] =	vst.idx.msk $0xffff, v38  }
0xd3: {  	v58 =	vadd.s32 v27, v37;
	[tilespmem:v53+s12+$0x0] =	vst.idx.msk $0xffff, v40;
	v38 =	vld [tilespmem:s16+$0x5170]  }
0xd4: {  	v59 =	vadd.s32 v27, v34;
	[tilespmem:v54+s12+$0x0] =	vst.idx.msk $0xffff, v46;
	v40 =	vld [tilespmem:s16+$0x5150]  }
0xd5: {  	[tilespmem:v55+s12+$0x0] =	vst.idx.msk $0xffff, v48;
	v60 =	vadd.s32 v6, v35;
	v46 =	vld [tilespmem:s19+$0x12E0]  }
0xd6: {  	v61 =	vor.u32 v6, v36;
	v48 =	vld [tilespmem:s19+$0x12C0];
	[tilespmem:v56+s12+$0x0] =	vst.idx.msk $0xffff, v42  }
0xd7: {  	v62 =	vadd.s32 v17, v33;
	v42 =	vld [tilespmem:s15+$0x3230];
	[tilespmem:v57+s12+$0x0] =	vst.idx.msk $0xffff, v44  }
0xd8: {  	v63 =	vadd.s32 v17, v32;
	v44 =	vld [tilespmem:s15+$0x3210];
	[tilespmem:v58+s12+$0x0] =	vst.idx.msk $0xffff, v38  }
0xd9: {  	v52 =	vadd.s32 v28, v37;
	[tilespmem:v59+s12+$0x0] =	vst.idx.msk $0xffff, v40;
	v38 =	vld [tilespmem:s16+$0x57A0]  }
0xda: {  	v53 =	vor.u32 v28, v34;
	[tilespmem:v60+s12+$0x0] =	vst.idx.msk $0xffff, v46;
	v40 =	vld [tilespmem:s16+$0x5780]  }
0xdb: {  	[tilespmem:v61+s12+$0x0] =	vst.idx.msk $0xffff, v48;
	v54 =	vadd.s32 v7, v35;
	v46 =	vld [tilespmem:s19+$0x12F0]  }
0xdc: {  	v55 =	vadd.s32 v7, v36;
	v48 =	vld [tilespmem:s19+$0x12D0];
	[tilespmem:v62+s12+$0x0] =	vst.idx.msk $0xffff, v42  }
0xdd: {  	v56 =	vadd.s32 v18, v33;
	v42 =	vld [tilespmem:s15+$0x3860];
	[tilespmem:v63+s12+$0x0] =	vst.idx.msk $0xffff, v44  }
0xde: {  	v57 =	vor.u32 v18, v32;
	v44 =	vld [tilespmem:s15+$0x3840];
	[tilespmem:v52+s12+$0x0] =	vst.idx.msk $0xffff, v38  }
0xdf: {  	v58 =	vadd.s32 v29, v37;
	[tilespmem:v53+s12+$0x0] =	vst.idx.msk $0xffff, v40;
	v38 =	vld [tilespmem:s16+$0x57B0]  }
0xe0: {  	v59 =	vadd.s32 v29, v34;
	[tilespmem:v54+s12+$0x0] =	vst.idx.msk $0xffff, v46;
	v40 =	vld [tilespmem:s16+$0x5790]  }
0xe1: {  	[tilespmem:v55+s12+$0x0] =	vst.idx.msk $0xffff, v48;
	v60 =	vadd.s32 v8, v35;
	v46 =	vld [tilespmem:s19+$0x1920]  }
0xe2: {  	v61 =	vor.u32 v8, v36;
	v48 =	vld [tilespmem:s19+$0x1900];
	[tilespmem:v56+s12+$0x0] =	vst.idx.msk $0xffff, v42  }
0xe3: {  	v62 =	vadd.s32 v19, v33;
	v42 =	vld [tilespmem:s15+$0x3870];
	[tilespmem:v57+s12+$0x0] =	vst.idx.msk $0xffff, v44  }
0xe4: {  	v50 =	vadd.s32 v19, v32;
	v44 =	vld [tilespmem:s15+$0x3850];
	[tilespmem:v58+s12+$0x0] =	vst.idx.msk $0xffff, v38  }
0xe5: {  	v63 =	vadd.s32 v30, v37;
	[tilespmem:v59+s12+$0x0] =	vst.idx.msk $0xffff, v40;
	v38 =	vld [tilespmem:s16+$0x5DE0]  }
0xe6: {  	v51 =	vor.u32 v30, v34;
	[tilespmem:v60+s12+$0x0] =	vst.idx.msk $0xffff, v46;
	v40 =	vld [tilespmem:s16+$0x5DC0]  }
0xe7: {  	[tilespmem:v61+s12+$0x0] =	vst.idx.msk $0xffff, v48;
	v48 =	vadd.s32 v9, v35;
	v46 =	vld [tilespmem:s19+$0x1930]  }
0xe8: {  	v47 =	vadd.s32 v9, v36;
	v45 =	vld [tilespmem:s19+$0x1910];
	[tilespmem:v62+s12+$0x0] =	vst.idx.msk $0xffff, v42  }
0xe9: {  	v43 =	vadd.s32 v20, v33;
	v41 =	vld [tilespmem:s15+$0x3EA0];
	[tilespmem:v50+s12+$0x0] =	vst.idx.msk $0xffff, v44  }
0xea: {  	s10 =	simm.s32 @p0 $0x21;
	v44 =	vor.u32 v20, v32;
	v42 =	vld [tilespmem:s15+$0x3E80];
	[tilespmem:v63+s12+$0x0] =	vst.idx.msk $0xffff, v38  }
0xeb: {  	s21 =	simm.s32 $0x8;
	s22 =	simm.s32 $0x7;
	s20 =	simm.s32 $0x6;
	[tilespmem:v51+s12+$0x0] =	vst.idx.msk $0xffff, v40;
	v40 =	vadd.s32 v31, v37;
	v39 =	vld [tilespmem:s16+$0x5DF0]  }
.LBB2_4:
0xec: {  	p1 =	slt.u32 s21, $0x30;
	v37 =	vmov s22;
	[tilespmem:v48+s12+$0x0] =	vst.idx.msk $0xffff, v46;
	v38 =	vld [tilespmem:s16+$0x5DD0];
	v46 =	vadd.s32 v31, v34;
	v34 =	vmovc v32;
	v32 =	vmov v36;
	s16 =	smov.u32 s15;
	s15 =	smov.u32 s19  }
0xed: {  	v36 =	vmov s20;
	s20 =	smov.u32 s21;
	v37 =	vmul.u32 $0x300, v37;
	[tilespmem:v47+s12+$0x0] =	vst.idx.msk $0xffff, v45;
	v45 =	vld [tilespmem:s19+$0x1F60];
	v47 =	vadd.s32 v10, v35  }
0xee: {  	v36 =	vmul.u32 $0x300, v36;
	v49 =	vor.u32 v10, v32;
	v48 =	vld [tilespmem:s19+$0x1F40];
	[tilespmem:v43+s12+$0x0] =	vst.idx.msk $0xffff, v41  }
0xef: {  	v37 =	vbroadcast v37, $0x0;
	[tilespmem:v44+s12+$0x0] =	vst.idx.msk $0xffff, v42;
	v41 =	vld [tilespmem:s16+$0x3EB0];
	v42 =	vadd.s32 v21, v33  }
0xf0: {  	s19 =	sadd.s32 $0x40, s19;
	v36 =	vbroadcast v36, $0x0;
	v44 =	vadd.s32 v21, v34;
	v43 =	vld [tilespmem:s16+$0x3E90];
	[tilespmem:v40+s12+$0x0] =	vst.idx.msk $0xffff, v39  }
0xf1: {  	v39 =	vld [tilespmem:s19+$0x20];
	v40 =	vadd.s32 v0, v37;
	[tilespmem:v46+s12+$0x0] =	vst.idx.msk $0xffff, v38  }
0xf2: {  	v46 =	vor.u32 v0, v36;
	v38 =	vld [tilespmem:s19+$0x0];
	[tilespmem:v47+s12+$0x0] =	vst.idx.msk $0xffff, v45  }
0xf3: {  	v47 =	vadd.s32 v11, v35;
	[tilespmem:v49+s12+$0x0] =	vst.idx.msk $0xffff, v48;
	v45 =	vld [tilespmem:s15+$0x1F70]  }
0xf4: {  	v49 =	vadd.s32 v11, v32;
	v48 =	vld [tilespmem:s15+$0x1F50];
	[tilespmem:v42+s12+$0x0] =	vst.idx.msk $0xffff, v41  }
0xf5: {  	v42 =	vadd.s32 v22, v33;
	[tilespmem:v44+s12+$0x0] =	vst.idx.msk $0xffff, v43;
	v41 =	vld [tilespmem:s16+$0x44E0]  }
0xf6: {  	[tilespmem:v40+s12+$0x0] =	vst.idx.msk $0xffff, v39;
	v39 =	vld [tilespmem:s16+$0x44C0];
	v40 =	vor.u32 v22, v34  }
0xf7: {  	v43 =	vadd.s32 v1, v37;
	[tilespmem:v46+s12+$0x0] =	vst.idx.msk $0xffff, v38;
	v38 =	vld [tilespmem:s19+$0x30]  }
0xf8: {  	v46 =	vadd.s32 v1, v36;
	v44 =	vld [tilespmem:s19+$0x10];
	[tilespmem:v47+s12+$0x0] =	vst.idx.msk $0xffff, v45  }
0xf9: {  	v47 =	vadd.s32 v12, v35;
	[tilespmem:v49+s12+$0x0] =	vst.idx.msk $0xffff, v48;
	v45 =	vld [tilespmem:s15+$0x25A0]  }
0xfa: {  	v49 =	vor.u32 v12, v32;
	v48 =	vld [tilespmem:s15+$0x2580];
	[tilespmem:v42+s12+$0x0] =	vst.idx.msk $0xffff, v41  }
0xfb: {  	[tilespmem:v40+s12+$0x0] =	vst.idx.msk $0xffff, v39;
	v39 =	vld [tilespmem:s16+$0x44F0];
	v40 =	vadd.s32 v23, v33  }
0xfc: {  	v41 =	vadd.s32 v23, v34;
	[tilespmem:v43+s12+$0x0] =	vst.idx.msk $0xffff, v38;
	v38 =	vld [tilespmem:s16+$0x44D0]  }
0xfd: {  	v43 =	vadd.s32 v2, v37;
	[tilespmem:v46+s12+$0x0] =	vst.idx.msk $0xffff, v44;
	v42 =	vld [tilespmem:s19+$0x660]  }
0xfe: {  	v46 =	vor.u32 v2, v36;
	v44 =	vld [tilespmem:s19+$0x640];
	[tilespmem:v47+s12+$0x0] =	vst.idx.msk $0xffff, v45  }
0xff: {  	v47 =	vadd.s32 v13, v35;
	[tilespmem:v49+s12+$0x0] =	vst.idx.msk $0xffff, v48;
	v45 =	vld [tilespmem:s15+$0x25B0]  }
0x100: {  	v49 =	vadd.s32 v13, v32;
	v48 =	vld [tilespmem:s15+$0x2590];
	[tilespmem:v40+s12+$0x0] =	vst.idx.msk $0xffff, v39  }
0x101: {  	v39 =	vadd.s32 v24, v33;
	[tilespmem:v41+s12+$0x0] =	vst.idx.msk $0xffff, v38;
	v38 =	vld [tilespmem:s16+$0x4B20]  }
0x102: {  	v41 =	vor.u32 v24, v34;
	[tilespmem:v43+s12+$0x0] =	vst.idx.msk $0xffff, v42;
	v40 =	vld [tilespmem:s16+$0x4B00]  }
0x103: {  	v43 =	vadd.s32 v3, v37;
	[tilespmem:v46+s12+$0x0] =	vst.idx.msk $0xffff, v44;
	v42 =	vld [tilespmem:s19+$0x670]  }
0x104: {  	v46 =	vadd.s32 v3, v36;
	v44 =	vld [tilespmem:s19+$0x650];
	[tilespmem:v47+s12+$0x0] =	vst.idx.msk $0xffff, v45  }
0x105: {  	v47 =	vadd.s32 v14, v35;
	[tilespmem:v49+s12+$0x0] =	vst.idx.msk $0xffff, v48;
	v45 =	vld [tilespmem:s15+$0x2BE0]  }
0x106: {  	v49 =	vor.u32 v14, v32;
	v48 =	vld [tilespmem:s15+$0x2BC0];
	[tilespmem:v39+s12+$0x0] =	vst.idx.msk $0xffff, v38  }
0x107: {  	v39 =	vadd.s32 v25, v33;
	[tilespmem:v41+s12+$0x0] =	vst.idx.msk $0xffff, v40;
	v38 =	vld [tilespmem:s16+$0x4B30]  }
0x108: {  	v41 =	vadd.s32 v25, v34;
	[tilespmem:v43+s12+$0x0] =	vst.idx.msk $0xffff, v42;
	v40 =	vld [tilespmem:s16+$0x4B10]  }
0x109: {  	v43 =	vadd.s32 v4, v37;
	[tilespmem:v46+s12+$0x0] =	vst.idx.msk $0xffff, v44;
	v42 =	vld [tilespmem:s19+$0xCA0]  }
0x10a: {  	v46 =	vor.u32 v4, v36;
	v44 =	vld [tilespmem:s19+$0xC80];
	[tilespmem:v47+s12+$0x0] =	vst.idx.msk $0xffff, v45  }
0x10b: {  	v47 =	vadd.s32 v15, v35;
	[tilespmem:v49+s12+$0x0] =	vst.idx.msk $0xffff, v48;
	v45 =	vld [tilespmem:s15+$0x2BF0]  }
0x10c: {  	v49 =	vadd.s32 v15, v32;
	v48 =	vld [tilespmem:s15+$0x2BD0];
	[tilespmem:v39+s12+$0x0] =	vst.idx.msk $0xffff, v38  }
0x10d: {  	v39 =	vadd.s32 v26, v33;
	[tilespmem:v41+s12+$0x0] =	vst.idx.msk $0xffff, v40;
	v38 =	vld [tilespmem:s16+$0x5160]  }
0x10e: {  	v41 =	vor.u32 v26, v34;
	[tilespmem:v43+s12+$0x0] =	vst.idx.msk $0xffff, v42;
	v40 =	vld [tilespmem:s16+$0x5140]  }
0x10f: {  	v43 =	vadd.s32 v5, v37;
	[tilespmem:v46+s12+$0x0] =	vst.idx.msk $0xffff, v44;
	v42 =	vld [tilespmem:s19+$0xCB0]  }
0x110: {  	v46 =	vadd.s32 v5, v36;
	v44 =	vld [tilespmem:s19+$0xC90];
	[tilespmem:v47+s12+$0x0] =	vst.idx.msk $0xffff, v45  }
0x111: {  	v47 =	vadd.s32 v16, v35;
	[tilespmem:v49+s12+$0x0] =	vst.idx.msk $0xffff, v48;
	v45 =	vld [tilespmem:s15+$0x3220]  }
0x112: {  	v49 =	vor.u32 v16, v32;
	v48 =	vld [tilespmem:s15+$0x3200];
	[tilespmem:v39+s12+$0x0] =	vst.idx.msk $0xffff, v38  }
0x113: {  	v39 =	vadd.s32 v27, v33;
	[tilespmem:v41+s12+$0x0] =	vst.idx.msk $0xffff, v40;
	v38 =	vld [tilespmem:s16+$0x5170]  }
0x114: {  	v41 =	vadd.s32 v27, v34;
	[tilespmem:v43+s12+$0x0] =	vst.idx.msk $0xffff, v42;
	v40 =	vld [tilespmem:s16+$0x5150]  }
0x115: {  	v43 =	vadd.s32 v6, v37;
	[tilespmem:v46+s12+$0x0] =	vst.idx.msk $0xffff, v44;
	v42 =	vld [tilespmem:s19+$0x12E0]  }
0x116: {  	v46 =	vor.u32 v6, v36;
	v44 =	vld [tilespmem:s19+$0x12C0];
	[tilespmem:v47+s12+$0x0] =	vst.idx.msk $0xffff, v45  }
0x117: {  	v47 =	vadd.s32 v17, v35;
	[tilespmem:v49+s12+$0x0] =	vst.idx.msk $0xffff, v48;
	v45 =	vld [tilespmem:s15+$0x3230]  }
0x118: {  	v49 =	vadd.s32 v17, v32;
	v48 =	vld [tilespmem:s15+$0x3210];
	[tilespmem:v39+s12+$0x0] =	vst.idx.msk $0xffff, v38  }
0x119: {  	v39 =	vadd.s32 v28, v33;
	[tilespmem:v41+s12+$0x0] =	vst.idx.msk $0xffff, v40;
	v38 =	vld [tilespmem:s16+$0x57A0]  }
0x11a: {  	v41 =	vor.u32 v28, v34;
	[tilespmem:v43+s12+$0x0] =	vst.idx.msk $0xffff, v42;
	v40 =	vld [tilespmem:s16+$0x5780]  }
0x11b: {  	v43 =	vadd.s32 v7, v37;
	[tilespmem:v46+s12+$0x0] =	vst.idx.msk $0xffff, v44;
	v42 =	vld [tilespmem:s19+$0x12F0]  }
0x11c: {  	v46 =	vadd.s32 v7, v36;
	v44 =	vld [tilespmem:s19+$0x12D0];
	[tilespmem:v47+s12+$0x0] =	vst.idx.msk $0xffff, v45  }
0x11d: {  	v47 =	vadd.s32 v18, v35;
	[tilespmem:v49+s12+$0x0] =	vst.idx.msk $0xffff, v48;
	v45 =	vld [tilespmem:s15+$0x3860]  }
0x11e: {  	v49 =	vor.u32 v18, v32;
	v48 =	vld [tilespmem:s15+$0x3840];
	[tilespmem:v39+s12+$0x0] =	vst.idx.msk $0xffff, v38  }
0x11f: {  	v39 =	vadd.s32 v29, v33;
	[tilespmem:v41+s12+$0x0] =	vst.idx.msk $0xffff, v40;
	v38 =	vld [tilespmem:s16+$0x57B0]  }
0x120: {  	v41 =	vadd.s32 v29, v34;
	[tilespmem:v43+s12+$0x0] =	vst.idx.msk $0xffff, v42;
	v40 =	vld [tilespmem:s16+$0x5790]  }
0x121: {  	v43 =	vadd.s32 v8, v37;
	[tilespmem:v46+s12+$0x0] =	vst.idx.msk $0xffff, v44;
	v42 =	vld [tilespmem:s19+$0x1920]  }
0x122: {  	v46 =	vor.u32 v8, v36;
	v44 =	vld [tilespmem:s19+$0x1900];
	[tilespmem:v47+s12+$0x0] =	vst.idx.msk $0xffff, v45  }
0x123: {  	v50 =	vadd.s32 v19, v35;
	[tilespmem:v49+s12+$0x0] =	vst.idx.msk $0xffff, v48;
	v49 =	vld [tilespmem:s15+$0x3870]  }
0x124: {  	v52 =	vadd.s32 v19, v32;
	v51 =	vld [tilespmem:s15+$0x3850];
	[tilespmem:v39+s12+$0x0] =	vst.idx.msk $0xffff, v38  }
0x125: {  	v39 =	vadd.s32 v30, v33;
	[tilespmem:v41+s12+$0x0] =	vst.idx.msk $0xffff, v40;
	v38 =	vld [tilespmem:s16+$0x5DE0]  }
0x126: {  	v53 =	vor.u32 v30, v34;
	[tilespmem:v43+s12+$0x0] =	vst.idx.msk $0xffff, v42;
	v40 =	vld [tilespmem:s16+$0x5DC0]  }
.Ltmp5:
0x127: {  	v48 =	vadd.s32 v9, v37;
	[tilespmem:v46+s12+$0x0] =	vst.idx.msk $0xffff, v44;
	v46 =	vld [tilespmem:s19+$0x1930];
	(pc) =	sbr.rel @p1 .LBB2_4-.Ltmp5, $4  }
0x128: {  	v47 =	vadd.s32 v9, v36;
	v45 =	vld [tilespmem:s19+$0x1910];
	[tilespmem:v50+s12+$0x0] =	vst.idx.msk $0xffff, v49  }
0x129: {  	v43 =	vadd.s32 v20, v35;
	[tilespmem:v52+s12+$0x0] =	vst.idx.msk $0xffff, v51;
	v41 =	vld [tilespmem:s15+$0x3EA0]  }
0x12a: {  	v44 =	vor.u32 v20, v32;
	v42 =	vld [tilespmem:s15+$0x3E80];
	[tilespmem:v39+s12+$0x0] =	vst.idx.msk $0xffff, v38  }
0x12b: {  	s21 =	sadd.s32 $0x2, s21;
	s22 =	sadd.s32 $0x1, s20;
	[tilespmem:v53+s12+$0x0] =	vst.idx.msk $0xffff, v40;
	v39 =	vld [tilespmem:s16+$0x5DF0];
	v40 =	vadd.s32 v31, v33;
	v33 =	vmov v35;
	v35 =	vmov v37  }
0x12c: {  	v37 =	vmov s22  }
0x12d: {  	v38 =	vmov s20;
	v37 =	vmul.u32 $0x300, v37  }
0x12e: {  	v49 =	vmul.u32 $0x300, v38  }
0x12f: {  	v38 =	vbroadcast v37, $0x0  }
0x130: {  	s22 =	sadd.s32 $0x40, s19;
	v37 =	vbroadcast v49, $0x0  }
0x131: {  	v61 =	vld [tilespmem:s22+$0x20];
	v50 =	vadd.s32 v0, v38  }
0x132: {  	v51 =	vld [tilespmem:s22+$0x0];
	v52 =	vor.u32 v0, v37;
	_ =	sdelay $0x3  }
0x133: {  	[tilespmem:v50+s12+$0x0] =	vst.idx.msk $0xffff, v61  }
0x134: {  	v62 =	vadd.s32 v1, v38;
	[tilespmem:v52+s12+$0x0] =	vst.idx.msk $0xffff, v51;
	v49 =	vld [tilespmem:s22+$0x30]  }
0x135: {  	v63 =	vadd.s32 v1, v37;
	v51 =	vld [tilespmem:s22+$0x10];
	_ =	sdelay $0x3  }
0x136: {  	[tilespmem:v62+s12+$0x0] =	vst.idx.msk $0xffff, v49  }
0x137: {  	v56 =	vadd.s32 v2, v38;
	[tilespmem:v63+s12+$0x0] =	vst.idx.msk $0xffff, v51;
	v49 =	vld [tilespmem:s22+$0x660]  }
0x138: {  	v57 =	vor.u32 v2, v37;
	v51 =	vld [tilespmem:s22+$0x640];
	_ =	sdelay $0x3  }
0x139: {  	[tilespmem:v56+s12+$0x0] =	vst.idx.msk $0xffff, v49  }
0x13a: {  	v58 =	vadd.s32 v3, v38;
	[tilespmem:v57+s12+$0x0] =	vst.idx.msk $0xffff, v51;
	v49 =	vld [tilespmem:s22+$0x670]  }
0x13b: {  	v59 =	vadd.s32 v3, v37;
	v51 =	vld [tilespmem:s22+$0x650];
	_ =	sdelay $0x3  }
0x13c: {  	[tilespmem:v58+s12+$0x0] =	vst.idx.msk $0xffff, v49  }
0x13d: {  	v60 =	vadd.s32 v4, v38;
	[tilespmem:v59+s12+$0x0] =	vst.idx.msk $0xffff, v51;
	v49 =	vld [tilespmem:s22+$0xCA0]  }
0x13e: {  	v61 =	vor.u32 v4, v37;
	v51 =	vld [tilespmem:s22+$0xC80];
	_ =	sdelay $0x3  }
0x13f: {  	[tilespmem:v60+s12+$0x0] =	vst.idx.msk $0xffff, v49  }
0x140: {  	v62 =	vadd.s32 v5, v38;
	[tilespmem:v61+s12+$0x0] =	vst.idx.msk $0xffff, v51;
	v49 =	vld [tilespmem:s22+$0xCB0]  }
0x141: {  	v63 =	vadd.s32 v5, v37;
	v51 =	vld [tilespmem:s22+$0xC90];
	_ =	sdelay $0x3  }
0x142: {  	[tilespmem:v62+s12+$0x0] =	vst.idx.msk $0xffff, v49  }
0x143: {  	v56 =	vadd.s32 v6, v38;
	[tilespmem:v63+s12+$0x0] =	vst.idx.msk $0xffff, v51;
	v49 =	vld [tilespmem:s22+$0x12E0]  }
0x144: {  	v57 =	vor.u32 v6, v37;
	v51 =	vld [tilespmem:s22+$0x12C0];
	_ =	sdelay $0x3  }
0x145: {  	[tilespmem:v56+s12+$0x0] =	vst.idx.msk $0xffff, v49  }
0x146: {  	v58 =	vadd.s32 v7, v38;
	[tilespmem:v57+s12+$0x0] =	vst.idx.msk $0xffff, v51;
	v49 =	vld [tilespmem:s22+$0x12F0]  }
0x147: {  	v59 =	vadd.s32 v7, v37;
	v51 =	vld [tilespmem:s22+$0x12D0];
	_ =	sdelay $0x3  }
0x148: {  	[tilespmem:v58+s12+$0x0] =	vst.idx.msk $0xffff, v49  }
0x149: {  	v60 =	vadd.s32 v8, v38;
	[tilespmem:v59+s12+$0x0] =	vst.idx.msk $0xffff, v51;
	v49 =	vld [tilespmem:s22+$0x1920]  }
0x14a: {  	v61 =	vor.u32 v8, v37;
	v51 =	vld [tilespmem:s22+$0x1900];
	_ =	sdelay $0x3  }
0x14b: {  	[tilespmem:v60+s12+$0x0] =	vst.idx.msk $0xffff, v49  }
0x14c: {  	v62 =	vadd.s32 v9, v38;
	[tilespmem:v61+s12+$0x0] =	vst.idx.msk $0xffff, v51;
	v49 =	vld [tilespmem:s22+$0x1930]  }
0x14d: {  	v63 =	vadd.s32 v9, v37;
	v51 =	vld [tilespmem:s22+$0x1910];
	_ =	sdelay $0x1  }
0x14e: {  	[tilespmem:v48+s12+$0x0] =	vst.idx.msk $0xffff, v46  }
0x14f: {  	[tilespmem:v47+s12+$0x0] =	vst.idx.msk $0xffff, v45;
	v56 =	vld [tilespmem:s19+$0x1F60];
	v57 =	vadd.s32 v10, v35  }
0x150: {  	v47 =	vld [tilespmem:s19+$0x1F40];
	v58 =	vor.u32 v10, v36;
	[tilespmem:v62+s12+$0x0] =	vst.idx.msk $0xffff, v49  }
0x151: {  	v59 =	vadd.s32 v10, v38;
	[tilespmem:v63+s12+$0x0] =	vst.idx.msk $0xffff, v51;
	v49 =	vld [tilespmem:s22+$0x1F60]  }
0x152: {  	v60 =	vor.u32 v10, v37;
	v51 =	vld [tilespmem:s22+$0x1F40];
	_ =	sdelay $0x1  }
0x153: {  	[tilespmem:v57+s12+$0x0] =	vst.idx.msk $0xffff, v56  }
0x154: {  	v45 =	vld [tilespmem:s19+$0x1F70];
	[tilespmem:v58+s12+$0x0] =	vst.idx.msk $0xffff, v47;
	v61 =	vadd.s32 v11, v35  }
0x155: {  	v47 =	vld [tilespmem:s19+$0x1F50];
	v62 =	vadd.s32 v11, v36;
	[tilespmem:v59+s12+$0x0] =	vst.idx.msk $0xffff, v49  }
0x156: {  	v63 =	vadd.s32 v11, v38;
	[tilespmem:v60+s12+$0x0] =	vst.idx.msk $0xffff, v51;
	v49 =	vld [tilespmem:s22+$0x1F70]  }
0x157: {  	v56 =	vadd.s32 v11, v37;
	v51 =	vld [tilespmem:s22+$0x1F50];
	_ =	sdelay $0x1  }
0x158: {  	[tilespmem:v61+s12+$0x0] =	vst.idx.msk $0xffff, v45  }
0x159: {  	v57 =	vadd.s32 v12, v35;
	v45 =	vld [tilespmem:s19+$0x25A0];
	[tilespmem:v62+s12+$0x0] =	vst.idx.msk $0xffff, v47  }
0x15a: {  	v58 =	vor.u32 v12, v36;
	v47 =	vld [tilespmem:s19+$0x2580];
	[tilespmem:v63+s12+$0x0] =	vst.idx.msk $0xffff, v49  }
0x15b: {  	v59 =	vadd.s32 v12, v38;
	[tilespmem:v56+s12+$0x0] =	vst.idx.msk $0xffff, v51;
	v49 =	vld [tilespmem:s22+$0x25A0]  }
0x15c: {  	v60 =	vor.u32 v12, v37;
	v51 =	vld [tilespmem:s22+$0x2580];
	_ =	sdelay $0x1  }
0x15d: {  	[tilespmem:v57+s12+$0x0] =	vst.idx.msk $0xffff, v45  }
0x15e: {  	v61 =	vadd.s32 v13, v35;
	v45 =	vld [tilespmem:s19+$0x25B0];
	[tilespmem:v58+s12+$0x0] =	vst.idx.msk $0xffff, v47  }
0x15f: {  	v62 =	vadd.s32 v13, v36;
	v47 =	vld [tilespmem:s19+$0x2590];
	[tilespmem:v59+s12+$0x0] =	vst.idx.msk $0xffff, v49  }
0x160: {  	v63 =	vadd.s32 v13, v38;
	[tilespmem:v60+s12+$0x0] =	vst.idx.msk $0xffff, v51;
	v49 =	vld [tilespmem:s22+$0x25B0]  }
0x161: {  	v56 =	vadd.s32 v13, v37;
	v51 =	vld [tilespmem:s22+$0x2590];
	_ =	sdelay $0x1  }
0x162: {  	[tilespmem:v61+s12+$0x0] =	vst.idx.msk $0xffff, v45  }
0x163: {  	v57 =	vadd.s32 v14, v35;
	v45 =	vld [tilespmem:s19+$0x2BE0];
	[tilespmem:v62+s12+$0x0] =	vst.idx.msk $0xffff, v47  }
0x164: {  	v58 =	vor.u32 v14, v36;
	v47 =	vld [tilespmem:s19+$0x2BC0];
	[tilespmem:v63+s12+$0x0] =	vst.idx.msk $0xffff, v49  }
0x165: {  	v59 =	vadd.s32 v14, v38;
	[tilespmem:v56+s12+$0x0] =	vst.idx.msk $0xffff, v51;
	v49 =	vld [tilespmem:s22+$0x2BE0]  }
0x166: {  	v60 =	vor.u32 v14, v37;
	v51 =	vld [tilespmem:s22+$0x2BC0];
	_ =	sdelay $0x1  }
0x167: {  	[tilespmem:v57+s12+$0x0] =	vst.idx.msk $0xffff, v45  }
0x168: {  	v61 =	vadd.s32 v15, v35;
	v45 =	vld [tilespmem:s19+$0x2BF0];
	[tilespmem:v58+s12+$0x0] =	vst.idx.msk $0xffff, v47  }
0x169: {  	v62 =	vadd.s32 v15, v36;
	v47 =	vld [tilespmem:s19+$0x2BD0];
	[tilespmem:v59+s12+$0x0] =	vst.idx.msk $0xffff, v49  }
0x16a: {  	v63 =	vadd.s32 v15, v38;
	[tilespmem:v60+s12+$0x0] =	vst.idx.msk $0xffff, v51;
	v49 =	vld [tilespmem:s22+$0x2BF0]  }
0x16b: {  	v56 =	vadd.s32 v15, v37;
	v51 =	vld [tilespmem:s22+$0x2BD0];
	_ =	sdelay $0x1  }
0x16c: {  	[tilespmem:v61+s12+$0x0] =	vst.idx.msk $0xffff, v45  }
0x16d: {  	v57 =	vadd.s32 v16, v35;
	v45 =	vld [tilespmem:s19+$0x3220];
	[tilespmem:v62+s12+$0x0] =	vst.idx.msk $0xffff, v47  }
0x16e: {  	v58 =	vor.u32 v16, v36;
	v47 =	vld [tilespmem:s19+$0x3200];
	[tilespmem:v63+s12+$0x0] =	vst.idx.msk $0xffff, v49  }
0x16f: {  	v59 =	vadd.s32 v16, v38;
	[tilespmem:v56+s12+$0x0] =	vst.idx.msk $0xffff, v51;
	v49 =	vld [tilespmem:s22+$0x3220]  }
0x170: {  	v60 =	vor.u32 v16, v37;
	v51 =	vld [tilespmem:s22+$0x3200];
	_ =	sdelay $0x1  }
0x171: {  	[tilespmem:v57+s12+$0x0] =	vst.idx.msk $0xffff, v45  }
0x172: {  	v61 =	vadd.s32 v17, v35;
	v45 =	vld [tilespmem:s19+$0x3230];
	[tilespmem:v58+s12+$0x0] =	vst.idx.msk $0xffff, v47  }
0x173: {  	v62 =	vadd.s32 v17, v36;
	v47 =	vld [tilespmem:s19+$0x3210];
	[tilespmem:v59+s12+$0x0] =	vst.idx.msk $0xffff, v49  }
0x174: {  	v63 =	vadd.s32 v17, v38;
	[tilespmem:v60+s12+$0x0] =	vst.idx.msk $0xffff, v51;
	v49 =	vld [tilespmem:s22+$0x3230]  }
0x175: {  	v56 =	vadd.s32 v17, v37;
	v51 =	vld [tilespmem:s22+$0x3210];
	_ =	sdelay $0x1  }
0x176: {  	[tilespmem:v61+s12+$0x0] =	vst.idx.msk $0xffff, v45  }
0x177: {  	v57 =	vadd.s32 v18, v35;
	v45 =	vld [tilespmem:s19+$0x3860];
	[tilespmem:v62+s12+$0x0] =	vst.idx.msk $0xffff, v47  }
0x178: {  	v58 =	vor.u32 v18, v36;
	v47 =	vld [tilespmem:s19+$0x3840];
	[tilespmem:v63+s12+$0x0] =	vst.idx.msk $0xffff, v49  }
0x179: {  	v59 =	vadd.s32 v18, v38;
	[tilespmem:v56+s12+$0x0] =	vst.idx.msk $0xffff, v51;
	v49 =	vld [tilespmem:s22+$0x3860]  }
0x17a: {  	v60 =	vor.u32 v18, v37;
	v51 =	vld [tilespmem:s22+$0x3840];
	_ =	sdelay $0x1  }
0x17b: {  	[tilespmem:v57+s12+$0x0] =	vst.idx.msk $0xffff, v45  }
0x17c: {  	v61 =	vadd.s32 v19, v35;
	v45 =	vld [tilespmem:s19+$0x3870];
	[tilespmem:v58+s12+$0x0] =	vst.idx.msk $0xffff, v47  }
0x17d: {  	v62 =	vadd.s32 v19, v36;
	v47 =	vld [tilespmem:s19+$0x3850];
	[tilespmem:v59+s12+$0x0] =	vst.idx.msk $0xffff, v49  }
0x17e: {  	v63 =	vadd.s32 v19, v38;
	[tilespmem:v60+s12+$0x0] =	vst.idx.msk $0xffff, v51;
	v49 =	vld [tilespmem:s22+$0x3870]  }
0x17f: {  	[tilespmem:v43+s12+$0x0] =	vst.idx.msk $0xffff, v41;
	v52 =	vadd.s32 v19, v37;
	v51 =	vld [tilespmem:s22+$0x3850]  }
0x180: {  	[tilespmem:v44+s12+$0x0] =	vst.idx.msk $0xffff, v42  }
0x181: {  	v53 =	vld [tilespmem:s16+$0x5DD0];
	v34 =	vadd.s32 v31, v34;
	[tilespmem:v61+s12+$0x0] =	vst.idx.msk $0xffff, v45  }
0x182: {  	v55 =	vadd.s32 v20, v35;
	v54 =	vld [tilespmem:s19+$0x3EA0];
	[tilespmem:v62+s12+$0x0] =	vst.idx.msk $0xffff, v47  }
0x183: {  	v57 =	vor.u32 v20, v36;
	v56 =	vld [tilespmem:s19+$0x3E80];
	[tilespmem:v63+s12+$0x0] =	vst.idx.msk $0xffff, v49  }
0x184: {  	v59 =	vadd.s32 v20, v38;
	[tilespmem:v52+s12+$0x0] =	vst.idx.msk $0xffff, v51;
	v58 =	vld [tilespmem:s22+$0x3EA0]  }
0x185: {  	[tilespmem:v40+s12+$0x0] =	vst.idx.msk $0xffff, v39;
	v61 =	vor.u32 v20, v37;
	v60 =	vld [tilespmem:s22+$0x3E80]  }
0x186: {  	[tilespmem:v34+s12+$0x0] =	vst.idx.msk $0xffff, v53;
	v62 =	vld [tilespmem:s15+$0x3EB0];
	v63 =	vadd.s32 v21, v33  }
0x187: {  	v50 =	vld [tilespmem:s15+$0x3E90];
	[tilespmem:v55+s12+$0x0] =	vst.idx.msk $0xffff, v54;
	v51 =	vadd.s32 v21, v32  }
0x188: {  	v44 =	vld [tilespmem:s19+$0x3EB0];
	[tilespmem:v57+s12+$0x0] =	vst.idx.msk $0xffff, v56;
	v52 =	vadd.s32 v21, v35  }
0x189: {  	v53 =	vadd.s32 v21, v36;
	v46 =	vld [tilespmem:s19+$0x3E90];
	[tilespmem:v59+s12+$0x0] =	vst.idx.msk $0xffff, v58  }
0x18a: {  	v55 =	vadd.s32 v21, v38;
	[tilespmem:v61+s12+$0x0] =	vst.idx.msk $0xffff, v60;
	v54 =	vld [tilespmem:s22+$0x3EB0]  }
0x18b: {  	v57 =	vadd.s32 v21, v37;
	[tilespmem:v63+s12+$0x0] =	vst.idx.msk $0xffff, v62;
	v56 =	vld [tilespmem:s22+$0x3E90]  }
0x18c: {  	[tilespmem:v51+s12+$0x0] =	vst.idx.msk $0xffff, v50;
	v58 =	vld [tilespmem:s15+$0x44E0];
	v59 =	vadd.s32 v22, v33  }
0x18d: {  	[tilespmem:v52+s12+$0x0] =	vst.idx.msk $0xffff, v44;
	v60 =	vld [tilespmem:s15+$0x44C0];
	v61 =	vor.u32 v22, v32  }
0x18e: {  	[tilespmem:v53+s12+$0x0] =	vst.idx.msk $0xffff, v46;
	v62 =	vadd.s32 v22, v35;
	v44 =	vld [tilespmem:s19+$0x44E0]  }
0x18f: {  	v63 =	vor.u32 v22, v36;
	v46 =	vld [tilespmem:s19+$0x44C0];
	[tilespmem:v55+s12+$0x0] =	vst.idx.msk $0xffff, v54  }
0x190: {  	v52 =	vadd.s32 v22, v38;
	[tilespmem:v57+s12+$0x0] =	vst.idx.msk $0xffff, v56;
	v39 =	vld [tilespmem:s22+$0x44E0]  }
0x191: {  	[tilespmem:v59+s12+$0x0] =	vst.idx.msk $0xffff, v58;
	v54 =	vor.u32 v22, v37;
	v53 =	vld [tilespmem:s22+$0x44C0]  }
0x192: {  	[tilespmem:v61+s12+$0x0] =	vst.idx.msk $0xffff, v60;
	v42 =	vld [tilespmem:s15+$0x44F0];
	v55 =	vadd.s32 v23, v33  }
0x193: {  	[tilespmem:v62+s12+$0x0] =	vst.idx.msk $0xffff, v44;
	v48 =	vld [tilespmem:s15+$0x44D0];
	v56 =	vadd.s32 v23, v32  }
0x194: {  	[tilespmem:v63+s12+$0x0] =	vst.idx.msk $0xffff, v46;
	v44 =	vld [tilespmem:s19+$0x44F0];
	v57 =	vadd.s32 v23, v35  }
0x195: {  	v58 =	vadd.s32 v23, v36;
	v46 =	vld [tilespmem:s19+$0x44D0];
	[tilespmem:v52+s12+$0x0] =	vst.idx.msk $0xffff, v39  }
0x196: {  	v60 =	vadd.s32 v23, v38;
	[tilespmem:v54+s12+$0x0] =	vst.idx.msk $0xffff, v53;
	v59 =	vld [tilespmem:s22+$0x44F0]  }
0x197: {  	v62 =	vadd.s32 v23, v37;
	[tilespmem:v55+s12+$0x0] =	vst.idx.msk $0xffff, v42;
	v61 =	vld [tilespmem:s22+$0x44D0]  }
0x198: {  	v63 =	vadd.s32 v24, v33;
	[tilespmem:v56+s12+$0x0] =	vst.idx.msk $0xffff, v48;
	v42 =	vld [tilespmem:s15+$0x4B20]  }
0x199: {  	[tilespmem:v57+s12+$0x0] =	vst.idx.msk $0xffff, v44;
	v48 =	vld [tilespmem:s15+$0x4B00];
	v52 =	vor.u32 v24, v32  }
0x19a: {  	[tilespmem:v58+s12+$0x0] =	vst.idx.msk $0xffff, v46;
	v44 =	vld [tilespmem:s19+$0x4B20];
	v53 =	vadd.s32 v24, v35  }
0x19b: {  	v46 =	vld [tilespmem:s19+$0x4B00];
	v54 =	vor.u32 v24, v36;
	[tilespmem:v60+s12+$0x0] =	vst.idx.msk $0xffff, v59  }
0x19c: {  	v55 =	vadd.s32 v24, v38;
	[tilespmem:v62+s12+$0x0] =	vst.idx.msk $0xffff, v61;
	v34 =	vld [tilespmem:s22+$0x4B20]  }
0x19d: {  	v56 =	vor.u32 v24, v37;
	[tilespmem:v63+s12+$0x0] =	vst.idx.msk $0xffff, v42;
	v40 =	vld [tilespmem:s22+$0x4B00]  }
0x19e: {  	v57 =	vadd.s32 v25, v33;
	[tilespmem:v52+s12+$0x0] =	vst.idx.msk $0xffff, v48;
	v42 =	vld [tilespmem:s15+$0x4B30]  }
0x19f: {  	v58 =	vadd.s32 v25, v32;
	[tilespmem:v53+s12+$0x0] =	vst.idx.msk $0xffff, v44;
	v48 =	vld [tilespmem:s15+$0x4B10]  }
0x1a0: {  	[tilespmem:v54+s12+$0x0] =	vst.idx.msk $0xffff, v46;
	v44 =	vld [tilespmem:s19+$0x4B30];
	v59 =	vadd.s32 v25, v35  }
0x1a1: {  	v46 =	vld [tilespmem:s19+$0x4B10];
	v60 =	vadd.s32 v25, v36;
	[tilespmem:v55+s12+$0x0] =	vst.idx.msk $0xffff, v34  }
0x1a2: {  	v61 =	vadd.s32 v25, v38;
	[tilespmem:v56+s12+$0x0] =	vst.idx.msk $0xffff, v40;
	v34 =	vld [tilespmem:s22+$0x4B30]  }
0x1a3: {  	v62 =	vadd.s32 v25, v37;
	[tilespmem:v57+s12+$0x0] =	vst.idx.msk $0xffff, v42;
	v40 =	vld [tilespmem:s22+$0x4B10]  }
0x1a4: {  	v63 =	vadd.s32 v26, v33;
	[tilespmem:v58+s12+$0x0] =	vst.idx.msk $0xffff, v48;
	v42 =	vld [tilespmem:s15+$0x5160]  }
0x1a5: {  	v52 =	vor.u32 v26, v32;
	[tilespmem:v59+s12+$0x0] =	vst.idx.msk $0xffff, v44;
	v48 =	vld [tilespmem:s15+$0x5140]  }
0x1a6: {  	v53 =	vadd.s32 v26, v35;
	[tilespmem:v60+s12+$0x0] =	vst.idx.msk $0xffff, v46;
	v44 =	vld [tilespmem:s19+$0x5160]  }
0x1a7: {  	v54 =	vor.u32 v26, v36;
	v46 =	vld [tilespmem:s19+$0x5140];
	[tilespmem:v61+s12+$0x0] =	vst.idx.msk $0xffff, v34  }
0x1a8: {  	v55 =	vadd.s32 v26, v38;
	[tilespmem:v62+s12+$0x0] =	vst.idx.msk $0xffff, v40;
	v34 =	vld [tilespmem:s22+$0x5160]  }
0x1a9: {  	v56 =	vor.u32 v26, v37;
	[tilespmem:v63+s12+$0x0] =	vst.idx.msk $0xffff, v42;
	v40 =	vld [tilespmem:s22+$0x5140]  }
0x1aa: {  	v57 =	vadd.s32 v27, v33;
	[tilespmem:v52+s12+$0x0] =	vst.idx.msk $0xffff, v48;
	v42 =	vld [tilespmem:s15+$0x5170]  }
0x1ab: {  	v58 =	vadd.s32 v27, v32;
	[tilespmem:v53+s12+$0x0] =	vst.idx.msk $0xffff, v44;
	v48 =	vld [tilespmem:s15+$0x5150]  }
0x1ac: {  	v59 =	vadd.s32 v27, v35;
	[tilespmem:v54+s12+$0x0] =	vst.idx.msk $0xffff, v46;
	v44 =	vld [tilespmem:s19+$0x5170]  }
0x1ad: {  	v60 =	vadd.s32 v27, v36;
	v46 =	vld [tilespmem:s19+$0x5150];
	[tilespmem:v55+s12+$0x0] =	vst.idx.msk $0xffff, v34  }
0x1ae: {  	v61 =	vadd.s32 v27, v38;
	[tilespmem:v56+s12+$0x0] =	vst.idx.msk $0xffff, v40;
	v34 =	vld [tilespmem:s22+$0x5170]  }
0x1af: {  	v62 =	vadd.s32 v27, v37;
	[tilespmem:v57+s12+$0x0] =	vst.idx.msk $0xffff, v42;
	v40 =	vld [tilespmem:s22+$0x5150]  }
0x1b0: {  	v63 =	vadd.s32 v28, v33;
	[tilespmem:v58+s12+$0x0] =	vst.idx.msk $0xffff, v48;
	v42 =	vld [tilespmem:s15+$0x57A0]  }
0x1b1: {  	v52 =	vor.u32 v28, v32;
	[tilespmem:v59+s12+$0x0] =	vst.idx.msk $0xffff, v44;
	v48 =	vld [tilespmem:s15+$0x5780]  }
0x1b2: {  	v53 =	vadd.s32 v28, v35;
	[tilespmem:v60+s12+$0x0] =	vst.idx.msk $0xffff, v46;
	v44 =	vld [tilespmem:s19+$0x57A0]  }
0x1b3: {  	v54 =	vor.u32 v28, v36;
	v46 =	vld [tilespmem:s19+$0x5780];
	[tilespmem:v61+s12+$0x0] =	vst.idx.msk $0xffff, v34  }
0x1b4: {  	v55 =	vadd.s32 v28, v38;
	[tilespmem:v62+s12+$0x0] =	vst.idx.msk $0xffff, v40;
	v34 =	vld [tilespmem:s22+$0x57A0]  }
0x1b5: {  	v56 =	vor.u32 v28, v37;
	[tilespmem:v63+s12+$0x0] =	vst.idx.msk $0xffff, v42;
	v40 =	vld [tilespmem:s22+$0x5780]  }
0x1b6: {  	v57 =	vadd.s32 v29, v33;
	[tilespmem:v52+s12+$0x0] =	vst.idx.msk $0xffff, v48;
	v42 =	vld [tilespmem:s15+$0x57B0]  }
0x1b7: {  	v58 =	vadd.s32 v29, v32;
	[tilespmem:v53+s12+$0x0] =	vst.idx.msk $0xffff, v44;
	v48 =	vld [tilespmem:s15+$0x5790]  }
0x1b8: {  	v59 =	vadd.s32 v29, v35;
	[tilespmem:v54+s12+$0x0] =	vst.idx.msk $0xffff, v46;
	v44 =	vld [tilespmem:s19+$0x57B0]  }
0x1b9: {  	v60 =	vadd.s32 v29, v36;
	v46 =	vld [tilespmem:s19+$0x5790];
	[tilespmem:v55+s12+$0x0] =	vst.idx.msk $0xffff, v34  }
0x1ba: {  	v61 =	vadd.s32 v29, v38;
	[tilespmem:v56+s12+$0x0] =	vst.idx.msk $0xffff, v40;
	v34 =	vld [tilespmem:s22+$0x57B0]  }
0x1bb: {  	v62 =	vadd.s32 v29, v37;
	[tilespmem:v57+s12+$0x0] =	vst.idx.msk $0xffff, v42;
	v40 =	vld [tilespmem:s22+$0x5790]  }
0x1bc: {  	v63 =	vadd.s32 v30, v33;
	[tilespmem:v58+s12+$0x0] =	vst.idx.msk $0xffff, v48;
	v42 =	vld [tilespmem:s15+$0x5DE0]  }
0x1bd: {  	v52 =	vor.u32 v30, v32;
	[tilespmem:v59+s12+$0x0] =	vst.idx.msk $0xffff, v44;
	v48 =	vld [tilespmem:s15+$0x5DC0]  }
0x1be: {  	v53 =	vadd.s32 v30, v35;
	[tilespmem:v60+s12+$0x0] =	vst.idx.msk $0xffff, v46;
	v44 =	vld [tilespmem:s19+$0x5DE0]  }
0x1bf: {  	v54 =	vor.u32 v30, v36;
	v46 =	vld [tilespmem:s19+$0x5DC0];
	[tilespmem:v61+s12+$0x0] =	vst.idx.msk $0xffff, v34  }
0x1c0: {  	v55 =	vadd.s32 v30, v38;
	[tilespmem:v62+s12+$0x0] =	vst.idx.msk $0xffff, v40;
	v34 =	vld [tilespmem:s22+$0x5DE0]  }
0x1c1: {  	v56 =	vor.u32 v30, v37;
	[tilespmem:v63+s12+$0x0] =	vst.idx.msk $0xffff, v42;
	v40 =	vld [tilespmem:s22+$0x5DC0]  }
0x1c2: {  	v57 =	vadd.s32 v31, v33;
	[tilespmem:v52+s12+$0x0] =	vst.idx.msk $0xffff, v48;
	v42 =	vld [tilespmem:s15+$0x5DF0]  }
0x1c3: {  	v59 =	vadd.s32 v31, v32;
	[tilespmem:v53+s12+$0x0] =	vst.idx.msk $0xffff, v44;
	v58 =	vld [tilespmem:s15+$0x5DD0]  }
0x1c4: {  	v60 =	vadd.s32 v31, v35;
	[tilespmem:v54+s12+$0x0] =	vst.idx.msk $0xffff, v46;
	v44 =	vld [tilespmem:s19+$0x5DF0]  }
0x1c5: {  	v61 =	vld [tilespmem:s19+$0x5DD0];
	v62 =	vadd.s32 v31, v36;
	[tilespmem:v55+s12+$0x0] =	vst.idx.msk $0xffff, v34  }
0x1c6: {  	v38 =	vadd.s32 v31, v38;
	[tilespmem:v56+s12+$0x0] =	vst.idx.msk $0xffff, v40;
	v34 =	vld [tilespmem:s22+$0x5DF0]  }
0x1c7: {  	v37 =	vadd.s32 v31, v37;
	[tilespmem:v57+s12+$0x0] =	vst.idx.msk $0xffff, v42;
	v63 =	vld [tilespmem:s22+$0x5DD0]  }
0x1c8: {  	[tilespmem:v59+s12+$0x0] =	vst.idx.msk $0xffff, v58  }
0x1c9: {  	s21 =	sshll.u32 s7, $0x5;
	[tilespmem:v60+s12+$0x0] =	vst.idx.msk $0xffff, v44  }
0x1ca: {  	s15 =	sadd.s32 s21, s8;
	[tilespmem:v62+s12+$0x0] =	vst.idx.msk $0xffff, v61  }
0x1cb: {  	s15 =	sshrl.u32 s15, $0x3;
	[tilespmem:v38+s12+$0x0] =	vst.idx.msk $0xffff, v34  }
0x1cc: {  	s16 =	simm.s32 $0x60;
	s15 =	sadd.s32 s6, s15;
	s22 =	simm.s32 $0x16500;
	[tilespmem:v37+s12+$0x0] =	vst.idx.msk $0xffff, v63  }
0x1cd: {  	[hbm4b:s15+s3] =	stream.linear.scatter [tilespmem:s22], [sflag:$0x6], $0x10, $0x38;
	[tilespmem:$0x1FB00] =	vst v63  }
.LBB2_6:
0x1ce: {  	p1 =	sne.s32 s16, $0x257A0  }
.Ltmp6:
0x1cf: {  	_ = 	snop;
	(pc) =	sbr.rel @p1 .LBB2_6-.Ltmp6, $4  }
0x1d0: {  	_ = 	snop  }
0x1d1: {  	s19 =	sshra.s32 s16, $0x2;
	s16 =	sadd.s32 $0x60, s16  }
0x1d2: {  	s15 =	sadd.s32 $0x800, s15;
	s19 =	sadd.s32 $0x16500, s19  }
0x1d3: {  	[hbm4b:s15+s3] =	stream.linear.scatter [tilespmem:s19], [sflag:$0x6], $0x10, $0x38;
	[tilespmem:$0x1FB00] =	vst v63  }
.Ltmp7:
0x1d4: {  	(pc) =	sbr.rel @p0 .LBB2_9-.Ltmp7, $1  }
0x1d5: {  	_ =	sdelay $0x3  }
.LBB2_8:
0x1d6: {  	_ =	swait.ge [sflag:s17], $0x380  }
0x1d7: {  	[sflag:s17] =	ssyncset.done $0x0  }
0x1d8: {  	s15 =	simm.s32 $0x380;
	s16 =	simm.s32 $0x6B00;
	[sflag:s17] =	ssyncadd.s32 $0xFFFFFC80  }
0x1d9: {  	[tilespmem:s16], [sflag:$0x4] =	stream.indirect.gather [hbm4b:s5+s18], $0x20, s15, s18, $0xb8;
	[tilespmem:$0x1FB00] =	vst v63  }
0x1da: {  	s19 =	simm.s32 $0x3B8;
	s20 =	simm.s32 $0x7140  }
0x1db: {  	[tilespmem:s20], [sflag:$0x4] =	stream.indirect.gather [hbm4b:s5+s18], $0x20, s19, s18, $0xb8;
	[tilespmem:$0x1FB00] =	vst v63  }
0x1dc: {  	s21 =	simm.s32 $0x3F0;
	s22 =	simm.s32 $0x7780  }
0x1dd: {  	[tilespmem:s22], [sflag:$0x4] =	stream.indirect.gather [hbm4b:s5+s18], $0x20, s21, s18, $0xb8;
	[tilespmem:$0x1FB00] =	vst v63  }
0x1de: {  	s19 =	simm.s32 $0x428;
	s20 =	simm.s32 $0x7DC0  }
0x1df: {  	[tilespmem:s20], [sflag:$0x4] =	stream.indirect.gather [hbm4b:s5+s18], $0x20, s19, s18, $0xb8;
	[tilespmem:$0x1FB00] =	vst v63  }
0x1e0: {  	s21 =	simm.s32 $0x460;
	s22 =	simm.s32 $0x8400  }
0x1e1: {  	[tilespmem:s22], [sflag:$0x4] =	stream.indirect.gather [hbm4b:s5+s18], $0x20, s21, s18, $0xb8;
	[tilespmem:$0x1FB00] =	vst v63  }
0x1e2: {  	s19 =	simm.s32 $0x498;
	s20 =	simm.s32 $0x8A40  }
0x1e3: {  	[tilespmem:s20], [sflag:$0x4] =	stream.indirect.gather [hbm4b:s5+s18], $0x20, s19, s18, $0xb8;
	[tilespmem:$0x1FB00] =	vst v63  }
0x1e4: {  	s21 =	simm.s32 $0x4D0;
	s22 =	simm.s32 $0x9080  }
0x1e5: {  	[tilespmem:s22], [sflag:$0x4] =	stream.indirect.gather [hbm4b:s5+s18], $0x20, s21, s18, $0xb8;
	[tilespmem:$0x1FB00] =	vst v63  }
0x1e6: {  	s19 =	simm.s32 $0x508;
	s20 =	simm.s32 $0x96C0  }
0x1e7: {  	[tilespmem:s20], [sflag:$0x4] =	stream.indirect.gather [hbm4b:s5+s18], $0x20, s19, s18, $0xb8;
	[tilespmem:$0x1FB00] =	vst v63  }
0x1e8: {  	s21 =	simm.s32 $0x540;
	s22 =	simm.s32 $0x9D00  }
0x1e9: {  	[tilespmem:s22], [sflag:$0x4] =	stream.indirect.gather [hbm4b:s5+s18], $0x20, s21, s18, $0xb8;
	[tilespmem:$0x1FB00] =	vst v63  }
0x1ea: {  	s19 =	simm.s32 $0x578;
	s20 =	simm.s32 $0xA340  }
0x1eb: {  	[tilespmem:s20], [sflag:$0x4] =	stream.indirect.gather [hbm4b:s5+s18], $0x20, s19, s18, $0xb8;
	[tilespmem:$0x1FB00] =	vst v63  }
0x1ec: {  	s21 =	simm.s32 $0x5B0;
	s22 =	simm.s32 $0xA980  }
0x1ed: {  	[tilespmem:s22], [sflag:$0x4] =	stream.indirect.gather [hbm4b:s5+s18], $0x20, s21, s18, $0xb8;
	[tilespmem:$0x1FB00] =	vst v63  }
0x1ee: {  	_ = 	snop  }
0x1ef: {  	[tilespmem:s24], [sflag:$0x4] =	stream.indirect.gather [hbm4b:s5+s18], $0x20, s23, s18, $0xb8;
	[tilespmem:$0x1FB00] =	vst v63  }
0x1f0: {  	p0 =	sgt.u32 s7, $0xE  }
0x1f1: {  	[tilespmem:s26], [sflag:$0x4] =	stream.indirect.gather [hbm4b:s5+s18], $0x20, s25, s18, $0xb8;
	[tilespmem:$0x1FB00] =	vst v63  }
0x1f2: {  	s15 =	sshll.u32 @!p0 s7, $0x5  }
0x1f3: {  	[tilespmem:s29], [sflag:$0x4] =	stream.indirect.gather [hbm4b:s5+s18], $0x20, s28, s18, $0xb8;
	[tilespmem:$0x1FB00] =	vst v63  }
0x1f4: {  	s15 =	sadd.s32 @!p0 s15, s9  }
0x1f5: {  	[tilespmem:s31], [sflag:$0x4] =	stream.indirect.gather [hbm4b:s5+s18], $0x20, s30, s18, $0xb8;
	[tilespmem:$0x1FB00] =	vst v63  }
0x1f6: {  	s15 =	smul.u32 @!p0 $0x7, s15  }
0x1f7: {  	[tilespmem:s1], [sflag:$0x4] =	stream.indirect.gather [hbm4b:s5+s18], $0x20, s0, s18, $0xb8;
	[tilespmem:$0x1FB00] =	vst v63  }
0x1f8: {  	s16 =	simm.s32 @!p0 $0x0;
	s15 =	sadd.s32 @!p0 s2, s15  }
0x1f9: {  	[tilespmem:s16], [sflag:$0x1] =	stream.linear.gather @!p0 [hbm4b:s15+s16], $0x380, $0x38;
	[tilespmem:$0x1FB00] =	vst v63  }
.LBB2_9:
0x1fa: {  	p0 =	sgt.u32 s10, $0x20  }
.Ltmp8:
0x1fb: {  	_ = 	snop;
	(pc) =	sbr.rel @p0 .LBB2_14-.Ltmp8, $1  }
0x1fc: {  	_ =	sdelay $0x3  }
0x1fd: {  	_ =	swait.ge [sflag:s13], $0x6400;
	s10 =	simm.s32 $0x1  }
0x1fe: {  	p0 =	seq.s32 s7, $0x0;
	s15 =	simm.s32 $0x0;
	[sflag:s13] =	ssyncset.done $0x0;
	v32 =	vmov s10  }
0x1ff: {  	s10 =	simm.s32 @!p0 $0x5;
	v33 =	vmov s15;
	[sflag:s13] =	ssyncadd.s32 $0xFFFF9C00;
	v32 =	vmul.u32 $0x300, v32  }
0x200: {  	v33 =	vmul.u32 $0x300, v33;
	_ =	swait.ge @!p0 [sflag:s10], $0x6400  }
0x201: {  	[sflag:s10] =	ssyncset.done @!p0 $0x0;
	v37 =	vbroadcast v32, $0x0  }
0x202: {  	s15 =	simm.s32 $0x700;
	v34 =	vbroadcast v33, $0x0;
	[sflag:s10] =	ssyncadd.s32 @!p0 $0xFFFF9C00  }
0x203: {  	v52 =	vld [tilespmem:s15+$0x20];
	v53 =	vadd.s32 v0, v37  }
0x204: {  	v35 =	vld [tilespmem:s15+$0x0];
	v36 =	vor.u32 v0, v34;
	_ =	sdelay $0x3  }
0x205: {  	[tilespmem:v53+s14+$0x0] =	vst.idx.msk $0xffff, v52  }
0x206: {  	v54 =	vadd.s32 v1, v37;
	[tilespmem:v36+s14+$0x0] =	vst.idx.msk $0xffff, v35;
	v32 =	vld [tilespmem:s15+$0x30]  }
0x207: {  	v55 =	vadd.s32 v1, v34;
	v35 =	vld [tilespmem:s15+$0x10];
	_ =	sdelay $0x3  }
0x208: {  	[tilespmem:v54+s14+$0x0] =	vst.idx.msk $0xffff, v32  }
0x209: {  	v56 =	vadd.s32 v2, v37;
	[tilespmem:v55+s14+$0x0] =	vst.idx.msk $0xffff, v35;
	v32 =	vld [tilespmem:s15+$0x660]  }
0x20a: {  	v57 =	vor.u32 v2, v34;
	v35 =	vld [tilespmem:s15+$0x640];
	_ =	sdelay $0x3  }
0x20b: {  	[tilespmem:v56+s14+$0x0] =	vst.idx.msk $0xffff, v32  }
0x20c: {  	v58 =	vadd.s32 v3, v37;
	[tilespmem:v57+s14+$0x0] =	vst.idx.msk $0xffff, v35;
	v32 =	vld [tilespmem:s15+$0x670]  }
0x20d: {  	v59 =	vadd.s32 v3, v34;
	v35 =	vld [tilespmem:s15+$0x650];
	_ =	sdelay $0x3  }
0x20e: {  	[tilespmem:v58+s14+$0x0] =	vst.idx.msk $0xffff, v32  }
0x20f: {  	v60 =	vadd.s32 v4, v37;
	[tilespmem:v59+s14+$0x0] =	vst.idx.msk $0xffff, v35;
	v32 =	vld [tilespmem:s15+$0xCA0]  }
0x210: {  	v61 =	vor.u32 v4, v34;
	v35 =	vld [tilespmem:s15+$0xC80];
	_ =	sdelay $0x3  }
0x211: {  	[tilespmem:v60+s14+$0x0] =	vst.idx.msk $0xffff, v32  }
0x212: {  	v62 =	vadd.s32 v5, v37;
	[tilespmem:v61+s14+$0x0] =	vst.idx.msk $0xffff, v35;
	v32 =	vld [tilespmem:s15+$0xCB0]  }
0x213: {  	v63 =	vadd.s32 v5, v34;
	v35 =	vld [tilespmem:s15+$0xC90];
	_ =	sdelay $0x3  }
0x214: {  	[tilespmem:v62+s14+$0x0] =	vst.idx.msk $0xffff, v32  }
0x215: {  	v40 =	vadd.s32 v6, v37;
	[tilespmem:v63+s14+$0x0] =	vst.idx.msk $0xffff, v35;
	v32 =	vld [tilespmem:s15+$0x12E0]  }
0x216: {  	v41 =	vor.u32 v6, v34;
	v35 =	vld [tilespmem:s15+$0x12C0];
	_ =	sdelay $0x3  }
0x217: {  	[tilespmem:v40+s14+$0x0] =	vst.idx.msk $0xffff, v32  }
0x218: {  	v42 =	vadd.s32 v7, v37;
	[tilespmem:v41+s14+$0x0] =	vst.idx.msk $0xffff, v35;
	v32 =	vld [tilespmem:s15+$0x12F0]  }
0x219: {  	v43 =	vadd.s32 v7, v34;
	v35 =	vld [tilespmem:s15+$0x12D0];
	_ =	sdelay $0x3  }
0x21a: {  	[tilespmem:v42+s14+$0x0] =	vst.idx.msk $0xffff, v32  }
0x21b: {  	v44 =	vadd.s32 v8, v37;
	[tilespmem:v43+s14+$0x0] =	vst.idx.msk $0xffff, v35;
	v32 =	vld [tilespmem:s15+$0x1920]  }
0x21c: {  	v45 =	vor.u32 v8, v34;
	v35 =	vld [tilespmem:s15+$0x1900];
	_ =	sdelay $0x3  }
0x21d: {  	[tilespmem:v44+s14+$0x0] =	vst.idx.msk $0xffff, v32  }
0x21e: {  	v46 =	vadd.s32 v9, v37;
	[tilespmem:v45+s14+$0x0] =	vst.idx.msk $0xffff, v35;
	v32 =	vld [tilespmem:s15+$0x1930]  }
0x21f: {  	v47 =	vadd.s32 v9, v34;
	v35 =	vld [tilespmem:s15+$0x1910];
	_ =	sdelay $0x2  }
0x220: {  	s21 =	simm.s32 $0x3  }
0x221: {  	s16 =	simm.s32 $0x2;
	v38 =	vmov s21;
	[tilespmem:v46+s14+$0x0] =	vst.idx.msk $0xffff, v32  }
0x222: {  	v48 =	vmov s16;
	v49 =	vmul.u32 $0x300, v38;
	v51 =	vadd.s32 v10, v37;
	[tilespmem:v47+s14+$0x0] =	vst.idx.msk $0xffff, v35;
	v50 =	vld [tilespmem:s15+$0x1F60]  }
0x223: {  	v39 =	vor.u32 v10, v34;
	v32 =	vmul.u32 $0x300, v48;
	v52 =	vld [tilespmem:s15+$0x1F40]  }
0x224: {  	v33 =	vbroadcast v49, $0x0  }
0x225: {  	s10 =	simm.s32 $0x740;
	v32 =	vbroadcast v32, $0x0  }
0x226: {  	v40 =	vld [tilespmem:s10+$0x20];
	v41 =	vadd.s32 v0, v33  }
0x227: {  	v42 =	vld [tilespmem:s10+$0x0];
	v43 =	vor.u32 v0, v32;
	[tilespmem:v51+s14+$0x0] =	vst.idx.msk $0xffff, v50  }
0x228: {  	v53 =	vadd.s32 v11, v37;
	[tilespmem:v39+s14+$0x0] =	vst.idx.msk $0xffff, v52;
	v35 =	vld [tilespmem:s15+$0x1F70]  }
0x229: {  	v54 =	vadd.s32 v11, v34;
	v38 =	vld [tilespmem:s15+$0x1F50];
	_ =	sdelay $0x1  }
0x22a: {  	[tilespmem:v41+s14+$0x0] =	vst.idx.msk $0xffff, v40  }
0x22b: {  	v55 =	vadd.s32 v1, v33;
	v40 =	vld [tilespmem:s10+$0x30];
	[tilespmem:v43+s14+$0x0] =	vst.idx.msk $0xffff, v42  }
0x22c: {  	v56 =	vadd.s32 v1, v32;
	v42 =	vld [tilespmem:s10+$0x10];
	[tilespmem:v53+s14+$0x0] =	vst.idx.msk $0xffff, v35  }
0x22d: {  	v57 =	vadd.s32 v12, v37;
	[tilespmem:v54+s14+$0x0] =	vst.idx.msk $0xffff, v38;
	v35 =	vld [tilespmem:s15+$0x25A0]  }
0x22e: {  	v58 =	vor.u32 v12, v34;
	v38 =	vld [tilespmem:s15+$0x2580];
	_ =	sdelay $0x1  }
0x22f: {  	[tilespmem:v55+s14+$0x0] =	vst.idx.msk $0xffff, v40  }
0x230: {  	v59 =	vadd.s32 v2, v33;
	v40 =	vld [tilespmem:s10+$0x660];
	[tilespmem:v56+s14+$0x0] =	vst.idx.msk $0xffff, v42  }
0x231: {  	v60 =	vor.u32 v2, v32;
	v42 =	vld [tilespmem:s10+$0x640];
	[tilespmem:v57+s14+$0x0] =	vst.idx.msk $0xffff, v35  }
0x232: {  	v61 =	vadd.s32 v13, v37;
	[tilespmem:v58+s14+$0x0] =	vst.idx.msk $0xffff, v38;
	v35 =	vld [tilespmem:s15+$0x25B0]  }
0x233: {  	v62 =	vadd.s32 v13, v34;
	v38 =	vld [tilespmem:s15+$0x2590];
	_ =	sdelay $0x1  }
0x234: {  	[tilespmem:v59+s14+$0x0] =	vst.idx.msk $0xffff, v40  }
0x235: {  	v63 =	vadd.s32 v3, v33;
	v40 =	vld [tilespmem:s10+$0x670];
	[tilespmem:v60+s14+$0x0] =	vst.idx.msk $0xffff, v42  }
0x236: {  	v45 =	vadd.s32 v3, v32;
	v42 =	vld [tilespmem:s10+$0x650];
	[tilespmem:v61+s14+$0x0] =	vst.idx.msk $0xffff, v35  }
0x237: {  	v46 =	vadd.s32 v14, v37;
	[tilespmem:v62+s14+$0x0] =	vst.idx.msk $0xffff, v38;
	v35 =	vld [tilespmem:s15+$0x2BE0]  }
0x238: {  	v47 =	vor.u32 v14, v34;
	v38 =	vld [tilespmem:s15+$0x2BC0];
	_ =	sdelay $0x1  }
0x239: {  	[tilespmem:v63+s14+$0x0] =	vst.idx.msk $0xffff, v40  }
0x23a: {  	v48 =	vadd.s32 v4, v33;
	v40 =	vld [tilespmem:s10+$0xCA0];
	[tilespmem:v45+s14+$0x0] =	vst.idx.msk $0xffff, v42  }
0x23b: {  	v49 =	vor.u32 v4, v32;
	v42 =	vld [tilespmem:s10+$0xC80];
	[tilespmem:v46+s14+$0x0] =	vst.idx.msk $0xffff, v35  }
0x23c: {  	v50 =	vadd.s32 v15, v37;
	[tilespmem:v47+s14+$0x0] =	vst.idx.msk $0xffff, v38;
	v35 =	vld [tilespmem:s15+$0x2BF0]  }
0x23d: {  	v51 =	vadd.s32 v15, v34;
	v38 =	vld [tilespmem:s15+$0x2BD0];
	_ =	sdelay $0x1  }
0x23e: {  	[tilespmem:v48+s14+$0x0] =	vst.idx.msk $0xffff, v40  }
0x23f: {  	v52 =	vadd.s32 v5, v33;
	v40 =	vld [tilespmem:s10+$0xCB0];
	[tilespmem:v49+s14+$0x0] =	vst.idx.msk $0xffff, v42  }
0x240: {  	v53 =	vadd.s32 v5, v32;
	v42 =	vld [tilespmem:s10+$0xC90];
	[tilespmem:v50+s14+$0x0] =	vst.idx.msk $0xffff, v35  }
0x241: {  	v54 =	vadd.s32 v16, v37;
	[tilespmem:v51+s14+$0x0] =	vst.idx.msk $0xffff, v38;
	v35 =	vld [tilespmem:s15+$0x3220]  }
0x242: {  	v55 =	vor.u32 v16, v34;
	v38 =	vld [tilespmem:s15+$0x3200];
	_ =	sdelay $0x1  }
0x243: {  	[tilespmem:v52+s14+$0x0] =	vst.idx.msk $0xffff, v40  }
0x244: {  	v56 =	vadd.s32 v6, v33;
	v40 =	vld [tilespmem:s10+$0x12E0];
	[tilespmem:v53+s14+$0x0] =	vst.idx.msk $0xffff, v42  }
0x245: {  	v57 =	vor.u32 v6, v32;
	v42 =	vld [tilespmem:s10+$0x12C0];
	[tilespmem:v54+s14+$0x0] =	vst.idx.msk $0xffff, v35  }
0x246: {  	v58 =	vadd.s32 v17, v37;
	[tilespmem:v55+s14+$0x0] =	vst.idx.msk $0xffff, v38;
	v35 =	vld [tilespmem:s15+$0x3230]  }
0x247: {  	v59 =	vadd.s32 v17, v34;
	v38 =	vld [tilespmem:s15+$0x3210];
	_ =	sdelay $0x1  }
0x248: {  	[tilespmem:v56+s14+$0x0] =	vst.idx.msk $0xffff, v40  }
0x249: {  	v60 =	vadd.s32 v7, v33;
	v40 =	vld [tilespmem:s10+$0x12F0];
	[tilespmem:v57+s14+$0x0] =	vst.idx.msk $0xffff, v42  }
0x24a: {  	v61 =	vadd.s32 v7, v32;
	v42 =	vld [tilespmem:s10+$0x12D0];
	[tilespmem:v58+s14+$0x0] =	vst.idx.msk $0xffff, v35  }
0x24b: {  	v62 =	vadd.s32 v18, v37;
	[tilespmem:v59+s14+$0x0] =	vst.idx.msk $0xffff, v38;
	v35 =	vld [tilespmem:s15+$0x3860]  }
0x24c: {  	v63 =	vor.u32 v18, v34;
	v38 =	vld [tilespmem:s15+$0x3840];
	_ =	sdelay $0x1  }
0x24d: {  	[tilespmem:v60+s14+$0x0] =	vst.idx.msk $0xffff, v40  }
0x24e: {  	v45 =	vadd.s32 v8, v33;
	v40 =	vld [tilespmem:s10+$0x1920];
	[tilespmem:v61+s14+$0x0] =	vst.idx.msk $0xffff, v42  }
0x24f: {  	v46 =	vor.u32 v8, v32;
	v42 =	vld [tilespmem:s10+$0x1900];
	[tilespmem:v62+s14+$0x0] =	vst.idx.msk $0xffff, v35  }
0x250: {  	v47 =	vadd.s32 v19, v37;
	[tilespmem:v63+s14+$0x0] =	vst.idx.msk $0xffff, v38;
	v35 =	vld [tilespmem:s15+$0x3870]  }
0x251: {  	v48 =	vadd.s32 v19, v34;
	v38 =	vld [tilespmem:s15+$0x3850];
	_ =	sdelay $0x1  }
0x252: {  	[tilespmem:v45+s14+$0x0] =	vst.idx.msk $0xffff, v40  }
0x253: {  	v49 =	vadd.s32 v9, v33;
	v40 =	vld [tilespmem:s10+$0x1930];
	[tilespmem:v46+s14+$0x0] =	vst.idx.msk $0xffff, v42  }
0x254: {  	v50 =	vadd.s32 v9, v32;
	v42 =	vld [tilespmem:s10+$0x1910];
	[tilespmem:v47+s14+$0x0] =	vst.idx.msk $0xffff, v35  }
0x255: {  	v51 =	vadd.s32 v20, v37;
	[tilespmem:v48+s14+$0x0] =	vst.idx.msk $0xffff, v38;
	v35 =	vld [tilespmem:s15+$0x3EA0]  }
0x256: {  	v52 =	vor.u32 v20, v34;
	v38 =	vld [tilespmem:s15+$0x3E80]  }
0x257: {  	s22 =	simm.s32 $0x5  }
0x258: {  	s19 =	simm.s32 $0x4;
	v44 =	vmov s22;
	[tilespmem:v49+s14+$0x0] =	vst.idx.msk $0xffff, v40  }
0x259: {  	v56 =	vadd.s32 v10, v33;
	v53 =	vmov s19;
	v54 =	vmul.u32 $0x300, v44;
	v55 =	vld [tilespmem:s10+$0x1F60];
	[tilespmem:v50+s14+$0x0] =	vst.idx.msk $0xffff, v42  }
0x25a: {  	v45 =	vor.u32 v10, v32;
	v40 =	vmul.u32 $0x300, v53;
	v57 =	vld [tilespmem:s10+$0x1F40];
	[tilespmem:v51+s14+$0x0] =	vst.idx.msk $0xffff, v35  }
0x25b: {  	v59 =	vadd.s32 v21, v37;
	v35 =	vbroadcast v54, $0x0;
	[tilespmem:v52+s14+$0x0] =	vst.idx.msk $0xffff, v38;
	v58 =	vld [tilespmem:s15+$0x3EB0]  }
0x25c: {  	s16 =	simm.s32 $0x780;
	v36 =	vbroadcast v40, $0x0;
	v61 =	vadd.s32 v21, v34;
	v60 =	vld [tilespmem:s15+$0x3E90]  }
0x25d: {  	v46 =	vld [tilespmem:s16+$0x20];
	v47 =	vadd.s32 v0, v35  }
0x25e: {  	v49 =	vor.u32 v0, v36;
	[tilespmem:v56+s14+$0x0] =	vst.idx.msk $0xffff, v55;
	v48 =	vld [tilespmem:s16+$0x0]  }
0x25f: {  	v62 =	vadd.s32 v11, v33;
	v42 =	vld [tilespmem:s10+$0x1F70];
	[tilespmem:v45+s14+$0x0] =	vst.idx.msk $0xffff, v57  }
0x260: {  	v63 =	vadd.s32 v11, v32;
	v44 =	vld [tilespmem:s10+$0x1F50];
	[tilespmem:v59+s14+$0x0] =	vst.idx.msk $0xffff, v58  }
0x261: {  	v52 =	vadd.s32 v22, v37;
	[tilespmem:v61+s14+$0x0] =	vst.idx.msk $0xffff, v60;
	v38 =	vld [tilespmem:s15+$0x44E0]  }
0x262: {  	v53 =	vor.u32 v22, v34;
	[tilespmem:v47+s14+$0x0] =	vst.idx.msk $0xffff, v46;
	v40 =	vld [tilespmem:s15+$0x44C0]  }
0x263: {  	[tilespmem:v49+s14+$0x0] =	vst.idx.msk $0xffff, v48;
	v54 =	vadd.s32 v1, v35;
	v46 =	vld [tilespmem:s16+$0x30]  }
0x264: {  	v55 =	vadd.s32 v1, v36;
	v48 =	vld [tilespmem:s16+$0x10];
	[tilespmem:v62+s14+$0x0] =	vst.idx.msk $0xffff, v42  }
0x265: {  	v56 =	vadd.s32 v12, v33;
	v42 =	vld [tilespmem:s10+$0x25A0];
	[tilespmem:v63+s14+$0x0] =	vst.idx.msk $0xffff, v44  }
0x266: {  	v57 =	vor.u32 v12, v32;
	v44 =	vld [tilespmem:s10+$0x2580];
	[tilespmem:v52+s14+$0x0] =	vst.idx.msk $0xffff, v38  }
0x267: {  	v58 =	vadd.s32 v23, v37;
	[tilespmem:v53+s14+$0x0] =	vst.idx.msk $0xffff, v40;
	v38 =	vld [tilespmem:s15+$0x44F0]  }
0x268: {  	v59 =	vadd.s32 v23, v34;
	[tilespmem:v54+s14+$0x0] =	vst.idx.msk $0xffff, v46;
	v40 =	vld [tilespmem:s15+$0x44D0]  }
0x269: {  	[tilespmem:v55+s14+$0x0] =	vst.idx.msk $0xffff, v48;
	v60 =	vadd.s32 v2, v35;
	v46 =	vld [tilespmem:s16+$0x660]  }
0x26a: {  	v48 =	vld [tilespmem:s16+$0x640];
	v61 =	vor.u32 v2, v36;
	[tilespmem:v56+s14+$0x0] =	vst.idx.msk $0xffff, v42  }
0x26b: {  	v62 =	vadd.s32 v13, v33;
	v42 =	vld [tilespmem:s10+$0x25B0];
	[tilespmem:v57+s14+$0x0] =	vst.idx.msk $0xffff, v44  }
0x26c: {  	v63 =	vadd.s32 v13, v32;
	v44 =	vld [tilespmem:s10+$0x2590];
	[tilespmem:v58+s14+$0x0] =	vst.idx.msk $0xffff, v38  }
0x26d: {  	v52 =	vadd.s32 v24, v37;
	[tilespmem:v59+s14+$0x0] =	vst.idx.msk $0xffff, v40;
	v38 =	vld [tilespmem:s15+$0x4B20]  }
0x26e: {  	v53 =	vor.u32 v24, v34;
	[tilespmem:v60+s14+$0x0] =	vst.idx.msk $0xffff, v46;
	v40 =	vld [tilespmem:s15+$0x4B00]  }
0x26f: {  	[tilespmem:v61+s14+$0x0] =	vst.idx.msk $0xffff, v48;
	v54 =	vadd.s32 v3, v35;
	v46 =	vld [tilespmem:s16+$0x670]  }
0x270: {  	v55 =	vadd.s32 v3, v36;
	v48 =	vld [tilespmem:s16+$0x650];
	[tilespmem:v62+s14+$0x0] =	vst.idx.msk $0xffff, v42  }
0x271: {  	v56 =	vadd.s32 v14, v33;
	v42 =	vld [tilespmem:s10+$0x2BE0];
	[tilespmem:v63+s14+$0x0] =	vst.idx.msk $0xffff, v44  }
0x272: {  	v57 =	vor.u32 v14, v32;
	v44 =	vld [tilespmem:s10+$0x2BC0];
	[tilespmem:v52+s14+$0x0] =	vst.idx.msk $0xffff, v38  }
0x273: {  	v58 =	vadd.s32 v25, v37;
	[tilespmem:v53+s14+$0x0] =	vst.idx.msk $0xffff, v40;
	v38 =	vld [tilespmem:s15+$0x4B30]  }
0x274: {  	v59 =	vadd.s32 v25, v34;
	[tilespmem:v54+s14+$0x0] =	vst.idx.msk $0xffff, v46;
	v40 =	vld [tilespmem:s15+$0x4B10]  }
0x275: {  	[tilespmem:v55+s14+$0x0] =	vst.idx.msk $0xffff, v48;
	v60 =	vadd.s32 v4, v35;
	v46 =	vld [tilespmem:s16+$0xCA0]  }
0x276: {  	v61 =	vor.u32 v4, v36;
	v48 =	vld [tilespmem:s16+$0xC80];
	[tilespmem:v56+s14+$0x0] =	vst.idx.msk $0xffff, v42  }
0x277: {  	v62 =	vadd.s32 v15, v33;
	v42 =	vld [tilespmem:s10+$0x2BF0];
	[tilespmem:v57+s14+$0x0] =	vst.idx.msk $0xffff, v44  }
0x278: {  	v63 =	vadd.s32 v15, v32;
	v44 =	vld [tilespmem:s10+$0x2BD0];
	[tilespmem:v58+s14+$0x0] =	vst.idx.msk $0xffff, v38  }
0x279: {  	v52 =	vadd.s32 v26, v37;
	[tilespmem:v59+s14+$0x0] =	vst.idx.msk $0xffff, v40;
	v38 =	vld [tilespmem:s15+$0x5160]  }
0x27a: {  	v53 =	vor.u32 v26, v34;
	[tilespmem:v60+s14+$0x0] =	vst.idx.msk $0xffff, v46;
	v40 =	vld [tilespmem:s15+$0x5140]  }
0x27b: {  	[tilespmem:v61+s14+$0x0] =	vst.idx.msk $0xffff, v48;
	v54 =	vadd.s32 v5, v35;
	v46 =	vld [tilespmem:s16+$0xCB0]  }
0x27c: {  	v55 =	vadd.s32 v5, v36;
	v48 =	vld [tilespmem:s16+$0xC90];
	[tilespmem:v62+s14+$0x0] =	vst.idx.msk $0xffff, v42  }
0x27d: {  	v56 =	vadd.s32 v16, v33;
	v42 =	vld [tilespmem:s10+$0x3220];
	[tilespmem:v63+s14+$0x0] =	vst.idx.msk $0xffff, v44  }
0x27e: {  	v57 =	vor.u32 v16, v32;
	v44 =	vld [tilespmem:s10+$0x3200];
	[tilespmem:v52+s14+$0x0] =	vst.idx.msk $0xffff, v38  }
0x27f: {  	v58 =	vadd.s32 v27, v37;
	[tilespmem:v53+s14+$0x0] =	vst.idx.msk $0xffff, v40;
	v38 =	vld [tilespmem:s15+$0x5170]  }
0x280: {  	v59 =	vadd.s32 v27, v34;
	[tilespmem:v54+s14+$0x0] =	vst.idx.msk $0xffff, v46;
	v40 =	vld [tilespmem:s15+$0x5150]  }
0x281: {  	[tilespmem:v55+s14+$0x0] =	vst.idx.msk $0xffff, v48;
	v60 =	vadd.s32 v6, v35;
	v46 =	vld [tilespmem:s16+$0x12E0]  }
0x282: {  	v61 =	vor.u32 v6, v36;
	v48 =	vld [tilespmem:s16+$0x12C0];
	[tilespmem:v56+s14+$0x0] =	vst.idx.msk $0xffff, v42  }
0x283: {  	v62 =	vadd.s32 v17, v33;
	v42 =	vld [tilespmem:s10+$0x3230];
	[tilespmem:v57+s14+$0x0] =	vst.idx.msk $0xffff, v44  }
0x284: {  	v63 =	vadd.s32 v17, v32;
	v44 =	vld [tilespmem:s10+$0x3210];
	[tilespmem:v58+s14+$0x0] =	vst.idx.msk $0xffff, v38  }
0x285: {  	v52 =	vadd.s32 v28, v37;
	[tilespmem:v59+s14+$0x0] =	vst.idx.msk $0xffff, v40;
	v38 =	vld [tilespmem:s15+$0x57A0]  }
0x286: {  	v53 =	vor.u32 v28, v34;
	[tilespmem:v60+s14+$0x0] =	vst.idx.msk $0xffff, v46;
	v40 =	vld [tilespmem:s15+$0x5780]  }
0x287: {  	[tilespmem:v61+s14+$0x0] =	vst.idx.msk $0xffff, v48;
	v54 =	vadd.s32 v7, v35;
	v46 =	vld [tilespmem:s16+$0x12F0]  }
0x288: {  	v55 =	vadd.s32 v7, v36;
	v48 =	vld [tilespmem:s16+$0x12D0];
	[tilespmem:v62+s14+$0x0] =	vst.idx.msk $0xffff, v42  }
0x289: {  	v56 =	vadd.s32 v18, v33;
	v42 =	vld [tilespmem:s10+$0x3860];
	[tilespmem:v63+s14+$0x0] =	vst.idx.msk $0xffff, v44  }
0x28a: {  	v57 =	vor.u32 v18, v32;
	v44 =	vld [tilespmem:s10+$0x3840];
	[tilespmem:v52+s14+$0x0] =	vst.idx.msk $0xffff, v38  }
0x28b: {  	v58 =	vadd.s32 v29, v37;
	[tilespmem:v53+s14+$0x0] =	vst.idx.msk $0xffff, v40;
	v38 =	vld [tilespmem:s15+$0x57B0]  }
0x28c: {  	v59 =	vadd.s32 v29, v34;
	[tilespmem:v54+s14+$0x0] =	vst.idx.msk $0xffff, v46;
	v40 =	vld [tilespmem:s15+$0x5790]  }
0x28d: {  	[tilespmem:v55+s14+$0x0] =	vst.idx.msk $0xffff, v48;
	v60 =	vadd.s32 v8, v35;
	v46 =	vld [tilespmem:s16+$0x1920]  }
0x28e: {  	v61 =	vor.u32 v8, v36;
	v48 =	vld [tilespmem:s16+$0x1900];
	[tilespmem:v56+s14+$0x0] =	vst.idx.msk $0xffff, v42  }
0x28f: {  	v62 =	vadd.s32 v19, v33;
	v42 =	vld [tilespmem:s10+$0x3870];
	[tilespmem:v57+s14+$0x0] =	vst.idx.msk $0xffff, v44  }
0x290: {  	v50 =	vadd.s32 v19, v32;
	v44 =	vld [tilespmem:s10+$0x3850];
	[tilespmem:v58+s14+$0x0] =	vst.idx.msk $0xffff, v38  }
0x291: {  	v63 =	vadd.s32 v30, v37;
	[tilespmem:v59+s14+$0x0] =	vst.idx.msk $0xffff, v40;
	v38 =	vld [tilespmem:s15+$0x5DE0]  }
0x292: {  	v51 =	vor.u32 v30, v34;
	[tilespmem:v60+s14+$0x0] =	vst.idx.msk $0xffff, v46;
	v40 =	vld [tilespmem:s15+$0x5DC0]  }
0x293: {  	[tilespmem:v61+s14+$0x0] =	vst.idx.msk $0xffff, v48;
	v48 =	vadd.s32 v9, v35;
	v47 =	vld [tilespmem:s16+$0x1930]  }
0x294: {  	v45 =	vld [tilespmem:s16+$0x1910];
	[tilespmem:v62+s14+$0x0] =	vst.idx.msk $0xffff, v42;
	v46 =	vadd.s32 v9, v36  }
0x295: {  	v43 =	vadd.s32 v20, v33;
	v41 =	vld [tilespmem:s10+$0x3EA0];
	[tilespmem:v50+s14+$0x0] =	vst.idx.msk $0xffff, v44  }
0x296: {  	v44 =	vor.u32 v20, v32;
	v42 =	vld [tilespmem:s10+$0x3E80];
	[tilespmem:v63+s14+$0x0] =	vst.idx.msk $0xffff, v38  }
0x297: {  	s20 =	simm.s32 $0x8;
	s21 =	simm.s32 $0x7;
	s19 =	simm.s32 $0x6;
	[tilespmem:v51+s14+$0x0] =	vst.idx.msk $0xffff, v40;
	v40 =	vadd.s32 v31, v37;
	v39 =	vld [tilespmem:s15+$0x5DF0]  }
.LBB2_11:
0x298: {  	p0 =	slt.u32 s20, $0x30;
	v37 =	vmov s21;
	[tilespmem:v48+s14+$0x0] =	vst.idx.msk $0xffff, v47;
	v38 =	vld [tilespmem:s15+$0x5DD0];
	v47 =	vadd.s32 v31, v34;
	v34 =	vmovc v32;
	v32 =	vmov v36;
	s15 =	smov.u32 s10;
	s10 =	smov.u32 s16  }
0x299: {  	v36 =	vmov s19;
	s19 =	smov.u32 s20;
	v37 =	vmul.u32 $0x300, v37;
	[tilespmem:v46+s14+$0x0] =	vst.idx.msk $0xffff, v45;
	v45 =	vld [tilespmem:s16+$0x1F60];
	v46 =	vadd.s32 v10, v35  }
0x29a: {  	v36 =	vmul.u32 $0x300, v36;
	v49 =	vor.u32 v10, v32;
	v48 =	vld [tilespmem:s16+$0x1F40];
	[tilespmem:v43+s14+$0x0] =	vst.idx.msk $0xffff, v41  }
0x29b: {  	v37 =	vbroadcast v37, $0x0;
	[tilespmem:v44+s14+$0x0] =	vst.idx.msk $0xffff, v42;
	v41 =	vld [tilespmem:s15+$0x3EB0];
	v42 =	vadd.s32 v21, v33  }
0x29c: {  	s16 =	sadd.s32 $0x40, s16;
	v36 =	vbroadcast v36, $0x0;
	v44 =	vadd.s32 v21, v34;
	v43 =	vld [tilespmem:s15+$0x3E90];
	[tilespmem:v40+s14+$0x0] =	vst.idx.msk $0xffff, v39  }
0x29d: {  	v39 =	vld [tilespmem:s16+$0x20];
	v40 =	vadd.s32 v0, v37;
	[tilespmem:v47+s14+$0x0] =	vst.idx.msk $0xffff, v38  }
0x29e: {  	v47 =	vor.u32 v0, v36;
	v38 =	vld [tilespmem:s16+$0x0];
	[tilespmem:v46+s14+$0x0] =	vst.idx.msk $0xffff, v45  }
0x29f: {  	v46 =	vadd.s32 v11, v35;
	[tilespmem:v49+s14+$0x0] =	vst.idx.msk $0xffff, v48;
	v45 =	vld [tilespmem:s10+$0x1F70]  }
0x2a0: {  	v49 =	vadd.s32 v11, v32;
	v48 =	vld [tilespmem:s10+$0x1F50];
	[tilespmem:v42+s14+$0x0] =	vst.idx.msk $0xffff, v41  }
0x2a1: {  	v42 =	vadd.s32 v22, v33;
	[tilespmem:v44+s14+$0x0] =	vst.idx.msk $0xffff, v43;
	v41 =	vld [tilespmem:s15+$0x44E0]  }
0x2a2: {  	[tilespmem:v40+s14+$0x0] =	vst.idx.msk $0xffff, v39;
	v39 =	vld [tilespmem:s15+$0x44C0];
	v40 =	vor.u32 v22, v34  }
0x2a3: {  	v43 =	vadd.s32 v1, v37;
	[tilespmem:v47+s14+$0x0] =	vst.idx.msk $0xffff, v38;
	v38 =	vld [tilespmem:s16+$0x30]  }
0x2a4: {  	v47 =	vadd.s32 v1, v36;
	v44 =	vld [tilespmem:s16+$0x10];
	[tilespmem:v46+s14+$0x0] =	vst.idx.msk $0xffff, v45  }
0x2a5: {  	v46 =	vadd.s32 v12, v35;
	[tilespmem:v49+s14+$0x0] =	vst.idx.msk $0xffff, v48;
	v45 =	vld [tilespmem:s10+$0x25A0]  }
0x2a6: {  	v49 =	vor.u32 v12, v32;
	v48 =	vld [tilespmem:s10+$0x2580];
	[tilespmem:v42+s14+$0x0] =	vst.idx.msk $0xffff, v41  }
0x2a7: {  	[tilespmem:v40+s14+$0x0] =	vst.idx.msk $0xffff, v39;
	v39 =	vld [tilespmem:s15+$0x44F0];
	v40 =	vadd.s32 v23, v33  }
0x2a8: {  	v41 =	vadd.s32 v23, v34;
	[tilespmem:v43+s14+$0x0] =	vst.idx.msk $0xffff, v38;
	v38 =	vld [tilespmem:s15+$0x44D0]  }
0x2a9: {  	v43 =	vadd.s32 v2, v37;
	[tilespmem:v47+s14+$0x0] =	vst.idx.msk $0xffff, v44;
	v42 =	vld [tilespmem:s16+$0x660]  }
0x2aa: {  	v47 =	vor.u32 v2, v36;
	v44 =	vld [tilespmem:s16+$0x640];
	[tilespmem:v46+s14+$0x0] =	vst.idx.msk $0xffff, v45  }
0x2ab: {  	v46 =	vadd.s32 v13, v35;
	[tilespmem:v49+s14+$0x0] =	vst.idx.msk $0xffff, v48;
	v45 =	vld [tilespmem:s10+$0x25B0]  }
0x2ac: {  	v49 =	vadd.s32 v13, v32;
	v48 =	vld [tilespmem:s10+$0x2590];
	[tilespmem:v40+s14+$0x0] =	vst.idx.msk $0xffff, v39  }
0x2ad: {  	v39 =	vadd.s32 v24, v33;
	[tilespmem:v41+s14+$0x0] =	vst.idx.msk $0xffff, v38;
	v38 =	vld [tilespmem:s15+$0x4B20]  }
0x2ae: {  	v41 =	vor.u32 v24, v34;
	[tilespmem:v43+s14+$0x0] =	vst.idx.msk $0xffff, v42;
	v40 =	vld [tilespmem:s15+$0x4B00]  }
0x2af: {  	v43 =	vadd.s32 v3, v37;
	[tilespmem:v47+s14+$0x0] =	vst.idx.msk $0xffff, v44;
	v42 =	vld [tilespmem:s16+$0x670]  }
0x2b0: {  	v47 =	vadd.s32 v3, v36;
	v44 =	vld [tilespmem:s16+$0x650];
	[tilespmem:v46+s14+$0x0] =	vst.idx.msk $0xffff, v45  }
0x2b1: {  	v46 =	vadd.s32 v14, v35;
	[tilespmem:v49+s14+$0x0] =	vst.idx.msk $0xffff, v48;
	v45 =	vld [tilespmem:s10+$0x2BE0]  }
0x2b2: {  	v49 =	vor.u32 v14, v32;
	v48 =	vld [tilespmem:s10+$0x2BC0];
	[tilespmem:v39+s14+$0x0] =	vst.idx.msk $0xffff, v38  }
0x2b3: {  	v39 =	vadd.s32 v25, v33;
	[tilespmem:v41+s14+$0x0] =	vst.idx.msk $0xffff, v40;
	v38 =	vld [tilespmem:s15+$0x4B30]  }
0x2b4: {  	v41 =	vadd.s32 v25, v34;
	[tilespmem:v43+s14+$0x0] =	vst.idx.msk $0xffff, v42;
	v40 =	vld [tilespmem:s15+$0x4B10]  }
0x2b5: {  	v43 =	vadd.s32 v4, v37;
	[tilespmem:v47+s14+$0x0] =	vst.idx.msk $0xffff, v44;
	v42 =	vld [tilespmem:s16+$0xCA0]  }
0x2b6: {  	v47 =	vor.u32 v4, v36;
	v44 =	vld [tilespmem:s16+$0xC80];
	[tilespmem:v46+s14+$0x0] =	vst.idx.msk $0xffff, v45  }
0x2b7: {  	v46 =	vadd.s32 v15, v35;
	[tilespmem:v49+s14+$0x0] =	vst.idx.msk $0xffff, v48;
	v45 =	vld [tilespmem:s10+$0x2BF0]  }
0x2b8: {  	v49 =	vadd.s32 v15, v32;
	v48 =	vld [tilespmem:s10+$0x2BD0];
	[tilespmem:v39+s14+$0x0] =	vst.idx.msk $0xffff, v38  }
0x2b9: {  	v39 =	vadd.s32 v26, v33;
	[tilespmem:v41+s14+$0x0] =	vst.idx.msk $0xffff, v40;
	v38 =	vld [tilespmem:s15+$0x5160]  }
0x2ba: {  	v41 =	vor.u32 v26, v34;
	[tilespmem:v43+s14+$0x0] =	vst.idx.msk $0xffff, v42;
	v40 =	vld [tilespmem:s15+$0x5140]  }
0x2bb: {  	v43 =	vadd.s32 v5, v37;
	[tilespmem:v47+s14+$0x0] =	vst.idx.msk $0xffff, v44;
	v42 =	vld [tilespmem:s16+$0xCB0]  }
0x2bc: {  	v47 =	vadd.s32 v5, v36;
	v44 =	vld [tilespmem:s16+$0xC90];
	[tilespmem:v46+s14+$0x0] =	vst.idx.msk $0xffff, v45  }
0x2bd: {  	v46 =	vadd.s32 v16, v35;
	[tilespmem:v49+s14+$0x0] =	vst.idx.msk $0xffff, v48;
	v45 =	vld [tilespmem:s10+$0x3220]  }
0x2be: {  	v49 =	vor.u32 v16, v32;
	v48 =	vld [tilespmem:s10+$0x3200];
	[tilespmem:v39+s14+$0x0] =	vst.idx.msk $0xffff, v38  }
0x2bf: {  	v39 =	vadd.s32 v27, v33;
	[tilespmem:v41+s14+$0x0] =	vst.idx.msk $0xffff, v40;
	v38 =	vld [tilespmem:s15+$0x5170]  }
0x2c0: {  	v41 =	vadd.s32 v27, v34;
	[tilespmem:v43+s14+$0x0] =	vst.idx.msk $0xffff, v42;
	v40 =	vld [tilespmem:s15+$0x5150]  }
0x2c1: {  	v43 =	vadd.s32 v6, v37;
	[tilespmem:v47+s14+$0x0] =	vst.idx.msk $0xffff, v44;
	v42 =	vld [tilespmem:s16+$0x12E0]  }
0x2c2: {  	v47 =	vor.u32 v6, v36;
	v44 =	vld [tilespmem:s16+$0x12C0];
	[tilespmem:v46+s14+$0x0] =	vst.idx.msk $0xffff, v45  }
0x2c3: {  	v46 =	vadd.s32 v17, v35;
	[tilespmem:v49+s14+$0x0] =	vst.idx.msk $0xffff, v48;
	v45 =	vld [tilespmem:s10+$0x3230]  }
0x2c4: {  	v49 =	vadd.s32 v17, v32;
	v48 =	vld [tilespmem:s10+$0x3210];
	[tilespmem:v39+s14+$0x0] =	vst.idx.msk $0xffff, v38  }
0x2c5: {  	v39 =	vadd.s32 v28, v33;
	[tilespmem:v41+s14+$0x0] =	vst.idx.msk $0xffff, v40;
	v38 =	vld [tilespmem:s15+$0x57A0]  }
0x2c6: {  	v41 =	vor.u32 v28, v34;
	[tilespmem:v43+s14+$0x0] =	vst.idx.msk $0xffff, v42;
	v40 =	vld [tilespmem:s15+$0x5780]  }
0x2c7: {  	v43 =	vadd.s32 v7, v37;
	[tilespmem:v47+s14+$0x0] =	vst.idx.msk $0xffff, v44;
	v42 =	vld [tilespmem:s16+$0x12F0]  }
0x2c8: {  	v47 =	vadd.s32 v7, v36;
	v44 =	vld [tilespmem:s16+$0x12D0];
	[tilespmem:v46+s14+$0x0] =	vst.idx.msk $0xffff, v45  }
0x2c9: {  	v46 =	vadd.s32 v18, v35;
	[tilespmem:v49+s14+$0x0] =	vst.idx.msk $0xffff, v48;
	v45 =	vld [tilespmem:s10+$0x3860]  }
0x2ca: {  	v49 =	vor.u32 v18, v32;
	v48 =	vld [tilespmem:s10+$0x3840];
	[tilespmem:v39+s14+$0x0] =	vst.idx.msk $0xffff, v38  }
0x2cb: {  	v39 =	vadd.s32 v29, v33;
	[tilespmem:v41+s14+$0x0] =	vst.idx.msk $0xffff, v40;
	v38 =	vld [tilespmem:s15+$0x57B0]  }
0x2cc: {  	v41 =	vadd.s32 v29, v34;
	[tilespmem:v43+s14+$0x0] =	vst.idx.msk $0xffff, v42;
	v40 =	vld [tilespmem:s15+$0x5790]  }
0x2cd: {  	v43 =	vadd.s32 v8, v37;
	[tilespmem:v47+s14+$0x0] =	vst.idx.msk $0xffff, v44;
	v42 =	vld [tilespmem:s16+$0x1920]  }
0x2ce: {  	v47 =	vor.u32 v8, v36;
	v44 =	vld [tilespmem:s16+$0x1900];
	[tilespmem:v46+s14+$0x0] =	vst.idx.msk $0xffff, v45  }
0x2cf: {  	v50 =	vadd.s32 v19, v35;
	[tilespmem:v49+s14+$0x0] =	vst.idx.msk $0xffff, v48;
	v49 =	vld [tilespmem:s10+$0x3870]  }
0x2d0: {  	v52 =	vadd.s32 v19, v32;
	v51 =	vld [tilespmem:s10+$0x3850];
	[tilespmem:v39+s14+$0x0] =	vst.idx.msk $0xffff, v38  }
0x2d1: {  	v39 =	vadd.s32 v30, v33;
	[tilespmem:v41+s14+$0x0] =	vst.idx.msk $0xffff, v40;
	v38 =	vld [tilespmem:s15+$0x5DE0]  }
0x2d2: {  	v53 =	vor.u32 v30, v34;
	[tilespmem:v43+s14+$0x0] =	vst.idx.msk $0xffff, v42;
	v40 =	vld [tilespmem:s15+$0x5DC0]  }
.Ltmp9:
0x2d3: {  	v48 =	vadd.s32 v9, v37;
	[tilespmem:v47+s14+$0x0] =	vst.idx.msk $0xffff, v44;
	v47 =	vld [tilespmem:s16+$0x1930];
	(pc) =	sbr.rel @p0 .LBB2_11-.Ltmp9, $4  }
0x2d4: {  	v46 =	vadd.s32 v9, v36;
	v45 =	vld [tilespmem:s16+$0x1910];
	[tilespmem:v50+s14+$0x0] =	vst.idx.msk $0xffff, v49  }
0x2d5: {  	v43 =	vadd.s32 v20, v35;
	[tilespmem:v52+s14+$0x0] =	vst.idx.msk $0xffff, v51;
	v41 =	vld [tilespmem:s10+$0x3EA0]  }
0x2d6: {  	v44 =	vor.u32 v20, v32;
	v42 =	vld [tilespmem:s10+$0x3E80];
	[tilespmem:v39+s14+$0x0] =	vst.idx.msk $0xffff, v38  }
0x2d7: {  	s20 =	sadd.s32 $0x2, s20;
	s21 =	sadd.s32 $0x1, s19;
	[tilespmem:v53+s14+$0x0] =	vst.idx.msk $0xffff, v40;
	v39 =	vld [tilespmem:s15+$0x5DF0];
	v40 =	vadd.s32 v31, v33;
	v33 =	vmov v35;
	v35 =	vmov v37  }
0x2d8: {  	v37 =	vmov s21  }
0x2d9: {  	v38 =	vmov s19;
	v37 =	vmul.u32 $0x300, v37  }
0x2da: {  	v49 =	vmul.u32 $0x300, v38  }
0x2db: {  	v38 =	vbroadcast v37, $0x0  }
0x2dc: {  	s20 =	sadd.s32 $0x40, s16;
	v37 =	vbroadcast v49, $0x0  }
0x2dd: {  	v60 =	vld [tilespmem:s20+$0x20];
	v50 =	vadd.s32 v0, v38  }
0x2de: {  	v51 =	vld [tilespmem:s20+$0x0];
	v52 =	vor.u32 v0, v37;
	_ =	sdelay $0x3  }
0x2df: {  	[tilespmem:v50+s14+$0x0] =	vst.idx.msk $0xffff, v60  }
0x2e0: {  	v61 =	vadd.s32 v1, v38;
	[tilespmem:v52+s14+$0x0] =	vst.idx.msk $0xffff, v51;
	v49 =	vld [tilespmem:s20+$0x30]  }
0x2e1: {  	v62 =	vadd.s32 v1, v37;
	v51 =	vld [tilespmem:s20+$0x10];
	_ =	sdelay $0x3  }
0x2e2: {  	[tilespmem:v61+s14+$0x0] =	vst.idx.msk $0xffff, v49  }
0x2e3: {  	v63 =	vadd.s32 v2, v38;
	[tilespmem:v62+s14+$0x0] =	vst.idx.msk $0xffff, v51;
	v49 =	vld [tilespmem:s20+$0x660]  }
0x2e4: {  	v56 =	vor.u32 v2, v37;
	v51 =	vld [tilespmem:s20+$0x640];
	_ =	sdelay $0x3  }
0x2e5: {  	[tilespmem:v63+s14+$0x0] =	vst.idx.msk $0xffff, v49  }
0x2e6: {  	v57 =	vadd.s32 v3, v38;
	[tilespmem:v56+s14+$0x0] =	vst.idx.msk $0xffff, v51;
	v49 =	vld [tilespmem:s20+$0x670]  }
0x2e7: {  	v58 =	vadd.s32 v3, v37;
	v51 =	vld [tilespmem:s20+$0x650];
	_ =	sdelay $0x3  }
0x2e8: {  	[tilespmem:v57+s14+$0x0] =	vst.idx.msk $0xffff, v49  }
0x2e9: {  	v59 =	vadd.s32 v4, v38;
	[tilespmem:v58+s14+$0x0] =	vst.idx.msk $0xffff, v51;
	v49 =	vld [tilespmem:s20+$0xCA0]  }
0x2ea: {  	v60 =	vor.u32 v4, v37;
	v51 =	vld [tilespmem:s20+$0xC80];
	_ =	sdelay $0x3  }
0x2eb: {  	[tilespmem:v59+s14+$0x0] =	vst.idx.msk $0xffff, v49  }
0x2ec: {  	v61 =	vadd.s32 v5, v38;
	[tilespmem:v60+s14+$0x0] =	vst.idx.msk $0xffff, v51;
	v49 =	vld [tilespmem:s20+$0xCB0]  }
0x2ed: {  	v62 =	vadd.s32 v5, v37;
	v51 =	vld [tilespmem:s20+$0xC90];
	_ =	sdelay $0x3  }
0x2ee: {  	[tilespmem:v61+s14+$0x0] =	vst.idx.msk $0xffff, v49  }
0x2ef: {  	v63 =	vadd.s32 v6, v38;
	[tilespmem:v62+s14+$0x0] =	vst.idx.msk $0xffff, v51;
	v49 =	vld [tilespmem:s20+$0x12E0]  }
0x2f0: {  	v56 =	vor.u32 v6, v37;
	v51 =	vld [tilespmem:s20+$0x12C0];
	_ =	sdelay $0x3  }
0x2f1: {  	[tilespmem:v63+s14+$0x0] =	vst.idx.msk $0xffff, v49  }
0x2f2: {  	v57 =	vadd.s32 v7, v38;
	[tilespmem:v56+s14+$0x0] =	vst.idx.msk $0xffff, v51;
	v49 =	vld [tilespmem:s20+$0x12F0]  }
0x2f3: {  	v58 =	vadd.s32 v7, v37;
	v51 =	vld [tilespmem:s20+$0x12D0];
	_ =	sdelay $0x3  }
0x2f4: {  	[tilespmem:v57+s14+$0x0] =	vst.idx.msk $0xffff, v49  }
0x2f5: {  	v59 =	vadd.s32 v8, v38;
	[tilespmem:v58+s14+$0x0] =	vst.idx.msk $0xffff, v51;
	v49 =	vld [tilespmem:s20+$0x1920]  }
0x2f6: {  	v60 =	vor.u32 v8, v37;
	v51 =	vld [tilespmem:s20+$0x1900];
	_ =	sdelay $0x3  }
0x2f7: {  	[tilespmem:v59+s14+$0x0] =	vst.idx.msk $0xffff, v49  }
0x2f8: {  	v61 =	vadd.s32 v9, v38;
	[tilespmem:v60+s14+$0x0] =	vst.idx.msk $0xffff, v51;
	v49 =	vld [tilespmem:s20+$0x1930]  }
0x2f9: {  	v62 =	vadd.s32 v9, v37;
	v51 =	vld [tilespmem:s20+$0x1910];
	_ =	sdelay $0x1  }
0x2fa: {  	[tilespmem:v48+s14+$0x0] =	vst.idx.msk $0xffff, v47  }
0x2fb: {  	[tilespmem:v46+s14+$0x0] =	vst.idx.msk $0xffff, v45;
	v63 =	vld [tilespmem:s16+$0x1F60];
	v56 =	vadd.s32 v10, v35  }
0x2fc: {  	v57 =	vld [tilespmem:s16+$0x1F40];
	v58 =	vor.u32 v10, v36;
	[tilespmem:v61+s14+$0x0] =	vst.idx.msk $0xffff, v49  }
0x2fd: {  	v59 =	vadd.s32 v10, v38;
	[tilespmem:v62+s14+$0x0] =	vst.idx.msk $0xffff, v51;
	v49 =	vld [tilespmem:s20+$0x1F60]  }
0x2fe: {  	v60 =	vor.u32 v10, v37;
	v51 =	vld [tilespmem:s20+$0x1F40];
	_ =	sdelay $0x1  }
0x2ff: {  	[tilespmem:v56+s14+$0x0] =	vst.idx.msk $0xffff, v63  }
0x300: {  	v45 =	vld [tilespmem:s16+$0x1F70];
	[tilespmem:v58+s14+$0x0] =	vst.idx.msk $0xffff, v57;
	v61 =	vadd.s32 v11, v35  }
0x301: {  	v47 =	vld [tilespmem:s16+$0x1F50];
	v62 =	vadd.s32 v11, v36;
	[tilespmem:v59+s14+$0x0] =	vst.idx.msk $0xffff, v49  }
0x302: {  	v63 =	vadd.s32 v11, v38;
	[tilespmem:v60+s14+$0x0] =	vst.idx.msk $0xffff, v51;
	v49 =	vld [tilespmem:s20+$0x1F70]  }
0x303: {  	v56 =	vadd.s32 v11, v37;
	v51 =	vld [tilespmem:s20+$0x1F50];
	_ =	sdelay $0x1  }
0x304: {  	[tilespmem:v61+s14+$0x0] =	vst.idx.msk $0xffff, v45  }
0x305: {  	v57 =	vadd.s32 v12, v35;
	[tilespmem:v62+s14+$0x0] =	vst.idx.msk $0xffff, v47;
	v45 =	vld [tilespmem:s16+$0x25A0]  }
0x306: {  	v58 =	vor.u32 v12, v36;
	v47 =	vld [tilespmem:s16+$0x2580];
	[tilespmem:v63+s14+$0x0] =	vst.idx.msk $0xffff, v49  }
0x307: {  	v59 =	vadd.s32 v12, v38;
	[tilespmem:v56+s14+$0x0] =	vst.idx.msk $0xffff, v51;
	v49 =	vld [tilespmem:s20+$0x25A0]  }
0x308: {  	v60 =	vor.u32 v12, v37;
	v51 =	vld [tilespmem:s20+$0x2580];
	_ =	sdelay $0x1  }
0x309: {  	[tilespmem:v57+s14+$0x0] =	vst.idx.msk $0xffff, v45  }
0x30a: {  	v61 =	vadd.s32 v13, v35;
	[tilespmem:v58+s14+$0x0] =	vst.idx.msk $0xffff, v47;
	v45 =	vld [tilespmem:s16+$0x25B0]  }
0x30b: {  	v62 =	vadd.s32 v13, v36;
	v47 =	vld [tilespmem:s16+$0x2590];
	[tilespmem:v59+s14+$0x0] =	vst.idx.msk $0xffff, v49  }
0x30c: {  	v63 =	vadd.s32 v13, v38;
	[tilespmem:v60+s14+$0x0] =	vst.idx.msk $0xffff, v51;
	v49 =	vld [tilespmem:s20+$0x25B0]  }
0x30d: {  	v56 =	vadd.s32 v13, v37;
	v51 =	vld [tilespmem:s20+$0x2590];
	_ =	sdelay $0x1  }
0x30e: {  	[tilespmem:v61+s14+$0x0] =	vst.idx.msk $0xffff, v45  }
0x30f: {  	v57 =	vadd.s32 v14, v35;
	[tilespmem:v62+s14+$0x0] =	vst.idx.msk $0xffff, v47;
	v45 =	vld [tilespmem:s16+$0x2BE0]  }
0x310: {  	v58 =	vor.u32 v14, v36;
	v47 =	vld [tilespmem:s16+$0x2BC0];
	[tilespmem:v63+s14+$0x0] =	vst.idx.msk $0xffff, v49  }
0x311: {  	v59 =	vadd.s32 v14, v38;
	[tilespmem:v56+s14+$0x0] =	vst.idx.msk $0xffff, v51;
	v49 =	vld [tilespmem:s20+$0x2BE0]  }
0x312: {  	v60 =	vor.u32 v14, v37;
	v51 =	vld [tilespmem:s20+$0x2BC0];
	_ =	sdelay $0x1  }
0x313: {  	[tilespmem:v57+s14+$0x0] =	vst.idx.msk $0xffff, v45  }
0x314: {  	v61 =	vadd.s32 v15, v35;
	[tilespmem:v58+s14+$0x0] =	vst.idx.msk $0xffff, v47;
	v45 =	vld [tilespmem:s16+$0x2BF0]  }
0x315: {  	v62 =	vadd.s32 v15, v36;
	v47 =	vld [tilespmem:s16+$0x2BD0];
	[tilespmem:v59+s14+$0x0] =	vst.idx.msk $0xffff, v49  }
0x316: {  	v63 =	vadd.s32 v15, v38;
	[tilespmem:v60+s14+$0x0] =	vst.idx.msk $0xffff, v51;
	v49 =	vld [tilespmem:s20+$0x2BF0]  }
0x317: {  	v56 =	vadd.s32 v15, v37;
	v51 =	vld [tilespmem:s20+$0x2BD0];
	_ =	sdelay $0x1  }
0x318: {  	[tilespmem:v61+s14+$0x0] =	vst.idx.msk $0xffff, v45  }
0x319: {  	v57 =	vadd.s32 v16, v35;
	[tilespmem:v62+s14+$0x0] =	vst.idx.msk $0xffff, v47;
	v45 =	vld [tilespmem:s16+$0x3220]  }
0x31a: {  	v58 =	vor.u32 v16, v36;
	v47 =	vld [tilespmem:s16+$0x3200];
	[tilespmem:v63+s14+$0x0] =	vst.idx.msk $0xffff, v49  }
0x31b: {  	v59 =	vadd.s32 v16, v38;
	[tilespmem:v56+s14+$0x0] =	vst.idx.msk $0xffff, v51;
	v49 =	vld [tilespmem:s20+$0x3220]  }
0x31c: {  	v60 =	vor.u32 v16, v37;
	v51 =	vld [tilespmem:s20+$0x3200];
	_ =	sdelay $0x1  }
0x31d: {  	[tilespmem:v57+s14+$0x0] =	vst.idx.msk $0xffff, v45  }
0x31e: {  	v61 =	vadd.s32 v17, v35;
	[tilespmem:v58+s14+$0x0] =	vst.idx.msk $0xffff, v47;
	v45 =	vld [tilespmem:s16+$0x3230]  }
0x31f: {  	v62 =	vadd.s32 v17, v36;
	v47 =	vld [tilespmem:s16+$0x3210];
	[tilespmem:v59+s14+$0x0] =	vst.idx.msk $0xffff, v49  }
0x320: {  	v63 =	vadd.s32 v17, v38;
	[tilespmem:v60+s14+$0x0] =	vst.idx.msk $0xffff, v51;
	v49 =	vld [tilespmem:s20+$0x3230]  }
0x321: {  	v56 =	vadd.s32 v17, v37;
	v51 =	vld [tilespmem:s20+$0x3210];
	_ =	sdelay $0x1  }
0x322: {  	[tilespmem:v61+s14+$0x0] =	vst.idx.msk $0xffff, v45  }
0x323: {  	v57 =	vadd.s32 v18, v35;
	[tilespmem:v62+s14+$0x0] =	vst.idx.msk $0xffff, v47;
	v45 =	vld [tilespmem:s16+$0x3860]  }
0x324: {  	v58 =	vor.u32 v18, v36;
	v47 =	vld [tilespmem:s16+$0x3840];
	[tilespmem:v63+s14+$0x0] =	vst.idx.msk $0xffff, v49  }
0x325: {  	v59 =	vadd.s32 v18, v38;
	[tilespmem:v56+s14+$0x0] =	vst.idx.msk $0xffff, v51;
	v49 =	vld [tilespmem:s20+$0x3860]  }
0x326: {  	v60 =	vor.u32 v18, v37;
	v51 =	vld [tilespmem:s20+$0x3840];
	_ =	sdelay $0x1  }
0x327: {  	[tilespmem:v57+s14+$0x0] =	vst.idx.msk $0xffff, v45  }
0x328: {  	v61 =	vadd.s32 v19, v35;
	[tilespmem:v58+s14+$0x0] =	vst.idx.msk $0xffff, v47;
	v45 =	vld [tilespmem:s16+$0x3870]  }
0x329: {  	v62 =	vadd.s32 v19, v36;
	v47 =	vld [tilespmem:s16+$0x3850];
	[tilespmem:v59+s14+$0x0] =	vst.idx.msk $0xffff, v49  }
0x32a: {  	v63 =	vadd.s32 v19, v38;
	[tilespmem:v60+s14+$0x0] =	vst.idx.msk $0xffff, v51;
	v49 =	vld [tilespmem:s20+$0x3870]  }
0x32b: {  	[tilespmem:v43+s14+$0x0] =	vst.idx.msk $0xffff, v41;
	v52 =	vadd.s32 v19, v37;
	v51 =	vld [tilespmem:s20+$0x3850]  }
0x32c: {  	[tilespmem:v44+s14+$0x0] =	vst.idx.msk $0xffff, v42  }
0x32d: {  	v53 =	vld [tilespmem:s15+$0x5DD0];
	v34 =	vadd.s32 v31, v34;
	[tilespmem:v61+s14+$0x0] =	vst.idx.msk $0xffff, v45  }
0x32e: {  	v55 =	vadd.s32 v20, v35;
	[tilespmem:v62+s14+$0x0] =	vst.idx.msk $0xffff, v47;
	v54 =	vld [tilespmem:s16+$0x3EA0]  }
0x32f: {  	v57 =	vor.u32 v20, v36;
	v56 =	vld [tilespmem:s16+$0x3E80];
	[tilespmem:v63+s14+$0x0] =	vst.idx.msk $0xffff, v49  }
0x330: {  	v59 =	vadd.s32 v20, v38;
	[tilespmem:v52+s14+$0x0] =	vst.idx.msk $0xffff, v51;
	v58 =	vld [tilespmem:s20+$0x3EA0]  }
0x331: {  	[tilespmem:v40+s14+$0x0] =	vst.idx.msk $0xffff, v39;
	v61 =	vor.u32 v20, v37;
	v60 =	vld [tilespmem:s20+$0x3E80]  }
0x332: {  	[tilespmem:v34+s14+$0x0] =	vst.idx.msk $0xffff, v53;
	v62 =	vld [tilespmem:s10+$0x3EB0];
	v63 =	vadd.s32 v21, v33  }
0x333: {  	v50 =	vld [tilespmem:s10+$0x3E90];
	[tilespmem:v55+s14+$0x0] =	vst.idx.msk $0xffff, v54;
	v51 =	vadd.s32 v21, v32  }
0x334: {  	[tilespmem:v57+s14+$0x0] =	vst.idx.msk $0xffff, v56;
	v44 =	vld [tilespmem:s16+$0x3EB0];
	v52 =	vadd.s32 v21, v35  }
0x335: {  	v53 =	vadd.s32 v21, v36;
	v46 =	vld [tilespmem:s16+$0x3E90];
	[tilespmem:v59+s14+$0x0] =	vst.idx.msk $0xffff, v58  }
0x336: {  	v55 =	vadd.s32 v21, v38;
	[tilespmem:v61+s14+$0x0] =	vst.idx.msk $0xffff, v60;
	v54 =	vld [tilespmem:s20+$0x3EB0]  }
0x337: {  	v57 =	vadd.s32 v21, v37;
	[tilespmem:v63+s14+$0x0] =	vst.idx.msk $0xffff, v62;
	v56 =	vld [tilespmem:s20+$0x3E90]  }
0x338: {  	[tilespmem:v51+s14+$0x0] =	vst.idx.msk $0xffff, v50;
	v58 =	vld [tilespmem:s10+$0x44E0];
	v59 =	vadd.s32 v22, v33  }
0x339: {  	[tilespmem:v52+s14+$0x0] =	vst.idx.msk $0xffff, v44;
	v60 =	vld [tilespmem:s10+$0x44C0];
	v61 =	vor.u32 v22, v32  }
0x33a: {  	[tilespmem:v53+s14+$0x0] =	vst.idx.msk $0xffff, v46;
	v62 =	vadd.s32 v22, v35;
	v44 =	vld [tilespmem:s16+$0x44E0]  }
0x33b: {  	v63 =	vor.u32 v22, v36;
	v46 =	vld [tilespmem:s16+$0x44C0];
	[tilespmem:v55+s14+$0x0] =	vst.idx.msk $0xffff, v54  }
0x33c: {  	v52 =	vadd.s32 v22, v38;
	[tilespmem:v57+s14+$0x0] =	vst.idx.msk $0xffff, v56;
	v39 =	vld [tilespmem:s20+$0x44E0]  }
0x33d: {  	[tilespmem:v59+s14+$0x0] =	vst.idx.msk $0xffff, v58;
	v54 =	vor.u32 v22, v37;
	v53 =	vld [tilespmem:s20+$0x44C0]  }
0x33e: {  	[tilespmem:v61+s14+$0x0] =	vst.idx.msk $0xffff, v60;
	v42 =	vld [tilespmem:s10+$0x44F0];
	v55 =	vadd.s32 v23, v33  }
0x33f: {  	[tilespmem:v62+s14+$0x0] =	vst.idx.msk $0xffff, v44;
	v48 =	vld [tilespmem:s10+$0x44D0];
	v56 =	vadd.s32 v23, v32  }
0x340: {  	[tilespmem:v63+s14+$0x0] =	vst.idx.msk $0xffff, v46;
	v44 =	vld [tilespmem:s16+$0x44F0];
	v57 =	vadd.s32 v23, v35  }
0x341: {  	v58 =	vadd.s32 v23, v36;
	v46 =	vld [tilespmem:s16+$0x44D0];
	[tilespmem:v52+s14+$0x0] =	vst.idx.msk $0xffff, v39  }
0x342: {  	v60 =	vadd.s32 v23, v38;
	[tilespmem:v54+s14+$0x0] =	vst.idx.msk $0xffff, v53;
	v59 =	vld [tilespmem:s20+$0x44F0]  }
0x343: {  	v62 =	vadd.s32 v23, v37;
	[tilespmem:v55+s14+$0x0] =	vst.idx.msk $0xffff, v42;
	v61 =	vld [tilespmem:s20+$0x44D0]  }
0x344: {  	v63 =	vadd.s32 v24, v33;
	[tilespmem:v56+s14+$0x0] =	vst.idx.msk $0xffff, v48;
	v42 =	vld [tilespmem:s10+$0x4B20]  }
0x345: {  	[tilespmem:v57+s14+$0x0] =	vst.idx.msk $0xffff, v44;
	v48 =	vld [tilespmem:s10+$0x4B00];
	v52 =	vor.u32 v24, v32  }
0x346: {  	[tilespmem:v58+s14+$0x0] =	vst.idx.msk $0xffff, v46;
	v44 =	vld [tilespmem:s16+$0x4B20];
	v53 =	vadd.s32 v24, v35  }
0x347: {  	v46 =	vld [tilespmem:s16+$0x4B00];
	v54 =	vor.u32 v24, v36;
	[tilespmem:v60+s14+$0x0] =	vst.idx.msk $0xffff, v59  }
0x348: {  	v55 =	vadd.s32 v24, v38;
	[tilespmem:v62+s14+$0x0] =	vst.idx.msk $0xffff, v61;
	v34 =	vld [tilespmem:s20+$0x4B20]  }
0x349: {  	v56 =	vor.u32 v24, v37;
	[tilespmem:v63+s14+$0x0] =	vst.idx.msk $0xffff, v42;
	v40 =	vld [tilespmem:s20+$0x4B00]  }
0x34a: {  	v57 =	vadd.s32 v25, v33;
	[tilespmem:v52+s14+$0x0] =	vst.idx.msk $0xffff, v48;
	v42 =	vld [tilespmem:s10+$0x4B30]  }
0x34b: {  	v58 =	vadd.s32 v25, v32;
	[tilespmem:v53+s14+$0x0] =	vst.idx.msk $0xffff, v44;
	v48 =	vld [tilespmem:s10+$0x4B10]  }
0x34c: {  	[tilespmem:v54+s14+$0x0] =	vst.idx.msk $0xffff, v46;
	v44 =	vld [tilespmem:s16+$0x4B30];
	v59 =	vadd.s32 v25, v35  }
0x34d: {  	v46 =	vld [tilespmem:s16+$0x4B10];
	v60 =	vadd.s32 v25, v36;
	[tilespmem:v55+s14+$0x0] =	vst.idx.msk $0xffff, v34  }
0x34e: {  	v61 =	vadd.s32 v25, v38;
	[tilespmem:v56+s14+$0x0] =	vst.idx.msk $0xffff, v40;
	v34 =	vld [tilespmem:s20+$0x4B30]  }
0x34f: {  	v62 =	vadd.s32 v25, v37;
	[tilespmem:v57+s14+$0x0] =	vst.idx.msk $0xffff, v42;
	v40 =	vld [tilespmem:s20+$0x4B10]  }
0x350: {  	v63 =	vadd.s32 v26, v33;
	[tilespmem:v58+s14+$0x0] =	vst.idx.msk $0xffff, v48;
	v42 =	vld [tilespmem:s10+$0x5160]  }
0x351: {  	v52 =	vor.u32 v26, v32;
	[tilespmem:v59+s14+$0x0] =	vst.idx.msk $0xffff, v44;
	v48 =	vld [tilespmem:s10+$0x5140]  }
0x352: {  	v53 =	vadd.s32 v26, v35;
	[tilespmem:v60+s14+$0x0] =	vst.idx.msk $0xffff, v46;
	v44 =	vld [tilespmem:s16+$0x5160]  }
0x353: {  	v54 =	vor.u32 v26, v36;
	v46 =	vld [tilespmem:s16+$0x5140];
	[tilespmem:v61+s14+$0x0] =	vst.idx.msk $0xffff, v34  }
0x354: {  	v55 =	vadd.s32 v26, v38;
	[tilespmem:v62+s14+$0x0] =	vst.idx.msk $0xffff, v40;
	v34 =	vld [tilespmem:s20+$0x5160]  }
0x355: {  	v56 =	vor.u32 v26, v37;
	[tilespmem:v63+s14+$0x0] =	vst.idx.msk $0xffff, v42;
	v40 =	vld [tilespmem:s20+$0x5140]  }
0x356: {  	v57 =	vadd.s32 v27, v33;
	[tilespmem:v52+s14+$0x0] =	vst.idx.msk $0xffff, v48;
	v42 =	vld [tilespmem:s10+$0x5170]  }
0x357: {  	v58 =	vadd.s32 v27, v32;
	[tilespmem:v53+s14+$0x0] =	vst.idx.msk $0xffff, v44;
	v48 =	vld [tilespmem:s10+$0x5150]  }
0x358: {  	v59 =	vadd.s32 v27, v35;
	[tilespmem:v54+s14+$0x0] =	vst.idx.msk $0xffff, v46;
	v44 =	vld [tilespmem:s16+$0x5170]  }
0x359: {  	v60 =	vadd.s32 v27, v36;
	v46 =	vld [tilespmem:s16+$0x5150];
	[tilespmem:v55+s14+$0x0] =	vst.idx.msk $0xffff, v34  }
0x35a: {  	v61 =	vadd.s32 v27, v38;
	[tilespmem:v56+s14+$0x0] =	vst.idx.msk $0xffff, v40;
	v34 =	vld [tilespmem:s20+$0x5170]  }
0x35b: {  	v62 =	vadd.s32 v27, v37;
	[tilespmem:v57+s14+$0x0] =	vst.idx.msk $0xffff, v42;
	v40 =	vld [tilespmem:s20+$0x5150]  }
0x35c: {  	v63 =	vadd.s32 v28, v33;
	[tilespmem:v58+s14+$0x0] =	vst.idx.msk $0xffff, v48;
	v42 =	vld [tilespmem:s10+$0x57A0]  }
0x35d: {  	v52 =	vor.u32 v28, v32;
	[tilespmem:v59+s14+$0x0] =	vst.idx.msk $0xffff, v44;
	v48 =	vld [tilespmem:s10+$0x5780]  }
0x35e: {  	v53 =	vadd.s32 v28, v35;
	[tilespmem:v60+s14+$0x0] =	vst.idx.msk $0xffff, v46;
	v44 =	vld [tilespmem:s16+$0x57A0]  }
0x35f: {  	v54 =	vor.u32 v28, v36;
	v46 =	vld [tilespmem:s16+$0x5780];
	[tilespmem:v61+s14+$0x0] =	vst.idx.msk $0xffff, v34  }
0x360: {  	v55 =	vadd.s32 v28, v38;
	[tilespmem:v62+s14+$0x0] =	vst.idx.msk $0xffff, v40;
	v34 =	vld [tilespmem:s20+$0x57A0]  }
0x361: {  	v56 =	vor.u32 v28, v37;
	[tilespmem:v63+s14+$0x0] =	vst.idx.msk $0xffff, v42;
	v40 =	vld [tilespmem:s20+$0x5780]  }
0x362: {  	v57 =	vadd.s32 v29, v33;
	[tilespmem:v52+s14+$0x0] =	vst.idx.msk $0xffff, v48;
	v42 =	vld [tilespmem:s10+$0x57B0]  }
0x363: {  	v58 =	vadd.s32 v29, v32;
	[tilespmem:v53+s14+$0x0] =	vst.idx.msk $0xffff, v44;
	v48 =	vld [tilespmem:s10+$0x5790]  }
0x364: {  	v59 =	vadd.s32 v29, v35;
	[tilespmem:v54+s14+$0x0] =	vst.idx.msk $0xffff, v46;
	v44 =	vld [tilespmem:s16+$0x57B0]  }
0x365: {  	v60 =	vadd.s32 v29, v36;
	v46 =	vld [tilespmem:s16+$0x5790];
	[tilespmem:v55+s14+$0x0] =	vst.idx.msk $0xffff, v34  }
0x366: {  	v61 =	vadd.s32 v29, v38;
	[tilespmem:v56+s14+$0x0] =	vst.idx.msk $0xffff, v40;
	v34 =	vld [tilespmem:s20+$0x57B0]  }
0x367: {  	v62 =	vadd.s32 v29, v37;
	[tilespmem:v57+s14+$0x0] =	vst.idx.msk $0xffff, v42;
	v40 =	vld [tilespmem:s20+$0x5790]  }
0x368: {  	v63 =	vadd.s32 v30, v33;
	[tilespmem:v58+s14+$0x0] =	vst.idx.msk $0xffff, v48;
	v42 =	vld [tilespmem:s10+$0x5DE0]  }
0x369: {  	v52 =	vor.u32 v30, v32;
	[tilespmem:v59+s14+$0x0] =	vst.idx.msk $0xffff, v44;
	v48 =	vld [tilespmem:s10+$0x5DC0]  }
0x36a: {  	v53 =	vadd.s32 v30, v35;
	[tilespmem:v60+s14+$0x0] =	vst.idx.msk $0xffff, v46;
	v44 =	vld [tilespmem:s16+$0x5DE0]  }
0x36b: {  	v54 =	vor.u32 v30, v36;
	v46 =	vld [tilespmem:s16+$0x5DC0];
	[tilespmem:v61+s14+$0x0] =	vst.idx.msk $0xffff, v34  }
0x36c: {  	v55 =	vadd.s32 v30, v38;
	[tilespmem:v62+s14+$0x0] =	vst.idx.msk $0xffff, v40;
	v34 =	vld [tilespmem:s20+$0x5DE0]  }
0x36d: {  	v56 =	vor.u32 v30, v37;
	[tilespmem:v63+s14+$0x0] =	vst.idx.msk $0xffff, v42;
	v40 =	vld [tilespmem:s20+$0x5DC0]  }
0x36e: {  	v57 =	vadd.s32 v31, v33;
	[tilespmem:v52+s14+$0x0] =	vst.idx.msk $0xffff, v48;
	v42 =	vld [tilespmem:s10+$0x5DF0]  }
0x36f: {  	v59 =	vadd.s32 v31, v32;
	[tilespmem:v53+s14+$0x0] =	vst.idx.msk $0xffff, v44;
	v58 =	vld [tilespmem:s10+$0x5DD0]  }
0x370: {  	v60 =	vadd.s32 v31, v35;
	[tilespmem:v54+s14+$0x0] =	vst.idx.msk $0xffff, v46;
	v44 =	vld [tilespmem:s16+$0x5DF0]  }
0x371: {  	v61 =	vld [tilespmem:s16+$0x5DD0];
	v62 =	vadd.s32 v31, v36;
	[tilespmem:v55+s14+$0x0] =	vst.idx.msk $0xffff, v34  }
0x372: {  	v38 =	vadd.s32 v31, v38;
	[tilespmem:v56+s14+$0x0] =	vst.idx.msk $0xffff, v40;
	v34 =	vld [tilespmem:s20+$0x5DF0]  }
0x373: {  	v37 =	vadd.s32 v31, v37;
	[tilespmem:v57+s14+$0x0] =	vst.idx.msk $0xffff, v42;
	v63 =	vld [tilespmem:s20+$0x5DD0]  }
0x374: {  	[tilespmem:v59+s14+$0x0] =	vst.idx.msk $0xffff, v58  }
0x375: {  	s21 =	sshll.u32 s7, $0x5;
	[tilespmem:v60+s14+$0x0] =	vst.idx.msk $0xffff, v44  }
0x376: {  	s10 =	sadd.s32 s4, s21;
	[tilespmem:v62+s14+$0x0] =	vst.idx.msk $0xffff, v61  }
0x377: {  	s10 =	sshrl.u32 s10, $0x3;
	[tilespmem:v38+s14+$0x0] =	vst.idx.msk $0xffff, v34  }
0x378: {  	s22 =	simm.s32 $0xCF00;
	s15 =	simm.s32 $0x60;
	s10 =	sadd.s32 s6, s10;
	[tilespmem:v37+s14+$0x0] =	vst.idx.msk $0xffff, v63  }
0x379: {  	[hbm4b:s10+s3] =	stream.linear.scatter [tilespmem:s22], [sflag:$0x5], $0x10, $0x38;
	[tilespmem:$0x1FB00] =	vst v63  }
.LBB2_13:
0x37a: {  	p0 =	sne.s32 s15, $0x257A0  }
.Ltmp10:
0x37b: {  	_ = 	snop;
	(pc) =	sbr.rel @p0 .LBB2_13-.Ltmp10, $4  }
0x37c: {  	_ = 	snop  }
0x37d: {  	s16 =	sshra.s32 s15, $0x2;
	s15 =	sadd.s32 $0x60, s15  }
0x37e: {  	s10 =	sadd.s32 $0x800, s10;
	s16 =	sadd.s32 $0xCF00, s16  }
0x37f: {  	[hbm4b:s10+s3] =	stream.linear.scatter [tilespmem:s16], [sflag:$0x5], $0x10, $0x38;
	[tilespmem:$0x1FB00] =	vst v63  }
.Ltmp11:
0x380: {  	_ = 	snop;
	(pc) =	sbr.rel .LBB2_14-.Ltmp11, $1  }
0x381: {  	_ =	sdelay $0x3  }
.LBB2_16:
0x382: {  	_ =	sfence.sel $0x180000  }
0x383: {  	[bflag:$0x0] =	sbarrier.arrive $0xFFFF  }
0x384: {  	_ =	strace $0x90000047  }
0x385: {  	s0 =	stileid.u32;
	[bflag:$0x2] =	sbarrier.arrive $0xFFFF  }
0x386: {  	p0 =	sne.s32 s0, $0x0;
	s0 =	rddreg [dreg:$0x2]  }
0x387: {  	s0 =	sadd.s32 @!p0 $0x100000, s0  }
0x388: {  	[sflag:s0] =	ssyncadd.tile.s32 @!p0 $0x1;
	_ =	shalt  }
.Lfunc_end2:
_tile_overlayer_lowered:
.L_overlay_start_2:
0x389: {  	(tag) =	ssettag $0x2  }
0x38a: {  	s0 =	rddreg [dreg:$0x0];
	s2 =	stileid.u32  }
0x38b: {  	s1 =	rddreg [dreg:$0x1];
	p0 =	sne.s32 s2, $0x0  }
0x38c: {  	s3 =	rddreg [dreg:$0x2];
	[bflag:$0x3] =	sbarrier.arrive $0xFFFF;
	s2 =	simm.s32 @!p0 $0x1C07  }
0x38d: {  	[timem:s3], [sflag:s2] =	dma.local @!p0 [hbm:s0], s1  }
0x38e: {  	s0 =	simm.s32 @!p0 $0x7  }
0x38f: {  	_ =	swait.ge @!p0 [sflag:s0], s1  }
0x390: {  	s1 =	ssub.s32 @!p0 $0x0, s1;
	[sflag:s0] =	ssyncset.done @!p0 $0x0  }
0x391: {  	[sflag:s0] =	ssyncadd.s32 @!p0 s1  }
0x392: {  	[bflag:$0x3] =	sbarrier.arrive $0xFFFF  }
0x393: {  	_ =	shalt  }

</sc_bundles>
